<compile_context>
chip_gen: v7x
topology: tpu7x:2x2x1
jax: 0.10.2.dev20260603
libtpu: 0.0.44.dev20260713+nightly
codegen_flags: <defaults>
</compile_context>

<pallas_src>
import functools

import jax
import jax.numpy as jnp
from jax import lax
from jax.experimental import pallas as pl
from jax.experimental.pallas import tpu as pltpu
from jax.experimental.pallas import tpu_sc as plsc

N = 100000
E = 3200000
F = 16
B = 1024
TD = 8
H = 128

NC = 2
NS = 16
NW = NC * NS
NSLICE = 6272
NP = NS * NSLICE
EP_ROWS = 25088
EP = EP_ROWS * 128
CE1 = 512
CE2 = 784
ET1 = EP // NW
ET2 = EP // NS

BN = 2000
GRID_N = N // BN


def _elu(v):
    return jnp.where(v > 0, v, jnp.exp(v) - 1.0)


def _sc_mesh():
    return plsc.VectorSubcoreMesh(core_axis_name="c", subcore_axis_name="s",
                                  num_cores=NC, num_subcores=NS)


_SC_PARAMS = pltpu.CompilerParams(use_tc_tiling_on_sc=False)


def _sc_pass1(xt, srcp, dstp, zagg, zcnt):
    mesh = _sc_mesh()

    @functools.partial(
        pl.kernel,
        out_type=[
            jax.ShapeDtypeStruct((NC, NP, F), jnp.float32),
            jax.ShapeDtypeStruct((NC, NP), jnp.float32),
        ],
        mesh=mesh,
        compiler_params=_SC_PARAMS,
        scratch_types=[
            pltpu.VMEM((CE1,), jnp.int32),
            pltpu.VMEM((CE1,), jnp.int32),
            pltpu.VMEM((CE1,), jnp.int32),
            pltpu.VMEM((CE1,), jnp.int32),
            pltpu.VMEM((CE1, F), jnp.float32),
            pltpu.VMEM((CE1, F), jnp.float32),
            pltpu.VMEM((CE1,), jnp.float32),
        ] + [pltpu.SemaphoreType.DMA] * 8 + [
            pltpu.VMEM_SHARED((NP, F), jnp.float32),
            pltpu.VMEM_SHARED((NP,), jnp.float32),
        ],
    )
    def k(xt_hbm, src_hbm, dst_hbm, zagg_hbm, zcnt_hbm, aggp_hbm, cntp_hbm,
          sx0, sx1, dx0, dx1, rows0, rows1, ones,
          si0, si1, sg0, sg1, ss0, ss1, sc0, sc1, agg_sh, cnt_sh):
        cid = lax.axis_index("c")
        sid = lax.axis_index("s")
        wid = cid * NS + sid
        for t in range(CE1 // 16):
            ones[pl.ds(t * 16, 16)] = jnp.ones((16,), jnp.float32)
        sl = pl.ds(sid * NSLICE, NSLICE)
        pltpu.sync_copy(zagg_hbm, agg_sh.at[sl])
        pltpu.sync_copy(zcnt_hbm, cnt_sh.at[sl])
        plsc.subcore_barrier()

        nch = (EP // CE1) // NW
        e0b = wid * nch * CE1

        def load_idx(c, sx, dx, sem):
            pltpu.async_copy(src_hbm.at[pl.ds(e0b + c * CE1, CE1)], sx, sem)
            pltpu.async_copy(dst_hbm.at[pl.ds(e0b + c * CE1, CE1)], dx, sem)

        def wait_idx(c, sx, dx, sem):
            pltpu.make_async_copy(src_hbm.at[pl.ds(e0b + c * CE1, CE1)], sx, sem).wait()
            pltpu.make_async_copy(dst_hbm.at[pl.ds(e0b + c * CE1, CE1)], dx, sem).wait()

        load_idx(0, sx0, dx0, si0)

        @pl.loop(0, nch, step=2)
        def _(i):
            wait_idx(i, sx0, dx0, si0)
            pltpu.async_copy(xt_hbm.at[sx0], rows0, sg0)

            @pl.when(i > 0)
            def _():
                pltpu.make_async_copy(rows1, agg_sh.at[dx1], ss1).wait()
                pltpu.make_async_copy(ones, cnt_sh.at[dx1], sc1).wait()

            load_idx(i + 1, sx1, dx1, si1)
            pltpu.make_async_copy(xt_hbm.at[sx0], rows0, sg0).wait()
            pltpu.async_copy(rows0, agg_sh.at[dx0], ss0, add=True)
            pltpu.async_copy(ones, cnt_sh.at[dx0], sc0, add=True)

            wait_idx(i + 1, sx1, dx1, si1)
            pltpu.async_copy(xt_hbm.at[sx1], rows1, sg1)
            pltpu.make_async_copy(rows0, agg_sh.at[dx0], ss0).wait()
            pltpu.make_async_copy(ones, cnt_sh.at[dx0], sc0).wait()

            @pl.when(i + 2 < nch)
            def _():
                load_idx(i + 2, sx0, dx0, si0)

            pltpu.make_async_copy(xt_hbm.at[sx1], rows1, sg1).wait()
            pltpu.async_copy(rows1, agg_sh.at[dx1], ss1, add=True)
            pltpu.async_copy(ones, cnt_sh.at[dx1], sc1, add=True)

        pltpu.make_async_copy(rows1, agg_sh.at[dx1], ss1).wait()
        pltpu.make_async_copy(ones, cnt_sh.at[dx1], sc1).wait()
        plsc.subcore_barrier()
        pltpu.sync_copy(agg_sh.at[sl], aggp_hbm.at[cid].at[sl])
        pltpu.sync_copy(cnt_sh.at[sl], cntp_hbm.at[cid].at[sl])

    return k(xt, srcp, dstp, zagg, zcnt)


def _sc_pass2(ta, tb, srcp, dstp, zagg):
    mesh = _sc_mesh()

    @functools.partial(
        pl.kernel,
        out_type=jax.ShapeDtypeStruct((NC, NP, F), jnp.float32),
        mesh=mesh,
        compiler_params=_SC_PARAMS,
        scratch_types=[
            pltpu.VMEM((CE2,), jnp.int32),
            pltpu.VMEM((CE2,), jnp.int32),
            pltpu.VMEM((CE2,), jnp.int32),
            pltpu.VMEM((CE2,), jnp.int32),
            pltpu.VMEM((CE2, F), jnp.float32),
            pltpu.VMEM((CE2, F), jnp.float32),
        ] + [pltpu.SemaphoreType.DMA] * 6 + [
            pltpu.VMEM_SHARED((NP, F), jnp.float32),
        ],
    )
    def k(ta_hbm, tb_hbm, src_hbm, dst_hbm, zagg_hbm, aggp_hbm,
          sx0, sx1, dx0, dx1, rows0, rows1, si0, si1, sg0, sg1, ss0, ss1, agg_sh):
        cid = lax.axis_index("c")
        sid = lax.axis_index("s")
        sl = pl.ds(sid * NSLICE, NSLICE)
        pltpu.sync_copy(zagg_hbm, agg_sh.at[sl])
        plsc.subcore_barrier()

        def edge_loop(tab_hbm):
            nch = (EP // CE2) // NS
            e0b = sid * nch * CE2

            def load_idx(c, sx, dx, sem):
                pltpu.async_copy(src_hbm.at[pl.ds(e0b + c * CE2, CE2)], sx, sem)
                pltpu.async_copy(dst_hbm.at[pl.ds(e0b + c * CE2, CE2)], dx, sem)

            def wait_idx(c, sx, dx, sem):
                pltpu.make_async_copy(src_hbm.at[pl.ds(e0b + c * CE2, CE2)], sx, sem).wait()
                pltpu.make_async_copy(dst_hbm.at[pl.ds(e0b + c * CE2, CE2)], dx, sem).wait()

            load_idx(0, sx0, dx0, si0)

            @pl.loop(0, nch, step=2)
            def _(i):
                wait_idx(i, sx0, dx0, si0)
                pltpu.async_copy(tab_hbm.at[sx0], rows0, sg0)

                @pl.when(i > 0)
                def _():
                    pltpu.make_async_copy(rows1, agg_sh.at[dx1], ss1).wait()

                load_idx(i + 1, sx1, dx1, si1)
                pltpu.make_async_copy(tab_hbm.at[sx0], rows0, sg0).wait()
                pltpu.async_copy(rows0, agg_sh.at[dx0], ss0, add=True)

                wait_idx(i + 1, sx1, dx1, si1)
                pltpu.async_copy(tab_hbm.at[sx1], rows1, sg1)
                pltpu.make_async_copy(rows0, agg_sh.at[dx0], ss0).wait()

                @pl.when(i + 2 < nch)
                def _():
                    load_idx(i + 2, sx0, dx0, si0)

                pltpu.make_async_copy(tab_hbm.at[sx1], rows1, sg1).wait()
                pltpu.async_copy(rows1, agg_sh.at[dx1], ss1, add=True)

            pltpu.make_async_copy(rows1, agg_sh.at[dx1], ss1).wait()

        @pl.when(cid == 0)
        def _():
            edge_loop(ta_hbm)

        @pl.when(cid == 1)
        def _():
            edge_loop(tb_hbm)

        plsc.subcore_barrier()
        pltpu.sync_copy(agg_sh.at[sl], aggp_hbm.at[cid].at[sl])

    return k(ta, tb, srcp, dstp, zagg)


NP8 = NP // 8
BNP = 256
NPK_LAST = N // 8 - (NP8 // BNP - 1) * BNP


def _dense1(aggp8, cnt8, xp, KWl1, bl1t, KWr1, KW2a, KW2b, KWra, KWrb, G512):
    def body(ap_ref, cp_ref, xp_ref, kwl1_ref, bl1_ref, kwr1_ref,
             kw2a_ref, kw2b_ref, kwra_ref, kwrb_ref, g512_ref,
             p1a_ref, p1b_ref, qa_ref, qb_ref, cs_ref):
        agg = ap_ref[0] + ap_ref[1]
        cs = 1.0 / jnp.maximum(cp_ref[0] + cp_ref[1], 1.0)
        mean = agg * cs
        o = (jnp.dot(mean, kwl1_ref[...], preferred_element_type=jnp.float32)
             + bl1_ref[...]
             + jnp.dot(xp_ref[...], kwr1_ref[...],
                       preferred_element_type=jnp.float32))
        ss = jnp.dot(o * o, g512_ref[...], preferred_element_type=jnp.float32)
        o = o / jnp.maximum(jnp.sqrt(ss), 1e-12)
        h = _elu(o)
        p1a_ref[...] = jnp.dot(h, kw2a_ref[...],
                               preferred_element_type=jnp.float32)
        p1b_ref[...] = jnp.dot(h, kw2b_ref[...],
                               preferred_element_type=jnp.float32)
        qa_ref[...] = jnp.dot(h, kwra_ref[...],
                              preferred_element_type=jnp.float32)
        qb_ref[...] = jnp.dot(h, kwrb_ref[...],
                              preferred_element_type=jnp.float32)
        cs_ref[...] = cs

    full = lambda shape: pl.BlockSpec(shape, lambda i: tuple(0 for _ in shape))
    bs = pl.BlockSpec((BNP, 128), lambda i: (i, 0))
    return pl.pallas_call(
        body,
        grid=(NP8 // BNP,),
        in_specs=[
            pl.BlockSpec((NC, BNP, 128), lambda i: (0, i, 0)),
            pl.BlockSpec((NC, BNP, 128), lambda i: (0, i, 0)),
            bs,
            full((128, 512)), full((1, 512)), full((128, 512)),
            full((512, 128)), full((512, 128)),
            full((512, 128)), full((512, 128)),
            full((512, 512)),
        ],
        out_specs=[bs, bs, bs, bs, bs],
        out_shape=[jax.ShapeDtypeStruct((NP8, 128), jnp.float32)] * 5,
    )(aggp8, cnt8, xp, KWl1, bl1t, KWr1, KW2a, KW2b, KWra, KWrb, G512)


def _dense2(a2p8, cs8, qa8, qb8, bl2at, bl2bt, G128, theta,
            Wfc, bfc, Wn1, bn1, Wn2, bn2, Wn3, bn3, Wn4, bn4, Wno, bno):
    grid_n = NP8 // BNP
    dnT = (((1,), (1,)), ((), ()))

    def body(a2_ref, cs_ref, qa_ref, qb_ref, b2a_ref, b2b_ref, g128_ref,
             th_ref, wfc_ref, bfc_ref, w1_ref, b1_ref, w2_ref, b2_ref,
             w3_ref, b3_ref, w4_ref, b4_ref, wo_ref, bo_ref,
             gma_ref, gmb_ref, lp_ref):
        cs = cs_ref[...]
        oa = a2_ref[0] * cs + b2a_ref[...] + qa_ref[...]
        ob = a2_ref[1] * cs + b2b_ref[...] + qb_ref[...]
        ss = (jnp.dot(oa * oa, g128_ref[...],
                      preferred_element_type=jnp.float32)
              + jnp.dot(ob * ob, g128_ref[...],
                        preferred_element_type=jnp.float32))
        inv = 1.0 / jnp.maximum(jnp.sqrt(ss), 1e-12)
        ha = _elu(oa * inv)
        hb = _elu(ob * inv)
        rowid = lax.broadcasted_iota(jnp.int32, (BNP, 1), 0)
        lim = jnp.where(pl.program_id(0) == grid_n - 1, NPK_LAST, BNP)
        ninf = jnp.float32(-jnp.inf)
        ma = jnp.max(jnp.where(rowid < lim, ha, ninf), axis=0, keepdims=True)
        mb = jnp.max(jnp.where(rowid < lim, hb, ninf), axis=0, keepdims=True)

        @pl.when(pl.program_id(0) == 0)
        def _():
            gma_ref[...] = jnp.full((1, 128), -jnp.inf, jnp.float32)
            gmb_ref[...] = jnp.full((1, 128), -jnp.inf, jnp.float32)

        gma_ref[...] = jnp.maximum(gma_ref[...], ma)
        gmb_ref[...] = jnp.maximum(gmb_ref[...], mb)

        @pl.when(pl.program_id(0) == grid_n - 1)
        def _():
            va = gma_ref[...]
            vb = gmb_ref[...]
            ga = va[:, 0:F]
            gb = vb[:, 0:F]
            for r in range(1, 8):
                ga = jnp.maximum(ga, va[:, r * F:(r + 1) * F])
                gb = jnp.maximum(gb, vb[:, r * F:(r + 1) * F])
            g = _elu(jnp.concatenate([ga, gb], axis=1))
            gf = lax.dot_general(g, wfc_ref[...], dnT,
                                 preferred_element_type=jnp.float32) + bfc_ref[...]
            c = gf
            for w_ref, b_ref in ((w1_ref, b1_ref), (w2_ref, b2_ref),
                                 (w3_ref, b3_ref), (w4_ref, b4_ref)):
                c = _elu(lax.dot_general(c, w_ref[...], dnT,
                                         preferred_element_type=jnp.float32)
                         + b_ref[...])
            st = lax.dot_general(c, wo_ref[...], dnT,
                                 preferred_element_type=jnp.float32) + bo_ref[...]
            mu = st[:, :TD]
            ls = st[:, TD:]
            z = (th_ref[...] - mu) * jnp.exp(-ls)
            const = jnp.sum(ls) + 0.5 * TD * jnp.log(2.0 * jnp.pi)
            lp_ref[...] = (-0.5 * jnp.sum(z * z, axis=1, keepdims=True)
                           - const)

    full = lambda shape: pl.BlockSpec(shape, lambda i: tuple(0 for _ in shape))
    bs = pl.BlockSpec((BNP, 128), lambda i: (i, 0))
    _, _, lp = pl.pallas_call(
        body,
        grid=(grid_n,),
        in_specs=[
            pl.BlockSpec((NC, BNP, 128), lambda i: (0, i, 0)),
            bs, bs, bs,
            full((1, 128)), full((1, 128)), full((128, 128)),
            full((B, TD)),
            full((F, 2 * F)), full((1, F)),
            full((H, F)), full((1, H)),
            full((H, H)), full((1, H)),
            full((H, H)), full((1, H)),
            full((H, H)), full((1, H)),
            full((2 * TD, H)), full((1, 2 * TD)),
        ],
        out_specs=[
            pl.BlockSpec((1, 128), lambda i: (0, 0)),
            pl.BlockSpec((1, 128), lambda i: (0, 0)),
            pl.BlockSpec((B, 1), lambda i: (0, 0)),
        ],
        out_shape=[
            jax.ShapeDtypeStruct((1, 128), jnp.float32),
            jax.ShapeDtypeStruct((1, 128), jnp.float32),
            jax.ShapeDtypeStruct((B, 1), jnp.float32),
        ],
    )(a2p8, cs8, qa8, qb8, bl2at, bl2bt, G128, theta,
      Wfc, bfc.reshape(1, F), Wn1, bn1.reshape(1, H), Wn2, bn2.reshape(1, H),
      Wn3, bn3.reshape(1, H), Wn4, bn4.reshape(1, H), Wno,
      bno.reshape(1, 2 * TD))
    return lp


def kernel(theta, x, edge_index, Wl1, bl1, Wr1, Wl2, bl2, Wr2, Wfc, bfc,
           Wn1, bn1, Wn2, bn2, Wn3, bn3, Wn4, bn4, Wno, bno):
    src = edge_index[0].astype(jnp.int32)
    dst = edge_index[1].astype(jnp.int32)
    pad = EP - E
    srcp = jnp.concatenate([src, jnp.zeros((pad,), jnp.int32)])
    dstp = jnp.concatenate([dst, jnp.full((pad,), N, jnp.int32)])
    zagg = jnp.zeros((NSLICE, F), jnp.float32)
    zcnt = jnp.zeros((NSLICE,), jnp.float32)

    I8 = jnp.eye(8, dtype=jnp.float32)
    KWl1 = jnp.kron(I8, Wl1.T)
    KWr1 = jnp.kron(I8, Wr1.T)
    KW2a = jnp.kron(I8, Wl2[:F].T)
    KW2b = jnp.kron(I8, Wl2[F:].T)
    KWra = jnp.kron(I8, Wr2[:F].T)
    KWrb = jnp.kron(I8, Wr2[F:].T)
    bl1t = jnp.tile(bl1, 8).reshape(1, 512)
    bl2at = jnp.tile(bl2[:F], 8).reshape(1, 128)
    bl2bt = jnp.tile(bl2[F:], 8).reshape(1, 128)
    G512 = jnp.kron(I8, jnp.ones((4 * F, 4 * F), jnp.float32))
    G128 = jnp.kron(I8, jnp.ones((F, F), jnp.float32))

    xflat = jnp.concatenate([x.reshape(N * F),
                             jnp.zeros(((NP - N) * F,), jnp.float32)])
    aggp, cntp = _sc_pass1(xflat.reshape(NP, F), srcp, dstp, zagg, zcnt)
    aggp8 = aggp.reshape(NC, NP8, 128)
    cnt8 = jnp.broadcast_to(cntp[:, :, None], (NC, NP, F)).reshape(NC, NP8, 128)
    xp = xflat.reshape(NP8, 128)

    p1a8, p1b8, qa8, qb8, cs8 = _dense1(aggp8, cnt8, xp, KWl1, bl1t, KWr1,
                                        KW2a, KW2b, KWra, KWrb, G512)
    agg2p = _sc_pass2(p1a8.reshape(NP, F), p1b8.reshape(NP, F),
                      srcp, dstp, zagg)
    lp = _dense2(agg2p.reshape(NC, NP8, 128), cs8, qa8, qb8,
                 bl2at, bl2bt, G128, theta, Wfc, bfc, Wn1, bn1, Wn2, bn2,
                 Wn3, bn3, Wn4, bn4, Wno, bno)
    return lp.reshape(B)

# --- scband reference (transcript-rebuilt; emitter-appended) ---
"""Pipeline reference for scband-graph-flow-feature-extractor-48361331753074 (READ-ONLY COPY).

The authoritative reference and input builder live on the scoring server;
editing this copy changes nothing except your own understanding.
"""

import jax, jax.numpy as jnp
import numpy as np

N = 100000
E = 3200000
F = 16
B = 1024
TD = 8
H = 128


def setup_inputs(seed: int = 0) -> dict:
    key = jax.random.key(seed)
    ks = jax.random.split(key, 24)

    def gl(k, shape, fan_in):
        return jax.random.normal(k, shape, dtype=jnp.float32) * (1.0 / np.sqrt(fan_in))

    inp = {
        "theta": jax.random.normal(ks[0], (B, TD), dtype=jnp.float32),
        "x": jax.random.normal(ks[1], (N, F), dtype=jnp.float32),
        "edge_index": jax.random.randint(ks[2], (2, E), 0, N, dtype=jnp.int64),
        # SAGEConv1: F -> 4F
        "Wl1": gl(ks[3], (4 * F, F), F), "bl1": jnp.zeros((4 * F,), jnp.float32), "Wr1": gl(ks[4], (4 * F, F), F),
        # SAGEConv2: 4F -> 2F
        "Wl2": gl(ks[5], (2 * F, 4 * F), 4 * F), "bl2": jnp.zeros((2 * F,), jnp.float32), "Wr2": gl(ks[6], (2 * F, 4 * F), 4 * F),
        # fc: 2F -> F
        "Wfc": gl(ks[7], (F, 2 * F), 2 * F), "bfc": jnp.zeros((F,), jnp.float32),
        # NPE conditioner MLP: F -> H x4 -> 2*TD
        "Wn1": gl(ks[8], (H, F), F), "bn1": jnp.zeros((H,), jnp.float32),
        "Wn2": gl(ks[9], (H, H), H), "bn2": jnp.zeros((H,), jnp.float32),
        "Wn3": gl(ks[10], (H, H), H), "bn3": jnp.zeros((H,), jnp.float32),
        "Wn4": gl(ks[11], (H, H), H), "bn4": jnp.zeros((H,), jnp.float32),
        "Wno": gl(ks[12], (2 * TD, H), H), "bno": jnp.zeros((2 * TD,), jnp.float32),
    }
    return inp


def reference(theta, x, edge_index, Wl1, bl1, Wr1, Wl2, bl2, Wr2, Wfc, bfc,
              Wn1, bn1, Wn2, bn2, Wn3, bn3, Wn4, bn4, Wno, bno):
    src = edge_index[0]
    dst = edge_index[1]

    def sage(h, Wl, bl, Wr):
        # mean aggregation of neighbor messages (PyG SAGEConv, aggr='mean')
        agg = jax.ops.segment_sum(h[src], dst, num_segments=N)
        cnt = jax.ops.segment_sum(jnp.ones((E,), h.dtype), dst, num_segments=N)
        mean = agg / jnp.maximum(cnt, 1.0)[:, None]
        out = mean @ Wl.T + bl + h @ Wr.T  # lin_l(agg) + lin_r(x)
        # normalize=True -> L2 normalize along feature dim
        nrm = jnp.linalg.norm(out, axis=-1, keepdims=True)
        return out / jnp.maximum(nrm, 1e-12)

    h = jax.nn.elu(sage(x, Wl1, bl1, Wr1))
    h = jax.nn.elu(sage(h, Wl2, bl2, Wr2))
    g = jnp.max(h, axis=0)          # global_max_pool, single graph (batch_index all zeros)
    g = jax.nn.elu(g)
    g = g @ Wfc.T + bfc             # [F] graph embedding (x.squeeze())

    # NPE: conditional density log p(theta | g) via conditioner MLP (diag-Gaussian head)
    c = jax.nn.elu(g @ Wn1.T + bn1)
    c = jax.nn.elu(c @ Wn2.T + bn2)
    c = jax.nn.elu(c @ Wn3.T + bn3)
    c = jax.nn.elu(c @ Wn4.T + bn4)
    stats = c @ Wno.T + bno
    mu, logsig = stats[:TD], stats[TD:]
    z = (theta - mu) * jnp.exp(-logsig)
    logp = -0.5 * jnp.sum(z ** 2 + 2.0 * logsig + jnp.log(2.0 * jnp.pi), axis=-1)
    return logp  # [B] log-probabilities

if __name__ == "__main__":
    import jax
    _d = setup_inputs()
    print(jax.jit(kernel)(*tuple(_d.values())))

</pallas_src>

<mosaic_0001>
#map = affine_map<(d0, d1) -> (0, 0)>
#map1 = affine_map<(d0, d1) -> (0)>
#map2 = affine_map<(d0, d1) -> (0, 0, 0)>
module attributes {stable_mosaic.version = 14 : i64} {
  func.func @k(%arg0: i32, %arg1: i32, %arg2: memref<100352x16xf32, #tpu.memory_space<hbm>>, %arg3: memref<100352x16xf32, #tpu.memory_space<hbm>>, %arg4: memref<3211264xi32, #tpu.memory_space<hbm>>, %arg5: memref<3211264xi32, #tpu.memory_space<hbm>>, %arg6: memref<6272x16xf32, #tpu.memory_space<hbm>>, %arg7: memref<2x100352x16xf32, #tpu.memory_space<hbm>>, %arg8: memref<784xi32, #tpu.memory_space<vmem>>, %arg9: memref<784xi32, #tpu.memory_space<vmem>>, %arg10: memref<784xi32, #tpu.memory_space<vmem>>, %arg11: memref<784xi32, #tpu.memory_space<vmem>>, %arg12: memref<784x16xf32, #tpu.memory_space<vmem>>, %arg13: memref<784x16xf32, #tpu.memory_space<vmem>>, %arg14: memref<!tpu.dma_semaphore, #tpu.memory_space<semaphore_mem>>, %arg15: memref<!tpu.dma_semaphore, #tpu.memory_space<semaphore_mem>>, %arg16: memref<!tpu.dma_semaphore, #tpu.memory_space<semaphore_mem>>, %arg17: memref<!tpu.dma_semaphore, #tpu.memory_space<semaphore_mem>>, %arg18: memref<!tpu.dma_semaphore, #tpu.memory_space<semaphore_mem>>, %arg19: memref<!tpu.dma_semaphore, #tpu.memory_space<semaphore_mem>>, %arg20: memref<100352x16xf32, #tpu.memory_space<vmem_shared>>) attributes {dimension_semantics = [#tpu.dimension_semantics<core_parallel>, #tpu.dimension_semantics<subcore_parallel>], iteration_bounds = array<i64: 2, 16>, scalar_prefetch = 0 : i64, scratch_operands = 13 : i64, tpu.core_type = #tpu.core_type<sc_vector_subcore>, window_params = [{transform_indices = #map}, {transform_indices = #map}, {transform_indices = #map1}, {transform_indices = #map1}, {transform_indices = #map}, {transform_indices = #map2}]} {
    %mul3A = arith.constant 6272 : i32
    %mul3A_0 = arith.muli %arg1, %mul3A : i32
    "tpu.region"() ({
      %run_scoped3A = tpu.sem_alloc : memref<!tpu.dma_semaphore, #tpu.memory_space<semaphore_mem>>
      %dma_start3A = arith.constant 0 : i32
      %dma_start3A_9 = tpu.memref_slice %arg20[%mul3A_0, %dma_start3A] : memref<100352x16xf32, #tpu.memory_space<vmem_shared>> -> memref<6272x16xf32, #tpu.memory_space<vmem_shared>>
      tpu.enqueue_dma source(%arg6 : memref<6272x16xf32, #tpu.memory_space<hbm>>) target(%dma_start3A_9 : memref<6272x16xf32, #tpu.memory_space<vmem_shared>>) target_semaphore(%run_scoped3A : memref<!tpu.dma_semaphore, #tpu.memory_space<semaphore_mem>>)
      %dma_wait3A = arith.constant 0 : i32
      %dma_wait3A_10 = tpu.memref_slice %arg20[%mul3A_0, %dma_wait3A] : memref<100352x16xf32, #tpu.memory_space<vmem_shared>> -> memref<6272x16xf32, #tpu.memory_space<vmem_shared>>
      tpu.wait_dma2 semaphore(%run_scoped3A : memref<!tpu.dma_semaphore, #tpu.memory_space<semaphore_mem>>) src(%arg6 : memref<6272x16xf32, #tpu.memory_space<hbm>>) dst(%dma_wait3A_10 : memref<6272x16xf32, #tpu.memory_space<vmem_shared>>)
      tpu.yield
    }) : () -> ()
    %barrier3A = arith.constant 0 : index
    tpu.barrier barrier_id(%barrier3A)
    %eq3A = arith.constant 0 : i32
    %eq3A_1 = arith.cmpi eq, %arg0, %eq3A : i32
    %convert_element_type3A = arith.extui %eq3A_1 : i1 to i32
    %cond3A = arith.constant 0 : i32
    %cond3A_2 = arith.cmpi ne, %convert_element_type3A, %cond3A : i32
    scf.if %cond3A_2 {
      %mul3A_9 = arith.constant 256 : i32
      %mul3A_10 = arith.muli %arg1, %mul3A_9 : i32
      %mul3A_11 = arith.constant 784 : i32
      %mul3A_12 = arith.muli %mul3A_10, %mul3A_11 : i32
      %add3A = arith.constant 0 : i32
      %add3A_13 = arith.addi %mul3A_12, %add3A : i32
      %dma_start3A = tpu.memref_slice %arg4[%add3A_13] : memref<3211264xi32, #tpu.memory_space<hbm>> -> memref<784xi32, #tpu.memory_space<hbm>>
      %dma_start3A_14 = tpu.memref_slice %arg4[%add3A_13] : memref<3211264xi32, #tpu.memory_space<hbm>> -> memref<784xi32, #tpu.memory_space<hbm>>
      tpu.enqueue_dma source(%dma_start3A_14 : memref<784xi32, #tpu.memory_space<hbm>>) target(%arg8 : memref<784xi32, #tpu.memory_space<vmem>>) target_semaphore(%arg14 : memref<!tpu.dma_semaphore, #tpu.memory_space<semaphore_mem>>)
      %add3A_15 = arith.constant 0 : i32
      %add3A_16 = arith.addi %mul3A_12, %add3A_15 : i32
      %dma_start3A_17 = tpu.memref_slice %arg5[%add3A_16] : memref<3211264xi32, #tpu.memory_space<hbm>> -> memref<784xi32, #tpu.memory_space<hbm>>
      %dma_start3A_18 = tpu.memref_slice %arg5[%add3A_16] : memref<3211264xi32, #tpu.memory_space<hbm>> -> memref<784xi32, #tpu.memory_space<hbm>>
      tpu.enqueue_dma source(%dma_start3A_18 : memref<784xi32, #tpu.memory_space<hbm>>) target(%arg10 : memref<784xi32, #tpu.memory_space<vmem>>) target_semaphore(%arg14 : memref<!tpu.dma_semaphore, #tpu.memory_space<semaphore_mem>>)
      %scan3A = arith.constant 0 : i32
      %scan3A_19 = arith.constant 128 : i32
      %scan3A_20 = arith.addi %scan3A, %scan3A_19 : i32
      %scan3A_21 = arith.constant 1 : i32
      scf.for %scan3A_25 = %scan3A to %scan3A_20 step %scan3A_21  : i32 {
        %mul3A_26 = arith.constant 2 : i32
        %mul3A_27 = arith.muli %scan3A_25, %mul3A_26 : i32
        %add3A_28 = arith.constant 0 : i32
        %add3A_29 = arith.addi %add3A_28, %mul3A_27 : i32
        %mul3A_30 = arith.constant 784 : i32
        %mul3A_31 = arith.muli %add3A_29, %mul3A_30 : i32
        %add3A_32 = arith.addi %mul3A_12, %mul3A_31 : i32
        %dma_wait3A_33 = tpu.memref_slice %arg4[%add3A_32] : memref<3211264xi32, #tpu.memory_space<hbm>> -> memref<784xi32, #tpu.memory_space<hbm>>
        %dma_wait3A_34 = tpu.memref_slice %arg4[%add3A_32] : memref<3211264xi32, #tpu.memory_space<hbm>> -> memref<784xi32, #tpu.memory_space<hbm>>
        tpu.wait_dma2 semaphore(%arg14 : memref<!tpu.dma_semaphore, #tpu.memory_space<semaphore_mem>>) src(%dma_wait3A_34 : memref<784xi32, #tpu.memory_space<hbm>>) dst(%arg8 : memref<784xi32, #tpu.memory_space<vmem>>)
        %mul3A_35 = arith.constant 784 : i32
        %mul3A_36 = arith.muli %add3A_29, %mul3A_35 : i32
        %add3A_37 = arith.addi %mul3A_12, %mul3A_36 : i32
        %dma_wait3A_38 = tpu.memref_slice %arg5[%add3A_37] : memref<3211264xi32, #tpu.memory_space<hbm>> -> memref<784xi32, #tpu.memory_space<hbm>>
        %dma_wait3A_39 = tpu.memref_slice %arg5[%add3A_37] : memref<3211264xi32, #tpu.memory_space<hbm>> -> memref<784xi32, #tpu.memory_space<hbm>>
        tpu.wait_dma2 semaphore(%arg14 : memref<!tpu.dma_semaphore, #tpu.memory_space<semaphore_mem>>) src(%dma_wait3A_39 : memref<784xi32, #tpu.memory_space<hbm>>) dst(%arg10 : memref<784xi32, #tpu.memory_space<vmem>>)
        %dma_start3A_40 = arith.constant 0 : i32
        %dma_start3A_41 = arith.constant 0 : i32
        %dma_start3A_42 = tpu.memref_slice %arg2[%dma_start3A_40, %dma_start3A_41] : memref<100352x16xf32, #tpu.memory_space<hbm>> -> memref<100352x16xf32, #tpu.memory_space<hbm>>
        tpu.enqueue_indirect_dma source(%dma_start3A_42 : memref<100352x16xf32, #tpu.memory_space<hbm>>) target(%arg12 : memref<784x16xf32, #tpu.memory_space<vmem>>) offsets(%arg8 : memref<784xi32, #tpu.memory_space<vmem>>) semaphore(%arg16 : memref<!tpu.dma_semaphore, #tpu.memory_space<semaphore_mem>>)
        %gt3A = arith.constant 0 : i32
        %gt3A_43 = arith.cmpi sgt, %add3A_29, %gt3A : i32
        %convert_element_type3A_44 = arith.extui %gt3A_43 : i1 to i32
        %cond3A_45 = arith.constant 0 : i32
        %cond3A_46 = arith.cmpi ne, %convert_element_type3A_44, %cond3A_45 : i32
        scf.if %cond3A_46 {
          %dma_wait3A_95 = arith.constant 0 : i32
          %dma_wait3A_96 = arith.constant 0 : i32
          %dma_wait3A_97 = tpu.memref_slice %arg20[%dma_wait3A_95, %dma_wait3A_96] : memref<100352x16xf32, #tpu.memory_space<vmem_shared>> -> memref<100352x16xf32, #tpu.memory_space<vmem_shared>>
          tpu.wait_indirect_dma semaphore(%arg19 : memref<!tpu.dma_semaphore, #tpu.memory_space<semaphore_mem>>) src(%arg13 : memref<784x16xf32, #tpu.memory_space<vmem>>) dst(%dma_wait3A_97 : memref<100352x16xf32, #tpu.memory_space<vmem_shared>>)
        } else {
        }
        %add3A_47 = arith.constant 1 : i32
        %add3A_48 = arith.addi %add3A_29, %add3A_47 : i32
        %mul3A_49 = arith.constant 784 : i32
        %mul3A_50 = arith.muli %add3A_48, %mul3A_49 : i32
        %add3A_51 = arith.addi %mul3A_12, %mul3A_50 : i32
        %dma_start3A_52 = tpu.memref_slice %arg4[%add3A_51] : memref<3211264xi32, #tpu.memory_space<hbm>> -> memref<784xi32, #tpu.memory_space<hbm>>
        %dma_start3A_53 = tpu.memref_slice %arg4[%add3A_51] : memref<3211264xi32, #tpu.memory_space<hbm>> -> memref<784xi32, #tpu.memory_space<hbm>>
        tpu.enqueue_dma source(%dma_start3A_53 : memref<784xi32, #tpu.memory_space<hbm>>) target(%arg9 : memref<784xi32, #tpu.memory_space<vmem>>) target_semaphore(%arg15 : memref<!tpu.dma_semaphore, #tpu.memory_space<semaphore_mem>>)
        %mul3A_54 = arith.constant 784 : i32
        %mul3A_55 = arith.muli %add3A_48, %mul3A_54 : i32
        %add3A_56 = arith.addi %mul3A_12, %mul3A_55 : i32
        %dma_start3A_57 = tpu.memref_slice %arg5[%add3A_56] : memref<3211264xi32, #tpu.memory_space<hbm>> -> memref<784xi32, #tpu.memory_space<hbm>>
        %dma_start3A_58 = tpu.memref_slice %arg5[%add3A_56] : memref<3211264xi32, #tpu.memory_space<hbm>> -> memref<784xi32, #tpu.memory_space<hbm>>
        tpu.enqueue_dma source(%dma_start3A_58 : memref<784xi32, #tpu.memory_space<hbm>>) target(%arg11 : memref<784xi32, #tpu.memory_space<vmem>>) target_semaphore(%arg15 : memref<!tpu.dma_semaphore, #tpu.memory_space<semaphore_mem>>)
        %dma_wait3A_59 = arith.constant 0 : i32
        %dma_wait3A_60 = arith.constant 0 : i32
        %dma_wait3A_61 = tpu.memref_slice %arg2[%dma_wait3A_59, %dma_wait3A_60] : memref<100352x16xf32, #tpu.memory_space<hbm>> -> memref<100352x16xf32, #tpu.memory_space<hbm>>
        tpu.wait_indirect_dma semaphore(%arg16 : memref<!tpu.dma_semaphore, #tpu.memory_space<semaphore_mem>>) src(%dma_wait3A_61 : memref<100352x16xf32, #tpu.memory_space<hbm>>) dst(%arg12 : memref<784x16xf32, #tpu.memory_space<vmem>>)
        %dma_start3A_62 = arith.constant 0 : i32
        %dma_start3A_63 = arith.constant 0 : i32
        %dma_start3A_64 = tpu.memref_slice %arg20[%dma_start3A_62, %dma_start3A_63] : memref<100352x16xf32, #tpu.memory_space<vmem_shared>> -> memref<100352x16xf32, #tpu.memory_space<vmem_shared>>
        tpu.enqueue_indirect_dma source(%arg12 : memref<784x16xf32, #tpu.memory_space<vmem>>) target(%dma_start3A_64 : memref<100352x16xf32, #tpu.memory_space<vmem_shared>>) offsets(%arg10 : memref<784xi32, #tpu.memory_space<vmem>>) semaphore(%arg18 : memref<!tpu.dma_semaphore, #tpu.memory_space<semaphore_mem>>) {add = true}
        %add3A_65 = arith.constant 1 : i32
        %add3A_66 = arith.addi %add3A_29, %add3A_65 : i32
        %mul3A_67 = arith.constant 784 : i32
        %mul3A_68 = arith.muli %add3A_66, %mul3A_67 : i32
        %add3A_69 = arith.addi %mul3A_12, %mul3A_68 : i32
        %dma_wait3A_70 = tpu.memref_slice %arg4[%add3A_69] : memref<3211264xi32, #tpu.memory_space<hbm>> -> memref<784xi32, #tpu.memory_space<hbm>>
        %dma_wait3A_71 = tpu.memref_slice %arg4[%add3A_69] : memref<3211264xi32, #tpu.memory_space<hbm>> -> memref<784xi32, #tpu.memory_space<hbm>>
        tpu.wait_dma2 semaphore(%arg15 : memref<!tpu.dma_semaphore, #tpu.memory_space<semaphore_mem>>) src(%dma_wait3A_71 : memref<784xi32, #tpu.memory_space<hbm>>) dst(%arg9 : memref<784xi32, #tpu.memory_space<vmem>>)
        %mul3A_72 = arith.constant 784 : i32
        %mul3A_73 = arith.muli %add3A_66, %mul3A_72 : i32
        %add3A_74 = arith.addi %mul3A_12, %mul3A_73 : i32
        %dma_wait3A_75 = tpu.memref_slice %arg5[%add3A_74] : memref<3211264xi32, #tpu.memory_space<hbm>> -> memref<784xi32, #tpu.memory_space<hbm>>
        %dma_wait3A_76 = tpu.memref_slice %arg5[%add3A_74] : memref<3211264xi32, #tpu.memory_space<hbm>> -> memref<784xi32, #tpu.memory_space<hbm>>
        tpu.wait_dma2 semaphore(%arg15 : memref<!tpu.dma_semaphore, #tpu.memory_space<semaphore_mem>>) src(%dma_wait3A_76 : memref<784xi32, #tpu.memory_space<hbm>>) dst(%arg11 : memref<784xi32, #tpu.memory_space<vmem>>)
        %dma_start3A_77 = arith.constant 0 : i32
        %dma_start3A_78 = arith.constant 0 : i32
        %dma_start3A_79 = tpu.memref_slice %arg2[%dma_start3A_77, %dma_start3A_78] : memref<100352x16xf32, #tpu.memory_space<hbm>> -> memref<100352x16xf32, #tpu.memory_space<hbm>>
        tpu.enqueue_indirect_dma source(%dma_start3A_79 : memref<100352x16xf32, #tpu.memory_space<hbm>>) target(%arg13 : memref<784x16xf32, #tpu.memory_space<vmem>>) offsets(%arg9 : memref<784xi32, #tpu.memory_space<vmem>>) semaphore(%arg17 : memref<!tpu.dma_semaphore, #tpu.memory_space<semaphore_mem>>)
        %dma_wait3A_80 = arith.constant 0 : i32
        %dma_wait3A_81 = arith.constant 0 : i32
        %dma_wait3A_82 = tpu.memref_slice %arg20[%dma_wait3A_80, %dma_wait3A_81] : memref<100352x16xf32, #tpu.memory_space<vmem_shared>> -> memref<100352x16xf32, #tpu.memory_space<vmem_shared>>
        tpu.wait_indirect_dma semaphore(%arg18 : memref<!tpu.dma_semaphore, #tpu.memory_space<semaphore_mem>>) src(%arg12 : memref<784x16xf32, #tpu.memory_space<vmem>>) dst(%dma_wait3A_82 : memref<100352x16xf32, #tpu.memory_space<vmem_shared>>)
        %add3A_83 = arith.constant 2 : i32
        %add3A_84 = arith.addi %add3A_29, %add3A_83 : i32
        %lt3A = arith.constant 256 : i32
        %lt3A_85 = arith.cmpi slt, %add3A_84, %lt3A : i32
        %convert_element_type3A_86 = arith.extui %lt3A_85 : i1 to i32
        %cond3A_87 = arith.constant 0 : i32
        %cond3A_88 = arith.cmpi ne, %convert_element_type3A_86, %cond3A_87 : i32
        scf.if %cond3A_88 {
          %add3A_95 = arith.constant 2 : i32
          %add3A_96 = arith.addi %add3A_29, %add3A_95 : i32
          %mul3A_97 = arith.constant 784 : i32
          %mul3A_98 = arith.muli %add3A_96, %mul3A_97 : i32
          %add3A_99 = arith.addi %mul3A_12, %mul3A_98 : i32
          %dma_start3A_100 = tpu.memref_slice %arg4[%add3A_99] : memref<3211264xi32, #tpu.memory_space<hbm>> -> memref<784xi32, #tpu.memory_space<hbm>>
          %dma_start3A_101 = tpu.memref_slice %arg4[%add3A_99] : memref<3211264xi32, #tpu.memory_space<hbm>> -> memref<784xi32, #tpu.memory_space<hbm>>
          tpu.enqueue_dma source(%dma_start3A_101 : memref<784xi32, #tpu.memory_space<hbm>>) target(%arg8 : memref<784xi32, #tpu.memory_space<vmem>>) target_semaphore(%arg14 : memref<!tpu.dma_semaphore, #tpu.memory_space<semaphore_mem>>)
          %mul3A_102 = arith.constant 784 : i32
          %mul3A_103 = arith.muli %add3A_96, %mul3A_102 : i32
          %add3A_104 = arith.addi %mul3A_12, %mul3A_103 : i32
          %dma_start3A_105 = tpu.memref_slice %arg5[%add3A_104] : memref<3211264xi32, #tpu.memory_space<hbm>> -> memref<784xi32, #tpu.memory_space<hbm>>
          %dma_start3A_106 = tpu.memref_slice %arg5[%add3A_104] : memref<3211264xi32, #tpu.memory_space<hbm>> -> memref<784xi32, #tpu.memory_space<hbm>>
          tpu.enqueue_dma source(%dma_start3A_106 : memref<784xi32, #tpu.memory_space<hbm>>) target(%arg10 : memref<784xi32, #tpu.memory_space<vmem>>) target_semaphore(%arg14 : memref<!tpu.dma_semaphore, #tpu.memory_space<semaphore_mem>>)
        } else {
        }
        %dma_wait3A_89 = arith.constant 0 : i32
        %dma_wait3A_90 = arith.constant 0 : i32
        %dma_wait3A_91 = tpu.memref_slice %arg2[%dma_wait3A_89, %dma_wait3A_90] : memref<100352x16xf32, #tpu.memory_space<hbm>> -> memref<100352x16xf32, #tpu.memory_space<hbm>>
        tpu.wait_indirect_dma semaphore(%arg17 : memref<!tpu.dma_semaphore, #tpu.memory_space<semaphore_mem>>) src(%dma_wait3A_91 : memref<100352x16xf32, #tpu.memory_space<hbm>>) dst(%arg13 : memref<784x16xf32, #tpu.memory_space<vmem>>)
        %dma_start3A_92 = arith.constant 0 : i32
        %dma_start3A_93 = arith.constant 0 : i32
        %dma_start3A_94 = tpu.memref_slice %arg20[%dma_start3A_92, %dma_start3A_93] : memref<100352x16xf32, #tpu.memory_space<vmem_shared>> -> memref<100352x16xf32, #tpu.memory_space<vmem_shared>>
        tpu.enqueue_indirect_dma source(%arg13 : memref<784x16xf32, #tpu.memory_space<vmem>>) target(%dma_start3A_94 : memref<100352x16xf32, #tpu.memory_space<vmem_shared>>) offsets(%arg11 : memref<784xi32, #tpu.memory_space<vmem>>) semaphore(%arg19 : memref<!tpu.dma_semaphore, #tpu.memory_space<semaphore_mem>>) {add = true}
      }
      %scan3A_22 = arith.constant 128 : i32
      %dma_wait3A = arith.constant 0 : i32
      %dma_wait3A_23 = arith.constant 0 : i32
      %dma_wait3A_24 = tpu.memref_slice %arg20[%dma_wait3A, %dma_wait3A_23] : memref<100352x16xf32, #tpu.memory_space<vmem_shared>> -> memref<100352x16xf32, #tpu.memory_space<vmem_shared>>
      tpu.wait_indirect_dma semaphore(%arg19 : memref<!tpu.dma_semaphore, #tpu.memory_space<semaphore_mem>>) src(%arg13 : memref<784x16xf32, #tpu.memory_space<vmem>>) dst(%dma_wait3A_24 : memref<100352x16xf32, #tpu.memory_space<vmem_shared>>)
    } else {
    }
    %eq3A_3 = arith.constant 1 : i32
    %eq3A_4 = arith.cmpi eq, %arg0, %eq3A_3 : i32
    %convert_element_type3A_5 = arith.extui %eq3A_4 : i1 to i32
    %cond3A_6 = arith.constant 0 : i32
    %cond3A_7 = arith.cmpi ne, %convert_element_type3A_5, %cond3A_6 : i32
    scf.if %cond3A_7 {
      %mul3A_9 = arith.constant 256 : i32
      %mul3A_10 = arith.muli %arg1, %mul3A_9 : i32
      %mul3A_11 = arith.constant 784 : i32
      %mul3A_12 = arith.muli %mul3A_10, %mul3A_11 : i32
      %add3A = arith.constant 0 : i32
      %add3A_13 = arith.addi %mul3A_12, %add3A : i32
      %dma_start3A = tpu.memref_slice %arg4[%add3A_13] : memref<3211264xi32, #tpu.memory_space<hbm>> -> memref<784xi32, #tpu.memory_space<hbm>>
      %dma_start3A_14 = tpu.memref_slice %arg4[%add3A_13] : memref<3211264xi32, #tpu.memory_space<hbm>> -> memref<784xi32, #tpu.memory_space<hbm>>
      tpu.enqueue_dma source(%dma_start3A_14 : memref<784xi32, #tpu.memory_space<hbm>>) target(%arg8 : memref<784xi32, #tpu.memory_space<vmem>>) target_semaphore(%arg14 : memref<!tpu.dma_semaphore, #tpu.memory_space<semaphore_mem>>)
      %add3A_15 = arith.constant 0 : i32
      %add3A_16 = arith.addi %mul3A_12, %add3A_15 : i32
      %dma_start3A_17 = tpu.memref_slice %arg5[%add3A_16] : memref<3211264xi32, #tpu.memory_space<hbm>> -> memref<784xi32, #tpu.memory_space<hbm>>
      %dma_start3A_18 = tpu.memref_slice %arg5[%add3A_16] : memref<3211264xi32, #tpu.memory_space<hbm>> -> memref<784xi32, #tpu.memory_space<hbm>>
      tpu.enqueue_dma source(%dma_start3A_18 : memref<784xi32, #tpu.memory_space<hbm>>) target(%arg10 : memref<784xi32, #tpu.memory_space<vmem>>) target_semaphore(%arg14 : memref<!tpu.dma_semaphore, #tpu.memory_space<semaphore_mem>>)
      %scan3A = arith.constant 0 : i32
      %scan3A_19 = arith.constant 128 : i32
      %scan3A_20 = arith.addi %scan3A, %scan3A_19 : i32
      %scan3A_21 = arith.constant 1 : i32
      scf.for %scan3A_25 = %scan3A to %scan3A_20 step %scan3A_21  : i32 {
        %mul3A_26 = arith.constant 2 : i32
        %mul3A_27 = arith.muli %scan3A_25, %mul3A_26 : i32
        %add3A_28 = arith.constant 0 : i32
        %add3A_29 = arith.addi %add3A_28, %mul3A_27 : i32
        %mul3A_30 = arith.constant 784 : i32
        %mul3A_31 = arith.muli %add3A_29, %mul3A_30 : i32
        %add3A_32 = arith.addi %mul3A_12, %mul3A_31 : i32
        %dma_wait3A_33 = tpu.memref_slice %arg4[%add3A_32] : memref<3211264xi32, #tpu.memory_space<hbm>> -> memref<784xi32, #tpu.memory_space<hbm>>
        %dma_wait3A_34 = tpu.memref_slice %arg4[%add3A_32] : memref<3211264xi32, #tpu.memory_space<hbm>> -> memref<784xi32, #tpu.memory_space<hbm>>
        tpu.wait_dma2 semaphore(%arg14 : memref<!tpu.dma_semaphore, #tpu.memory_space<semaphore_mem>>) src(%dma_wait3A_34 : memref<784xi32, #tpu.memory_space<hbm>>) dst(%arg8 : memref<784xi32, #tpu.memory_space<vmem>>)
        %mul3A_35 = arith.constant 784 : i32
        %mul3A_36 = arith.muli %add3A_29, %mul3A_35 : i32
        %add3A_37 = arith.addi %mul3A_12, %mul3A_36 : i32
        %dma_wait3A_38 = tpu.memref_slice %arg5[%add3A_37] : memref<3211264xi32, #tpu.memory_space<hbm>> -> memref<784xi32, #tpu.memory_space<hbm>>
        %dma_wait3A_39 = tpu.memref_slice %arg5[%add3A_37] : memref<3211264xi32, #tpu.memory_space<hbm>> -> memref<784xi32, #tpu.memory_space<hbm>>
        tpu.wait_dma2 semaphore(%arg14 : memref<!tpu.dma_semaphore, #tpu.memory_space<semaphore_mem>>) src(%dma_wait3A_39 : memref<784xi32, #tpu.memory_space<hbm>>) dst(%arg10 : memref<784xi32, #tpu.memory_space<vmem>>)
        %dma_start3A_40 = arith.constant 0 : i32
        %dma_start3A_41 = arith.constant 0 : i32
        %dma_start3A_42 = tpu.memref_slice %arg3[%dma_start3A_40, %dma_start3A_41] : memref<100352x16xf32, #tpu.memory_space<hbm>> -> memref<100352x16xf32, #tpu.memory_space<hbm>>
        tpu.enqueue_indirect_dma source(%dma_start3A_42 : memref<100352x16xf32, #tpu.memory_space<hbm>>) target(%arg12 : memref<784x16xf32, #tpu.memory_space<vmem>>) offsets(%arg8 : memref<784xi32, #tpu.memory_space<vmem>>) semaphore(%arg16 : memref<!tpu.dma_semaphore, #tpu.memory_space<semaphore_mem>>)
        %gt3A = arith.constant 0 : i32
        %gt3A_43 = arith.cmpi sgt, %add3A_29, %gt3A : i32
        %convert_element_type3A_44 = arith.extui %gt3A_43 : i1 to i32
        %cond3A_45 = arith.constant 0 : i32
        %cond3A_46 = arith.cmpi ne, %convert_element_type3A_44, %cond3A_45 : i32
        scf.if %cond3A_46 {
          %dma_wait3A_95 = arith.constant 0 : i32
          %dma_wait3A_96 = arith.constant 0 : i32
          %dma_wait3A_97 = tpu.memref_slice %arg20[%dma_wait3A_95, %dma_wait3A_96] : memref<100352x16xf32, #tpu.memory_space<vmem_shared>> -> memref<100352x16xf32, #tpu.memory_space<vmem_shared>>
          tpu.wait_indirect_dma semaphore(%arg19 : memref<!tpu.dma_semaphore, #tpu.memory_space<semaphore_mem>>) src(%arg13 : memref<784x16xf32, #tpu.memory_space<vmem>>) dst(%dma_wait3A_97 : memref<100352x16xf32, #tpu.memory_space<vmem_shared>>)
        } else {
        }
        %add3A_47 = arith.constant 1 : i32
        %add3A_48 = arith.addi %add3A_29, %add3A_47 : i32
        %mul3A_49 = arith.constant 784 : i32
        %mul3A_50 = arith.muli %add3A_48, %mul3A_49 : i32
        %add3A_51 = arith.addi %mul3A_12, %mul3A_50 : i32
        %dma_start3A_52 = tpu.memref_slice %arg4[%add3A_51] : memref<3211264xi32, #tpu.memory_space<hbm>> -> memref<784xi32, #tpu.memory_space<hbm>>
        %dma_start3A_53 = tpu.memref_slice %arg4[%add3A_51] : memref<3211264xi32, #tpu.memory_space<hbm>> -> memref<784xi32, #tpu.memory_space<hbm>>
        tpu.enqueue_dma source(%dma_start3A_53 : memref<784xi32, #tpu.memory_space<hbm>>) target(%arg9 : memref<784xi32, #tpu.memory_space<vmem>>) target_semaphore(%arg15 : memref<!tpu.dma_semaphore, #tpu.memory_space<semaphore_mem>>)
        %mul3A_54 = arith.constant 784 : i32
        %mul3A_55 = arith.muli %add3A_48, %mul3A_54 : i32
        %add3A_56 = arith.addi %mul3A_12, %mul3A_55 : i32
        %dma_start3A_57 = tpu.memref_slice %arg5[%add3A_56] : memref<3211264xi32, #tpu.memory_space<hbm>> -> memref<784xi32, #tpu.memory_space<hbm>>
        %dma_start3A_58 = tpu.memref_slice %arg5[%add3A_56] : memref<3211264xi32, #tpu.memory_space<hbm>> -> memref<784xi32, #tpu.memory_space<hbm>>
        tpu.enqueue_dma source(%dma_start3A_58 : memref<784xi32, #tpu.memory_space<hbm>>) target(%arg11 : memref<784xi32, #tpu.memory_space<vmem>>) target_semaphore(%arg15 : memref<!tpu.dma_semaphore, #tpu.memory_space<semaphore_mem>>)
        %dma_wait3A_59 = arith.constant 0 : i32
        %dma_wait3A_60 = arith.constant 0 : i32
        %dma_wait3A_61 = tpu.memref_slice %arg3[%dma_wait3A_59, %dma_wait3A_60] : memref<100352x16xf32, #tpu.memory_space<hbm>> -> memref<100352x16xf32, #tpu.memory_space<hbm>>
        tpu.wait_indirect_dma semaphore(%arg16 : memref<!tpu.dma_semaphore, #tpu.memory_space<semaphore_mem>>) src(%dma_wait3A_61 : memref<100352x16xf32, #tpu.memory_space<hbm>>) dst(%arg12 : memref<784x16xf32, #tpu.memory_space<vmem>>)
        %dma_start3A_62 = arith.constant 0 : i32
        %dma_start3A_63 = arith.constant 0 : i32
        %dma_start3A_64 = tpu.memref_slice %arg20[%dma_start3A_62, %dma_start3A_63] : memref<100352x16xf32, #tpu.memory_space<vmem_shared>> -> memref<100352x16xf32, #tpu.memory_space<vmem_shared>>
        tpu.enqueue_indirect_dma source(%arg12 : memref<784x16xf32, #tpu.memory_space<vmem>>) target(%dma_start3A_64 : memref<100352x16xf32, #tpu.memory_space<vmem_shared>>) offsets(%arg10 : memref<784xi32, #tpu.memory_space<vmem>>) semaphore(%arg18 : memref<!tpu.dma_semaphore, #tpu.memory_space<semaphore_mem>>) {add = true}
        %add3A_65 = arith.constant 1 : i32
        %add3A_66 = arith.addi %add3A_29, %add3A_65 : i32
        %mul3A_67 = arith.constant 784 : i32
        %mul3A_68 = arith.muli %add3A_66, %mul3A_67 : i32
        %add3A_69 = arith.addi %mul3A_12, %mul3A_68 : i32
        %dma_wait3A_70 = tpu.memref_slice %arg4[%add3A_69] : memref<3211264xi32, #tpu.memory_space<hbm>> -> memref<784xi32, #tpu.memory_space<hbm>>
        %dma_wait3A_71 = tpu.memref_slice %arg4[%add3A_69] : memref<3211264xi32, #tpu.memory_space<hbm>> -> memref<784xi32, #tpu.memory_space<hbm>>
        tpu.wait_dma2 semaphore(%arg15 : memref<!tpu.dma_semaphore, #tpu.memory_space<semaphore_mem>>) src(%dma_wait3A_71 : memref<784xi32, #tpu.memory_space<hbm>>) dst(%arg9 : memref<784xi32, #tpu.memory_space<vmem>>)
        %mul3A_72 = arith.constant 784 : i32
        %mul3A_73 = arith.muli %add3A_66, %mul3A_72 : i32
        %add3A_74 = arith.addi %mul3A_12, %mul3A_73 : i32
        %dma_wait3A_75 = tpu.memref_slice %arg5[%add3A_74] : memref<3211264xi32, #tpu.memory_space<hbm>> -> memref<784xi32, #tpu.memory_space<hbm>>
        %dma_wait3A_76 = tpu.memref_slice %arg5[%add3A_74] : memref<3211264xi32, #tpu.memory_space<hbm>> -> memref<784xi32, #tpu.memory_space<hbm>>
        tpu.wait_dma2 semaphore(%arg15 : memref<!tpu.dma_semaphore, #tpu.memory_space<semaphore_mem>>) src(%dma_wait3A_76 : memref<784xi32, #tpu.memory_space<hbm>>) dst(%arg11 : memref<784xi32, #tpu.memory_space<vmem>>)
        %dma_start3A_77 = arith.constant 0 : i32
        %dma_start3A_78 = arith.constant 0 : i32
        %dma_start3A_79 = tpu.memref_slice %arg3[%dma_start3A_77, %dma_start3A_78] : memref<100352x16xf32, #tpu.memory_space<hbm>> -> memref<100352x16xf32, #tpu.memory_space<hbm>>
        tpu.enqueue_indirect_dma source(%dma_start3A_79 : memref<100352x16xf32, #tpu.memory_space<hbm>>) target(%arg13 : memref<784x16xf32, #tpu.memory_space<vmem>>) offsets(%arg9 : memref<784xi32, #tpu.memory_space<vmem>>) semaphore(%arg17 : memref<!tpu.dma_semaphore, #tpu.memory_space<semaphore_mem>>)
        %dma_wait3A_80 = arith.constant 0 : i32
        %dma_wait3A_81 = arith.constant 0 : i32
        %dma_wait3A_82 = tpu.memref_slice %arg20[%dma_wait3A_80, %dma_wait3A_81] : memref<100352x16xf32, #tpu.memory_space<vmem_shared>> -> memref<100352x16xf32, #tpu.memory_space<vmem_shared>>
        tpu.wait_indirect_dma semaphore(%arg18 : memref<!tpu.dma_semaphore, #tpu.memory_space<semaphore_mem>>) src(%arg12 : memref<784x16xf32, #tpu.memory_space<vmem>>) dst(%dma_wait3A_82 : memref<100352x16xf32, #tpu.memory_space<vmem_shared>>)
        %add3A_83 = arith.constant 2 : i32
        %add3A_84 = arith.addi %add3A_29, %add3A_83 : i32
        %lt3A = arith.constant 256 : i32
        %lt3A_85 = arith.cmpi slt, %add3A_84, %lt3A : i32
        %convert_element_type3A_86 = arith.extui %lt3A_85 : i1 to i32
        %cond3A_87 = arith.constant 0 : i32
        %cond3A_88 = arith.cmpi ne, %convert_element_type3A_86, %cond3A_87 : i32
        scf.if %cond3A_88 {
          %add3A_95 = arith.constant 2 : i32
          %add3A_96 = arith.addi %add3A_29, %add3A_95 : i32
          %mul3A_97 = arith.constant 784 : i32
          %mul3A_98 = arith.muli %add3A_96, %mul3A_97 : i32
          %add3A_99 = arith.addi %mul3A_12, %mul3A_98 : i32
          %dma_start3A_100 = tpu.memref_slice %arg4[%add3A_99] : memref<3211264xi32, #tpu.memory_space<hbm>> -> memref<784xi32, #tpu.memory_space<hbm>>
          %dma_start3A_101 = tpu.memref_slice %arg4[%add3A_99] : memref<3211264xi32, #tpu.memory_space<hbm>> -> memref<784xi32, #tpu.memory_space<hbm>>
          tpu.enqueue_dma source(%dma_start3A_101 : memref<784xi32, #tpu.memory_space<hbm>>) target(%arg8 : memref<784xi32, #tpu.memory_space<vmem>>) target_semaphore(%arg14 : memref<!tpu.dma_semaphore, #tpu.memory_space<semaphore_mem>>)
          %mul3A_102 = arith.constant 784 : i32
          %mul3A_103 = arith.muli %add3A_96, %mul3A_102 : i32
          %add3A_104 = arith.addi %mul3A_12, %mul3A_103 : i32
          %dma_start3A_105 = tpu.memref_slice %arg5[%add3A_104] : memref<3211264xi32, #tpu.memory_space<hbm>> -> memref<784xi32, #tpu.memory_space<hbm>>
          %dma_start3A_106 = tpu.memref_slice %arg5[%add3A_104] : memref<3211264xi32, #tpu.memory_space<hbm>> -> memref<784xi32, #tpu.memory_space<hbm>>
          tpu.enqueue_dma source(%dma_start3A_106 : memref<784xi32, #tpu.memory_space<hbm>>) target(%arg10 : memref<784xi32, #tpu.memory_space<vmem>>) target_semaphore(%arg14 : memref<!tpu.dma_semaphore, #tpu.memory_space<semaphore_mem>>)
        } else {
        }
        %dma_wait3A_89 = arith.constant 0 : i32
        %dma_wait3A_90 = arith.constant 0 : i32
        %dma_wait3A_91 = tpu.memref_slice %arg3[%dma_wait3A_89, %dma_wait3A_90] : memref<100352x16xf32, #tpu.memory_space<hbm>> -> memref<100352x16xf32, #tpu.memory_space<hbm>>
        tpu.wait_indirect_dma semaphore(%arg17 : memref<!tpu.dma_semaphore, #tpu.memory_space<semaphore_mem>>) src(%dma_wait3A_91 : memref<100352x16xf32, #tpu.memory_space<hbm>>) dst(%arg13 : memref<784x16xf32, #tpu.memory_space<vmem>>)
        %dma_start3A_92 = arith.constant 0 : i32
        %dma_start3A_93 = arith.constant 0 : i32
        %dma_start3A_94 = tpu.memref_slice %arg20[%dma_start3A_92, %dma_start3A_93] : memref<100352x16xf32, #tpu.memory_space<vmem_shared>> -> memref<100352x16xf32, #tpu.memory_space<vmem_shared>>
        tpu.enqueue_indirect_dma source(%arg13 : memref<784x16xf32, #tpu.memory_space<vmem>>) target(%dma_start3A_94 : memref<100352x16xf32, #tpu.memory_space<vmem_shared>>) offsets(%arg11 : memref<784xi32, #tpu.memory_space<vmem>>) semaphore(%arg19 : memref<!tpu.dma_semaphore, #tpu.memory_space<semaphore_mem>>) {add = true}
      }
      %scan3A_22 = arith.constant 128 : i32
      %dma_wait3A = arith.constant 0 : i32
      %dma_wait3A_23 = arith.constant 0 : i32
      %dma_wait3A_24 = tpu.memref_slice %arg20[%dma_wait3A, %dma_wait3A_23] : memref<100352x16xf32, #tpu.memory_space<vmem_shared>> -> memref<100352x16xf32, #tpu.memory_space<vmem_shared>>
      tpu.wait_indirect_dma semaphore(%arg19 : memref<!tpu.dma_semaphore, #tpu.memory_space<semaphore_mem>>) src(%arg13 : memref<784x16xf32, #tpu.memory_space<vmem>>) dst(%dma_wait3A_24 : memref<100352x16xf32, #tpu.memory_space<vmem_shared>>)
    } else {
    }
    %barrier3A_8 = arith.constant 0 : index
    tpu.barrier barrier_id(%barrier3A_8)
    "tpu.region"() ({
      %run_scoped3A = tpu.sem_alloc : memref<!tpu.dma_semaphore, #tpu.memory_space<semaphore_mem>>
      %dma_start3A = arith.constant 0 : i32
      %dma_start3A_9 = arith.constant 0 : i32
      %dma_start3A_10 = tpu.memref_slice %arg7[%arg0, %dma_start3A, %dma_start3A_9] : memref<2x100352x16xf32, #tpu.memory_space<hbm>> -> memref<1x100352x16xf32, #tpu.memory_space<hbm>>
      %dma_start3A_11 = tpu.memref_squeeze %dma_start3A_10 : memref<1x100352x16xf32, #tpu.memory_space<hbm>> -> memref<100352x16xf32, #tpu.memory_space<hbm>>
      %dma_start3A_12 = arith.constant 0 : i32
      %dma_start3A_13 = tpu.memref_slice %dma_start3A_11[%mul3A_0, %dma_start3A_12] : memref<100352x16xf32, #tpu.memory_space<hbm>> -> memref<6272x16xf32, #tpu.memory_space<hbm>>
      %dma_start3A_14 = arith.constant 0 : i32
      %dma_start3A_15 = tpu.memref_slice %arg20[%mul3A_0, %dma_start3A_14] : memref<100352x16xf32, #tpu.memory_space<vmem_shared>> -> memref<6272x16xf32, #tpu.memory_space<vmem_shared>>
      tpu.enqueue_dma source(%dma_start3A_15 : memref<6272x16xf32, #tpu.memory_space<vmem_shared>>) target(%dma_start3A_13 : memref<6272x16xf32, #tpu.memory_space<hbm>>) target_semaphore(%run_scoped3A : memref<!tpu.dma_semaphore, #tpu.memory_space<semaphore_mem>>)
      %dma_wait3A = arith.constant 0 : i32
      %dma_wait3A_16 = arith.constant 0 : i32
      %dma_wait3A_17 = tpu.memref_slice %arg7[%arg0, %dma_wait3A, %dma_wait3A_16] : memref<2x100352x16xf32, #tpu.memory_space<hbm>> -> memref<1x100352x16xf32, #tpu.memory_space<hbm>>
      %dma_wait3A_18 = tpu.memref_squeeze %dma_wait3A_17 : memref<1x100352x16xf32, #tpu.memory_space<hbm>> -> memref<100352x16xf32, #tpu.memory_space<hbm>>
      %dma_wait3A_19 = arith.constant 0 : i32
      %dma_wait3A_20 = tpu.memref_slice %dma_wait3A_18[%mul3A_0, %dma_wait3A_19] : memref<100352x16xf32, #tpu.memory_space<hbm>> -> memref<6272x16xf32, #tpu.memory_space<hbm>>
      %dma_wait3A_21 = arith.constant 0 : i32
      %dma_wait3A_22 = tpu.memref_slice %arg20[%mul3A_0, %dma_wait3A_21] : memref<100352x16xf32, #tpu.memory_space<vmem_shared>> -> memref<6272x16xf32, #tpu.memory_space<vmem_shared>>
      tpu.wait_dma2 semaphore(%run_scoped3A : memref<!tpu.dma_semaphore, #tpu.memory_space<semaphore_mem>>) src(%dma_wait3A_22 : memref<6272x16xf32, #tpu.memory_space<vmem_shared>>) dst(%dma_wait3A_20 : memref<6272x16xf32, #tpu.memory_space<hbm>>)
      tpu.yield
    }) : () -> ()
    return
  }
}

#map = affine_map<(d0, d1) -> (0, 0)>
#map1 = affine_map<(d0, d1) -> (0)>
#map2 = affine_map<(d0, d1) -> (0, 0, 0)>
module attributes {stable_mosaic.version = 14 : i64} {
  func.func @k(%arg0: i32, %arg1: i32, %arg2: memref<100352x16xf32, #tpu.memory_space<hbm>>, %arg3: memref<3211264xi32, #tpu.memory_space<hbm>>, %arg4: memref<3211264xi32, #tpu.memory_space<hbm>>, %arg5: memref<6272x16xf32, #tpu.memory_space<hbm>>, %arg6: memref<6272xf32, #tpu.memory_space<hbm>>, %arg7: memref<2x100352x16xf32, #tpu.memory_space<hbm>>, %arg8: memref<2x100352xf32, #tpu.memory_space<hbm>>, %arg9: memref<512xi32, #tpu.memory_space<vmem>>, %arg10: memref<512xi32, #tpu.memory_space<vmem>>, %arg11: memref<512xi32, #tpu.memory_space<vmem>>, %arg12: memref<512xi32, #tpu.memory_space<vmem>>, %arg13: memref<512x16xf32, #tpu.memory_space<vmem>>, %arg14: memref<512x16xf32, #tpu.memory_space<vmem>>, %arg15: memref<512xf32, #tpu.memory_space<vmem>>, %arg16: memref<!tpu.dma_semaphore, #tpu.memory_space<semaphore_mem>>, %arg17: memref<!tpu.dma_semaphore, #tpu.memory_space<semaphore_mem>>, %arg18: memref<!tpu.dma_semaphore, #tpu.memory_space<semaphore_mem>>, %arg19: memref<!tpu.dma_semaphore, #tpu.memory_space<semaphore_mem>>, %arg20: memref<!tpu.dma_semaphore, #tpu.memory_space<semaphore_mem>>, %arg21: memref<!tpu.dma_semaphore, #tpu.memory_space<semaphore_mem>>, %arg22: memref<!tpu.dma_semaphore, #tpu.memory_space<semaphore_mem>>, %arg23: memref<!tpu.dma_semaphore, #tpu.memory_space<semaphore_mem>>, %arg24: memref<100352x16xf32, #tpu.memory_space<vmem_shared>>, %arg25: memref<100352xf32, #tpu.memory_space<vmem_shared>>) attributes {dimension_semantics = [#tpu.dimension_semantics<core_parallel>, #tpu.dimension_semantics<subcore_parallel>], iteration_bounds = array<i64: 2, 16>, scalar_prefetch = 0 : i64, scratch_operands = 17 : i64, tpu.core_type = #tpu.core_type<sc_vector_subcore>, window_params = [{transform_indices = #map}, {transform_indices = #map1}, {transform_indices = #map1}, {transform_indices = #map}, {transform_indices = #map1}, {transform_indices = #map2}, {transform_indices = #map}]} {
    %mul3A = arith.constant 16 : i32
    %mul3A_0 = arith.muli %arg0, %mul3A : i32
    %add3A = arith.addi %mul3A_0, %arg1 : i32
    %broadcast_in_dim3A = arith.constant 1.000000e+00 : f32
    %broadcast_in_dim3A_1 = vector.broadcast %broadcast_in_dim3A : f32 to vector<16xf32>
    %swap3A = arith.constant 0 : index
    %swap3A_2 = tpu.vector_load %arg15[%swap3A] {strides = array<i32>} : memref<512xf32, #tpu.memory_space<vmem>>, vector<16xf32>,
    %swap3A_3 = vector.shape_cast %swap3A_2 : vector<16xf32> to vector<16xf32>
    %swap3A_4 = vector.shape_cast %broadcast_in_dim3A_1 : vector<16xf32> to vector<16xf32>
    tpu.vector_store %arg15[%swap3A], %swap3A_4 {strides = array<i32>} : memref<512xf32, #tpu.memory_space<vmem>>, vector<16xf32>,
    %broadcast_in_dim3A_5 = arith.constant 1.000000e+00 : f32
    %broadcast_in_dim3A_6 = vector.broadcast %broadcast_in_dim3A_5 : f32 to vector<16xf32>
    %swap3A_7 = arith.constant 16 : index
    %swap3A_8 = tpu.vector_load %arg15[%swap3A_7] {strides = array<i32>} : memref<512xf32, #tpu.memory_space<vmem>>, vector<16xf32>,
    %swap3A_9 = vector.shape_cast %swap3A_8 : vector<16xf32> to vector<16xf32>
    %swap3A_10 = vector.shape_cast %broadcast_in_dim3A_6 : vector<16xf32> to vector<16xf32>
    tpu.vector_store %arg15[%swap3A_7], %swap3A_10 {strides = array<i32>} : memref<512xf32, #tpu.memory_space<vmem>>, vector<16xf32>,
    %broadcast_in_dim3A_11 = arith.constant 1.000000e+00 : f32
    %broadcast_in_dim3A_12 = vector.broadcast %broadcast_in_dim3A_11 : f32 to vector<16xf32>
    %swap3A_13 = arith.constant 32 : index
    %swap3A_14 = tpu.vector_load %arg15[%swap3A_13] {strides = array<i32>} : memref<512xf32, #tpu.memory_space<vmem>>, vector<16xf32>,
    %swap3A_15 = vector.shape_cast %swap3A_14 : vector<16xf32> to vector<16xf32>
    %swap3A_16 = vector.shape_cast %broadcast_in_dim3A_12 : vector<16xf32> to vector<16xf32>
    tpu.vector_store %arg15[%swap3A_13], %swap3A_16 {strides = array<i32>} : memref<512xf32, #tpu.memory_space<vmem>>, vector<16xf32>,
    %broadcast_in_dim3A_17 = arith.constant 1.000000e+00 : f32
    %broadcast_in_dim3A_18 = vector.broadcast %broadcast_in_dim3A_17 : f32 to vector<16xf32>
    %swap3A_19 = arith.constant 48 : index
    %swap3A_20 = tpu.vector_load %arg15[%swap3A_19] {strides = array<i32>} : memref<512xf32, #tpu.memory_space<vmem>>, vector<16xf32>,
    %swap3A_21 = vector.shape_cast %swap3A_20 : vector<16xf32> to vector<16xf32>
    %swap3A_22 = vector.shape_cast %broadcast_in_dim3A_18 : vector<16xf32> to vector<16xf32>
    tpu.vector_store %arg15[%swap3A_19], %swap3A_22 {strides = array<i32>} : memref<512xf32, #tpu.memory_space<vmem>>, vector<16xf32>,
    %broadcast_in_dim3A_23 = arith.constant 1.000000e+00 : f32
    %broadcast_in_dim3A_24 = vector.broadcast %broadcast_in_dim3A_23 : f32 to vector<16xf32>
    %swap3A_25 = arith.constant 64 : index
    %swap3A_26 = tpu.vector_load %arg15[%swap3A_25] {strides = array<i32>} : memref<512xf32, #tpu.memory_space<vmem>>, vector<16xf32>,
    %swap3A_27 = vector.shape_cast %swap3A_26 : vector<16xf32> to vector<16xf32>
    %swap3A_28 = vector.shape_cast %broadcast_in_dim3A_24 : vector<16xf32> to vector<16xf32>
    tpu.vector_store %arg15[%swap3A_25], %swap3A_28 {strides = array<i32>} : memref<512xf32, #tpu.memory_space<vmem>>, vector<16xf32>,
    %broadcast_in_dim3A_29 = arith.constant 1.000000e+00 : f32
    %broadcast_in_dim3A_30 = vector.broadcast %broadcast_in_dim3A_29 : f32 to vector<16xf32>
    %swap3A_31 = arith.constant 80 : index
    %swap3A_32 = tpu.vector_load %arg15[%swap3A_31] {strides = array<i32>} : memref<512xf32, #tpu.memory_space<vmem>>, vector<16xf32>,
    %swap3A_33 = vector.shape_cast %swap3A_32 : vector<16xf32> to vector<16xf32>
    %swap3A_34 = vector.shape_cast %broadcast_in_dim3A_30 : vector<16xf32> to vector<16xf32>
    tpu.vector_store %arg15[%swap3A_31], %swap3A_34 {strides = array<i32>} : memref<512xf32, #tpu.memory_space<vmem>>, vector<16xf32>,
    %broadcast_in_dim3A_35 = arith.constant 1.000000e+00 : f32
    %broadcast_in_dim3A_36 = vector.broadcast %broadcast_in_dim3A_35 : f32 to vector<16xf32>
    %swap3A_37 = arith.constant 96 : index
    %swap3A_38 = tpu.vector_load %arg15[%swap3A_37] {strides = array<i32>} : memref<512xf32, #tpu.memory_space<vmem>>, vector<16xf32>,
    %swap3A_39 = vector.shape_cast %swap3A_38 : vector<16xf32> to vector<16xf32>
    %swap3A_40 = vector.shape_cast %broadcast_in_dim3A_36 : vector<16xf32> to vector<16xf32>
    tpu.vector_store %arg15[%swap3A_37], %swap3A_40 {strides = array<i32>} : memref<512xf32, #tpu.memory_space<vmem>>, vector<16xf32>,
    %broadcast_in_dim3A_41 = arith.constant 1.000000e+00 : f32
    %broadcast_in_dim3A_42 = vector.broadcast %broadcast_in_dim3A_41 : f32 to vector<16xf32>
    %swap3A_43 = arith.constant 112 : index
    %swap3A_44 = tpu.vector_load %arg15[%swap3A_43] {strides = array<i32>} : memref<512xf32, #tpu.memory_space<vmem>>, vector<16xf32>,
    %swap3A_45 = vector.shape_cast %swap3A_44 : vector<16xf32> to vector<16xf32>
    %swap3A_46 = vector.shape_cast %broadcast_in_dim3A_42 : vector<16xf32> to vector<16xf32>
    tpu.vector_store %arg15[%swap3A_43], %swap3A_46 {strides = array<i32>} : memref<512xf32, #tpu.memory_space<vmem>>, vector<16xf32>,
    %broadcast_in_dim3A_47 = arith.constant 1.000000e+00 : f32
    %broadcast_in_dim3A_48 = vector.broadcast %broadcast_in_dim3A_47 : f32 to vector<16xf32>
    %swap3A_49 = arith.constant 128 : index
    %swap3A_50 = tpu.vector_load %arg15[%swap3A_49] {strides = array<i32>} : memref<512xf32, #tpu.memory_space<vmem>>, vector<16xf32>,
    %swap3A_51 = vector.shape_cast %swap3A_50 : vector<16xf32> to vector<16xf32>
    %swap3A_52 = vector.shape_cast %broadcast_in_dim3A_48 : vector<16xf32> to vector<16xf32>
    tpu.vector_store %arg15[%swap3A_49], %swap3A_52 {strides = array<i32>} : memref<512xf32, #tpu.memory_space<vmem>>, vector<16xf32>,
    %broadcast_in_dim3A_53 = arith.constant 1.000000e+00 : f32
    %broadcast_in_dim3A_54 = vector.broadcast %broadcast_in_dim3A_53 : f32 to vector<16xf32>
    %swap3A_55 = arith.constant 144 : index
    %swap3A_56 = tpu.vector_load %arg15[%swap3A_55] {strides = array<i32>} : memref<512xf32, #tpu.memory_space<vmem>>, vector<16xf32>,
    %swap3A_57 = vector.shape_cast %swap3A_56 : vector<16xf32> to vector<16xf32>
    %swap3A_58 = vector.shape_cast %broadcast_in_dim3A_54 : vector<16xf32> to vector<16xf32>
    tpu.vector_store %arg15[%swap3A_55], %swap3A_58 {strides = array<i32>} : memref<512xf32, #tpu.memory_space<vmem>>, vector<16xf32>,
    %broadcast_in_dim3A_59 = arith.constant 1.000000e+00 : f32
    %broadcast_in_dim3A_60 = vector.broadcast %broadcast_in_dim3A_59 : f32 to vector<16xf32>
    %swap3A_61 = arith.constant 160 : index
    %swap3A_62 = tpu.vector_load %arg15[%swap3A_61] {strides = array<i32>} : memref<512xf32, #tpu.memory_space<vmem>>, vector<16xf32>,
    %swap3A_63 = vector.shape_cast %swap3A_62 : vector<16xf32> to vector<16xf32>
    %swap3A_64 = vector.shape_cast %broadcast_in_dim3A_60 : vector<16xf32> to vector<16xf32>
    tpu.vector_store %arg15[%swap3A_61], %swap3A_64 {strides = array<i32>} : memref<512xf32, #tpu.memory_space<vmem>>, vector<16xf32>,
    %broadcast_in_dim3A_65 = arith.constant 1.000000e+00 : f32
    %broadcast_in_dim3A_66 = vector.broadcast %broadcast_in_dim3A_65 : f32 to vector<16xf32>
    %swap3A_67 = arith.constant 176 : index
    %swap3A_68 = tpu.vector_load %arg15[%swap3A_67] {strides = array<i32>} : memref<512xf32, #tpu.memory_space<vmem>>, vector<16xf32>,
    %swap3A_69 = vector.shape_cast %swap3A_68 : vector<16xf32> to vector<16xf32>
    %swap3A_70 = vector.shape_cast %broadcast_in_dim3A_66 : vector<16xf32> to vector<16xf32>
    tpu.vector_store %arg15[%swap3A_67], %swap3A_70 {strides = array<i32>} : memref<512xf32, #tpu.memory_space<vmem>>, vector<16xf32>,
    %broadcast_in_dim3A_71 = arith.constant 1.000000e+00 : f32
    %broadcast_in_dim3A_72 = vector.broadcast %broadcast_in_dim3A_71 : f32 to vector<16xf32>
    %swap3A_73 = arith.constant 192 : index
    %swap3A_74 = tpu.vector_load %arg15[%swap3A_73] {strides = array<i32>} : memref<512xf32, #tpu.memory_space<vmem>>, vector<16xf32>,
    %swap3A_75 = vector.shape_cast %swap3A_74 : vector<16xf32> to vector<16xf32>
    %swap3A_76 = vector.shape_cast %broadcast_in_dim3A_72 : vector<16xf32> to vector<16xf32>
    tpu.vector_store %arg15[%swap3A_73], %swap3A_76 {strides = array<i32>} : memref<512xf32, #tpu.memory_space<vmem>>, vector<16xf32>,
    %broadcast_in_dim3A_77 = arith.constant 1.000000e+00 : f32
    %broadcast_in_dim3A_78 = vector.broadcast %broadcast_in_dim3A_77 : f32 to vector<16xf32>
    %swap3A_79 = arith.constant 208 : index
    %swap3A_80 = tpu.vector_load %arg15[%swap3A_79] {strides = array<i32>} : memref<512xf32, #tpu.memory_space<vmem>>, vector<16xf32>,
    %swap3A_81 = vector.shape_cast %swap3A_80 : vector<16xf32> to vector<16xf32>
    %swap3A_82 = vector.shape_cast %broadcast_in_dim3A_78 : vector<16xf32> to vector<16xf32>
    tpu.vector_store %arg15[%swap3A_79], %swap3A_82 {strides = array<i32>} : memref<512xf32, #tpu.memory_space<vmem>>, vector<16xf32>,
    %broadcast_in_dim3A_83 = arith.constant 1.000000e+00 : f32
    %broadcast_in_dim3A_84 = vector.broadcast %broadcast_in_dim3A_83 : f32 to vector<16xf32>
    %swap3A_85 = arith.constant 224 : index
    %swap3A_86 = tpu.vector_load %arg15[%swap3A_85] {strides = array<i32>} : memref<512xf32, #tpu.memory_space<vmem>>, vector<16xf32>,
    %swap3A_87 = vector.shape_cast %swap3A_86 : vector<16xf32> to vector<16xf32>
    %swap3A_88 = vector.shape_cast %broadcast_in_dim3A_84 : vector<16xf32> to vector<16xf32>
    tpu.vector_store %arg15[%swap3A_85], %swap3A_88 {strides = array<i32>} : memref<512xf32, #tpu.memory_space<vmem>>, vector<16xf32>,
    %broadcast_in_dim3A_89 = arith.constant 1.000000e+00 : f32
    %broadcast_in_dim3A_90 = vector.broadcast %broadcast_in_dim3A_89 : f32 to vector<16xf32>
    %swap3A_91 = arith.constant 240 : index
    %swap3A_92 = tpu.vector_load %arg15[%swap3A_91] {strides = array<i32>} : memref<512xf32, #tpu.memory_space<vmem>>, vector<16xf32>,
    %swap3A_93 = vector.shape_cast %swap3A_92 : vector<16xf32> to vector<16xf32>
    %swap3A_94 = vector.shape_cast %broadcast_in_dim3A_90 : vector<16xf32> to vector<16xf32>
    tpu.vector_store %arg15[%swap3A_91], %swap3A_94 {strides = array<i32>} : memref<512xf32, #tpu.memory_space<vmem>>, vector<16xf32>,
    %broadcast_in_dim3A_95 = arith.constant 1.000000e+00 : f32
    %broadcast_in_dim3A_96 = vector.broadcast %broadcast_in_dim3A_95 : f32 to vector<16xf32>
    %swap3A_97 = arith.constant 256 : index
    %swap3A_98 = tpu.vector_load %arg15[%swap3A_97] {strides = array<i32>} : memref<512xf32, #tpu.memory_space<vmem>>, vector<16xf32>,
    %swap3A_99 = vector.shape_cast %swap3A_98 : vector<16xf32> to vector<16xf32>
    %swap3A_100 = vector.shape_cast %broadcast_in_dim3A_96 : vector<16xf32> to vector<16xf32>
    tpu.vector_store %arg15[%swap3A_97], %swap3A_100 {strides = array<i32>} : memref<512xf32, #tpu.memory_space<vmem>>, vector<16xf32>,
    %broadcast_in_dim3A_101 = arith.constant 1.000000e+00 : f32
    %broadcast_in_dim3A_102 = vector.broadcast %broadcast_in_dim3A_101 : f32 to vector<16xf32>
    %swap3A_103 = arith.constant 272 : index
    %swap3A_104 = tpu.vector_load %arg15[%swap3A_103] {strides = array<i32>} : memref<512xf32, #tpu.memory_space<vmem>>, vector<16xf32>,
    %swap3A_105 = vector.shape_cast %swap3A_104 : vector<16xf32> to vector<16xf32>
    %swap3A_106 = vector.shape_cast %broadcast_in_dim3A_102 : vector<16xf32> to vector<16xf32>
    tpu.vector_store %arg15[%swap3A_103], %swap3A_106 {strides = array<i32>} : memref<512xf32, #tpu.memory_space<vmem>>, vector<16xf32>,
    %broadcast_in_dim3A_107 = arith.constant 1.000000e+00 : f32
    %broadcast_in_dim3A_108 = vector.broadcast %broadcast_in_dim3A_107 : f32 to vector<16xf32>
    %swap3A_109 = arith.constant 288 : index
    %swap3A_110 = tpu.vector_load %arg15[%swap3A_109] {strides = array<i32>} : memref<512xf32, #tpu.memory_space<vmem>>, vector<16xf32>,
    %swap3A_111 = vector.shape_cast %swap3A_110 : vector<16xf32> to vector<16xf32>
    %swap3A_112 = vector.shape_cast %broadcast_in_dim3A_108 : vector<16xf32> to vector<16xf32>
    tpu.vector_store %arg15[%swap3A_109], %swap3A_112 {strides = array<i32>} : memref<512xf32, #tpu.memory_space<vmem>>, vector<16xf32>,
    %broadcast_in_dim3A_113 = arith.constant 1.000000e+00 : f32
    %broadcast_in_dim3A_114 = vector.broadcast %broadcast_in_dim3A_113 : f32 to vector<16xf32>
    %swap3A_115 = arith.constant 304 : index
    %swap3A_116 = tpu.vector_load %arg15[%swap3A_115] {strides = array<i32>} : memref<512xf32, #tpu.memory_space<vmem>>, vector<16xf32>,
    %swap3A_117 = vector.shape_cast %swap3A_116 : vector<16xf32> to vector<16xf32>
    %swap3A_118 = vector.shape_cast %broadcast_in_dim3A_114 : vector<16xf32> to vector<16xf32>
    tpu.vector_store %arg15[%swap3A_115], %swap3A_118 {strides = array<i32>} : memref<512xf32, #tpu.memory_space<vmem>>, vector<16xf32>,
    %broadcast_in_dim3A_119 = arith.constant 1.000000e+00 : f32
    %broadcast_in_dim3A_120 = vector.broadcast %broadcast_in_dim3A_119 : f32 to vector<16xf32>
    %swap3A_121 = arith.constant 320 : index
    %swap3A_122 = tpu.vector_load %arg15[%swap3A_121] {strides = array<i32>} : memref<512xf32, #tpu.memory_space<vmem>>, vector<16xf32>,
    %swap3A_123 = vector.shape_cast %swap3A_122 : vector<16xf32> to vector<16xf32>
    %swap3A_124 = vector.shape_cast %broadcast_in_dim3A_120 : vector<16xf32> to vector<16xf32>
    tpu.vector_store %arg15[%swap3A_121], %swap3A_124 {strides = array<i32>} : memref<512xf32, #tpu.memory_space<vmem>>, vector<16xf32>,
    %broadcast_in_dim3A_125 = arith.constant 1.000000e+00 : f32
    %broadcast_in_dim3A_126 = vector.broadcast %broadcast_in_dim3A_125 : f32 to vector<16xf32>
    %swap3A_127 = arith.constant 336 : index
    %swap3A_128 = tpu.vector_load %arg15[%swap3A_127] {strides = array<i32>} : memref<512xf32, #tpu.memory_space<vmem>>, vector<16xf32>,
    %swap3A_129 = vector.shape_cast %swap3A_128 : vector<16xf32> to vector<16xf32>
    %swap3A_130 = vector.shape_cast %broadcast_in_dim3A_126 : vector<16xf32> to vector<16xf32>
    tpu.vector_store %arg15[%swap3A_127], %swap3A_130 {strides = array<i32>} : memref<512xf32, #tpu.memory_space<vmem>>, vector<16xf32>,
    %broadcast_in_dim3A_131 = arith.constant 1.000000e+00 : f32
    %broadcast_in_dim3A_132 = vector.broadcast %broadcast_in_dim3A_131 : f32 to vector<16xf32>
    %swap3A_133 = arith.constant 352 : index
    %swap3A_134 = tpu.vector_load %arg15[%swap3A_133] {strides = array<i32>} : memref<512xf32, #tpu.memory_space<vmem>>, vector<16xf32>,
    %swap3A_135 = vector.shape_cast %swap3A_134 : vector<16xf32> to vector<16xf32>
    %swap3A_136 = vector.shape_cast %broadcast_in_dim3A_132 : vector<16xf32> to vector<16xf32>
    tpu.vector_store %arg15[%swap3A_133], %swap3A_136 {strides = array<i32>} : memref<512xf32, #tpu.memory_space<vmem>>, vector<16xf32>,
    %broadcast_in_dim3A_137 = arith.constant 1.000000e+00 : f32
    %broadcast_in_dim3A_138 = vector.broadcast %broadcast_in_dim3A_137 : f32 to vector<16xf32>
    %swap3A_139 = arith.constant 368 : index
    %swap3A_140 = tpu.vector_load %arg15[%swap3A_139] {strides = array<i32>} : memref<512xf32, #tpu.memory_space<vmem>>, vector<16xf32>,
    %swap3A_141 = vector.shape_cast %swap3A_140 : vector<16xf32> to vector<16xf32>
    %swap3A_142 = vector.shape_cast %broadcast_in_dim3A_138 : vector<16xf32> to vector<16xf32>
    tpu.vector_store %arg15[%swap3A_139], %swap3A_142 {strides = array<i32>} : memref<512xf32, #tpu.memory_space<vmem>>, vector<16xf32>,
    %broadcast_in_dim3A_143 = arith.constant 1.000000e+00 : f32
    %broadcast_in_dim3A_144 = vector.broadcast %broadcast_in_dim3A_143 : f32 to vector<16xf32>
    %swap3A_145 = arith.constant 384 : index
    %swap3A_146 = tpu.vector_load %arg15[%swap3A_145] {strides = array<i32>} : memref<512xf32, #tpu.memory_space<vmem>>, vector<16xf32>,
    %swap3A_147 = vector.shape_cast %swap3A_146 : vector<16xf32> to vector<16xf32>
    %swap3A_148 = vector.shape_cast %broadcast_in_dim3A_144 : vector<16xf32> to vector<16xf32>
    tpu.vector_store %arg15[%swap3A_145], %swap3A_148 {strides = array<i32>} : memref<512xf32, #tpu.memory_space<vmem>>, vector<16xf32>,
    %broadcast_in_dim3A_149 = arith.constant 1.000000e+00 : f32
    %broadcast_in_dim3A_150 = vector.broadcast %broadcast_in_dim3A_149 : f32 to vector<16xf32>
    %swap3A_151 = arith.constant 400 : index
    %swap3A_152 = tpu.vector_load %arg15[%swap3A_151] {strides = array<i32>} : memref<512xf32, #tpu.memory_space<vmem>>, vector<16xf32>,
    %swap3A_153 = vector.shape_cast %swap3A_152 : vector<16xf32> to vector<16xf32>
    %swap3A_154 = vector.shape_cast %broadcast_in_dim3A_150 : vector<16xf32> to vector<16xf32>
    tpu.vector_store %arg15[%swap3A_151], %swap3A_154 {strides = array<i32>} : memref<512xf32, #tpu.memory_space<vmem>>, vector<16xf32>,
    %broadcast_in_dim3A_155 = arith.constant 1.000000e+00 : f32
    %broadcast_in_dim3A_156 = vector.broadcast %broadcast_in_dim3A_155 : f32 to vector<16xf32>
    %swap3A_157 = arith.constant 416 : index
    %swap3A_158 = tpu.vector_load %arg15[%swap3A_157] {strides = array<i32>} : memref<512xf32, #tpu.memory_space<vmem>>, vector<16xf32>,
    %swap3A_159 = vector.shape_cast %swap3A_158 : vector<16xf32> to vector<16xf32>
    %swap3A_160 = vector.shape_cast %broadcast_in_dim3A_156 : vector<16xf32> to vector<16xf32>
    tpu.vector_store %arg15[%swap3A_157], %swap3A_160 {strides = array<i32>} : memref<512xf32, #tpu.memory_space<vmem>>, vector<16xf32>,
    %broadcast_in_dim3A_161 = arith.constant 1.000000e+00 : f32
    %broadcast_in_dim3A_162 = vector.broadcast %broadcast_in_dim3A_161 : f32 to vector<16xf32>
    %swap3A_163 = arith.constant 432 : index
    %swap3A_164 = tpu.vector_load %arg15[%swap3A_163] {strides = array<i32>} : memref<512xf32, #tpu.memory_space<vmem>>, vector<16xf32>,
    %swap3A_165 = vector.shape_cast %swap3A_164 : vector<16xf32> to vector<16xf32>
    %swap3A_166 = vector.shape_cast %broadcast_in_dim3A_162 : vector<16xf32> to vector<16xf32>
    tpu.vector_store %arg15[%swap3A_163], %swap3A_166 {strides = array<i32>} : memref<512xf32, #tpu.memory_space<vmem>>, vector<16xf32>,
    %broadcast_in_dim3A_167 = arith.constant 1.000000e+00 : f32
    %broadcast_in_dim3A_168 = vector.broadcast %broadcast_in_dim3A_167 : f32 to vector<16xf32>
    %swap3A_169 = arith.constant 448 : index
    %swap3A_170 = tpu.vector_load %arg15[%swap3A_169] {strides = array<i32>} : memref<512xf32, #tpu.memory_space<vmem>>, vector<16xf32>,
    %swap3A_171 = vector.shape_cast %swap3A_170 : vector<16xf32> to vector<16xf32>
    %swap3A_172 = vector.shape_cast %broadcast_in_dim3A_168 : vector<16xf32> to vector<16xf32>
    tpu.vector_store %arg15[%swap3A_169], %swap3A_172 {strides = array<i32>} : memref<512xf32, #tpu.memory_space<vmem>>, vector<16xf32>,
    %broadcast_in_dim3A_173 = arith.constant 1.000000e+00 : f32
    %broadcast_in_dim3A_174 = vector.broadcast %broadcast_in_dim3A_173 : f32 to vector<16xf32>
    %swap3A_175 = arith.constant 464 : index
    %swap3A_176 = tpu.vector_load %arg15[%swap3A_175] {strides = array<i32>} : memref<512xf32, #tpu.memory_space<vmem>>, vector<16xf32>,
    %swap3A_177 = vector.shape_cast %swap3A_176 : vector<16xf32> to vector<16xf32>
    %swap3A_178 = vector.shape_cast %broadcast_in_dim3A_174 : vector<16xf32> to vector<16xf32>
    tpu.vector_store %arg15[%swap3A_175], %swap3A_178 {strides = array<i32>} : memref<512xf32, #tpu.memory_space<vmem>>, vector<16xf32>,
    %broadcast_in_dim3A_179 = arith.constant 1.000000e+00 : f32
    %broadcast_in_dim3A_180 = vector.broadcast %broadcast_in_dim3A_179 : f32 to vector<16xf32>
    %swap3A_181 = arith.constant 480 : index
    %swap3A_182 = tpu.vector_load %arg15[%swap3A_181] {strides = array<i32>} : memref<512xf32, #tpu.memory_space<vmem>>, vector<16xf32>,
    %swap3A_183 = vector.shape_cast %swap3A_182 : vector<16xf32> to vector<16xf32>
    %swap3A_184 = vector.shape_cast %broadcast_in_dim3A_180 : vector<16xf32> to vector<16xf32>
    tpu.vector_store %arg15[%swap3A_181], %swap3A_184 {strides = array<i32>} : memref<512xf32, #tpu.memory_space<vmem>>, vector<16xf32>,
    %broadcast_in_dim3A_185 = arith.constant 1.000000e+00 : f32
    %broadcast_in_dim3A_186 = vector.broadcast %broadcast_in_dim3A_185 : f32 to vector<16xf32>
    %swap3A_187 = arith.constant 496 : index
    %swap3A_188 = tpu.vector_load %arg15[%swap3A_187] {strides = array<i32>} : memref<512xf32, #tpu.memory_space<vmem>>, vector<16xf32>,
    %swap3A_189 = vector.shape_cast %swap3A_188 : vector<16xf32> to vector<16xf32>
    %swap3A_190 = vector.shape_cast %broadcast_in_dim3A_186 : vector<16xf32> to vector<16xf32>
    tpu.vector_store %arg15[%swap3A_187], %swap3A_190 {strides = array<i32>} : memref<512xf32, #tpu.memory_space<vmem>>, vector<16xf32>,
    %mul3A_191 = arith.constant 6272 : i32
    %mul3A_192 = arith.muli %arg1, %mul3A_191 : i32
    "tpu.region"() ({
      %run_scoped3A = tpu.sem_alloc : memref<!tpu.dma_semaphore, #tpu.memory_space<semaphore_mem>>
      %dma_start3A_213 = arith.constant 0 : i32
      %dma_start3A_214 = tpu.memref_slice %arg24[%mul3A_192, %dma_start3A_213] : memref<100352x16xf32, #tpu.memory_space<vmem_shared>> -> memref<6272x16xf32, #tpu.memory_space<vmem_shared>>
      tpu.enqueue_dma source(%arg5 : memref<6272x16xf32, #tpu.memory_space<hbm>>) target(%dma_start3A_214 : memref<6272x16xf32, #tpu.memory_space<vmem_shared>>) target_semaphore(%run_scoped3A : memref<!tpu.dma_semaphore, #tpu.memory_space<semaphore_mem>>)
      %dma_wait3A_215 = arith.constant 0 : i32
      %dma_wait3A_216 = tpu.memref_slice %arg24[%mul3A_192, %dma_wait3A_215] : memref<100352x16xf32, #tpu.memory_space<vmem_shared>> -> memref<6272x16xf32, #tpu.memory_space<vmem_shared>>
      tpu.wait_dma2 semaphore(%run_scoped3A : memref<!tpu.dma_semaphore, #tpu.memory_space<semaphore_mem>>) src(%arg5 : memref<6272x16xf32, #tpu.memory_space<hbm>>) dst(%dma_wait3A_216 : memref<6272x16xf32, #tpu.memory_space<vmem_shared>>)
      tpu.yield
    }) : () -> ()
    "tpu.region"() ({
      %run_scoped3A = tpu.sem_alloc : memref<!tpu.dma_semaphore, #tpu.memory_space<semaphore_mem>>
      %dma_start3A_213 = tpu.memref_slice %arg25[%mul3A_192] : memref<100352xf32, #tpu.memory_space<vmem_shared>> -> memref<6272xf32, #tpu.memory_space<vmem_shared>>
      tpu.enqueue_dma source(%arg6 : memref<6272xf32, #tpu.memory_space<hbm>>) target(%dma_start3A_213 : memref<6272xf32, #tpu.memory_space<vmem_shared>>) target_semaphore(%run_scoped3A : memref<!tpu.dma_semaphore, #tpu.memory_space<semaphore_mem>>)
      %dma_wait3A_214 = tpu.memref_slice %arg25[%mul3A_192] : memref<100352xf32, #tpu.memory_space<vmem_shared>> -> memref<6272xf32, #tpu.memory_space<vmem_shared>>
      tpu.wait_dma2 semaphore(%run_scoped3A : memref<!tpu.dma_semaphore, #tpu.memory_space<semaphore_mem>>) src(%arg6 : memref<6272xf32, #tpu.memory_space<hbm>>) dst(%dma_wait3A_214 : memref<6272xf32, #tpu.memory_space<vmem_shared>>)
      tpu.yield
    }) : () -> ()
    %barrier3A = arith.constant 0 : index
    tpu.barrier barrier_id(%barrier3A)
    %mul3A_193 = arith.constant 196 : i32
    %mul3A_194 = arith.muli %add3A, %mul3A_193 : i32
    %mul3A_195 = arith.constant 512 : i32
    %mul3A_196 = arith.muli %mul3A_194, %mul3A_195 : i32
    %add3A_197 = arith.constant 0 : i32
    %add3A_198 = arith.addi %mul3A_196, %add3A_197 : i32
    %dma_start3A = tpu.memref_slice %arg3[%add3A_198] : memref<3211264xi32, #tpu.memory_space<hbm>> -> memref<512xi32, #tpu.memory_space<hbm>>
    %dma_start3A_199 = tpu.memref_slice %arg3[%add3A_198] : memref<3211264xi32, #tpu.memory_space<hbm>> -> memref<512xi32, #tpu.memory_space<hbm>>
    tpu.enqueue_dma source(%dma_start3A_199 : memref<512xi32, #tpu.memory_space<hbm>>) target(%arg9 : memref<512xi32, #tpu.memory_space<vmem>>) target_semaphore(%arg16 : memref<!tpu.dma_semaphore, #tpu.memory_space<semaphore_mem>>)
    %add3A_200 = arith.constant 0 : i32
    %add3A_201 = arith.addi %mul3A_196, %add3A_200 : i32
    %dma_start3A_202 = tpu.memref_slice %arg4[%add3A_201] : memref<3211264xi32, #tpu.memory_space<hbm>> -> memref<512xi32, #tpu.memory_space<hbm>>
    %dma_start3A_203 = tpu.memref_slice %arg4[%add3A_201] : memref<3211264xi32, #tpu.memory_space<hbm>> -> memref<512xi32, #tpu.memory_space<hbm>>
    tpu.enqueue_dma source(%dma_start3A_203 : memref<512xi32, #tpu.memory_space<hbm>>) target(%arg11 : memref<512xi32, #tpu.memory_space<vmem>>) target_semaphore(%arg16 : memref<!tpu.dma_semaphore, #tpu.memory_space<semaphore_mem>>)
    %scan3A = arith.constant 0 : i32
    %scan3A_204 = arith.constant 98 : i32
    %scan3A_205 = arith.addi %scan3A, %scan3A_204 : i32
    %scan3A_206 = arith.constant 1 : i32
    scf.for %scan3A_213 = %scan3A to %scan3A_205 step %scan3A_206  : i32 {
      %mul3A_214 = arith.constant 2 : i32
      %mul3A_215 = arith.muli %scan3A_213, %mul3A_214 : i32
      %add3A_216 = arith.constant 0 : i32
      %add3A_217 = arith.addi %add3A_216, %mul3A_215 : i32
      %mul3A_218 = arith.constant 512 : i32
      %mul3A_219 = arith.muli %add3A_217, %mul3A_218 : i32
      %add3A_220 = arith.addi %mul3A_196, %mul3A_219 : i32
      %dma_wait3A_221 = tpu.memref_slice %arg3[%add3A_220] : memref<3211264xi32, #tpu.memory_space<hbm>> -> memref<512xi32, #tpu.memory_space<hbm>>
      %dma_wait3A_222 = tpu.memref_slice %arg3[%add3A_220] : memref<3211264xi32, #tpu.memory_space<hbm>> -> memref<512xi32, #tpu.memory_space<hbm>>
      tpu.wait_dma2 semaphore(%arg16 : memref<!tpu.dma_semaphore, #tpu.memory_space<semaphore_mem>>) src(%dma_wait3A_222 : memref<512xi32, #tpu.memory_space<hbm>>) dst(%arg9 : memref<512xi32, #tpu.memory_space<vmem>>)
      %mul3A_223 = arith.constant 512 : i32
      %mul3A_224 = arith.muli %add3A_217, %mul3A_223 : i32
      %add3A_225 = arith.addi %mul3A_196, %mul3A_224 : i32
      %dma_wait3A_226 = tpu.memref_slice %arg4[%add3A_225] : memref<3211264xi32, #tpu.memory_space<hbm>> -> memref<512xi32, #tpu.memory_space<hbm>>
      %dma_wait3A_227 = tpu.memref_slice %arg4[%add3A_225] : memref<3211264xi32, #tpu.memory_space<hbm>> -> memref<512xi32, #tpu.memory_space<hbm>>
      tpu.wait_dma2 semaphore(%arg16 : memref<!tpu.dma_semaphore, #tpu.memory_space<semaphore_mem>>) src(%dma_wait3A_227 : memref<512xi32, #tpu.memory_space<hbm>>) dst(%arg11 : memref<512xi32, #tpu.memory_space<vmem>>)
      %dma_start3A_228 = arith.constant 0 : i32
      %dma_start3A_229 = arith.constant 0 : i32
      %dma_start3A_230 = tpu.memref_slice %arg2[%dma_start3A_228, %dma_start3A_229] : memref<100352x16xf32, #tpu.memory_space<hbm>> -> memref<100352x16xf32, #tpu.memory_space<hbm>>
      tpu.enqueue_indirect_dma source(%dma_start3A_230 : memref<100352x16xf32, #tpu.memory_space<hbm>>) target(%arg13 : memref<512x16xf32, #tpu.memory_space<vmem>>) offsets(%arg9 : memref<512xi32, #tpu.memory_space<vmem>>) semaphore(%arg18 : memref<!tpu.dma_semaphore, #tpu.memory_space<semaphore_mem>>)
      %gt3A = arith.constant 0 : i32
      %gt3A_231 = arith.cmpi sgt, %add3A_217, %gt3A : i32
      %convert_element_type3A = arith.extui %gt3A_231 : i1 to i32
      %cond3A = arith.constant 0 : i32
      %cond3A_232 = arith.cmpi ne, %convert_element_type3A, %cond3A : i32
      scf.if %cond3A_232 {
        %dma_wait3A_287 = arith.constant 0 : i32
        %dma_wait3A_288 = arith.constant 0 : i32
        %dma_wait3A_289 = tpu.memref_slice %arg24[%dma_wait3A_287, %dma_wait3A_288] : memref<100352x16xf32, #tpu.memory_space<vmem_shared>> -> memref<100352x16xf32, #tpu.memory_space<vmem_shared>>
        tpu.wait_indirect_dma semaphore(%arg21 : memref<!tpu.dma_semaphore, #tpu.memory_space<semaphore_mem>>) src(%arg14 : memref<512x16xf32, #tpu.memory_space<vmem>>) dst(%dma_wait3A_289 : memref<100352x16xf32, #tpu.memory_space<vmem_shared>>)
        %dma_wait3A_290 = arith.constant 0 : i32
        %dma_wait3A_291 = tpu.memref_slice %arg25[%dma_wait3A_290] : memref<100352xf32, #tpu.memory_space<vmem_shared>> -> memref<100352xf32, #tpu.memory_space<vmem_shared>>
        tpu.wait_indirect_dma semaphore(%arg23 : memref<!tpu.dma_semaphore, #tpu.memory_space<semaphore_mem>>) src(%arg15 : memref<512xf32, #tpu.memory_space<vmem>>) dst(%dma_wait3A_291 : memref<100352xf32, #tpu.memory_space<vmem_shared>>)
      } else {
      }
      %add3A_233 = arith.constant 1 : i32
      %add3A_234 = arith.addi %add3A_217, %add3A_233 : i32
      %mul3A_235 = arith.constant 512 : i32
      %mul3A_236 = arith.muli %add3A_234, %mul3A_235 : i32
      %add3A_237 = arith.addi %mul3A_196, %mul3A_236 : i32
      %dma_start3A_238 = tpu.memref_slice %arg3[%add3A_237] : memref<3211264xi32, #tpu.memory_space<hbm>> -> memref<512xi32, #tpu.memory_space<hbm>>
      %dma_start3A_239 = tpu.memref_slice %arg3[%add3A_237] : memref<3211264xi32, #tpu.memory_space<hbm>> -> memref<512xi32, #tpu.memory_space<hbm>>
      tpu.enqueue_dma source(%dma_start3A_239 : memref<512xi32, #tpu.memory_space<hbm>>) target(%arg10 : memref<512xi32, #tpu.memory_space<vmem>>) target_semaphore(%arg17 : memref<!tpu.dma_semaphore, #tpu.memory_space<semaphore_mem>>)
      %mul3A_240 = arith.constant 512 : i32
      %mul3A_241 = arith.muli %add3A_234, %mul3A_240 : i32
      %add3A_242 = arith.addi %mul3A_196, %mul3A_241 : i32
      %dma_start3A_243 = tpu.memref_slice %arg4[%add3A_242] : memref<3211264xi32, #tpu.memory_space<hbm>> -> memref<512xi32, #tpu.memory_space<hbm>>
      %dma_start3A_244 = tpu.memref_slice %arg4[%add3A_242] : memref<3211264xi32, #tpu.memory_space<hbm>> -> memref<512xi32, #tpu.memory_space<hbm>>
      tpu.enqueue_dma source(%dma_start3A_244 : memref<512xi32, #tpu.memory_space<hbm>>) target(%arg12 : memref<512xi32, #tpu.memory_space<vmem>>) target_semaphore(%arg17 : memref<!tpu.dma_semaphore, #tpu.memory_space<semaphore_mem>>)
      %dma_wait3A_245 = arith.constant 0 : i32
      %dma_wait3A_246 = arith.constant 0 : i32
      %dma_wait3A_247 = tpu.memref_slice %arg2[%dma_wait3A_245, %dma_wait3A_246] : memref<100352x16xf32, #tpu.memory_space<hbm>> -> memref<100352x16xf32, #tpu.memory_space<hbm>>
      tpu.wait_indirect_dma semaphore(%arg18 : memref<!tpu.dma_semaphore, #tpu.memory_space<semaphore_mem>>) src(%dma_wait3A_247 : memref<100352x16xf32, #tpu.memory_space<hbm>>) dst(%arg13 : memref<512x16xf32, #tpu.memory_space<vmem>>)
      %dma_start3A_248 = arith.constant 0 : i32
      %dma_start3A_249 = arith.constant 0 : i32
      %dma_start3A_250 = tpu.memref_slice %arg24[%dma_start3A_248, %dma_start3A_249] : memref<100352x16xf32, #tpu.memory_space<vmem_shared>> -> memref<100352x16xf32, #tpu.memory_space<vmem_shared>>
      tpu.enqueue_indirect_dma source(%arg13 : memref<512x16xf32, #tpu.memory_space<vmem>>) target(%dma_start3A_250 : memref<100352x16xf32, #tpu.memory_space<vmem_shared>>) offsets(%arg11 : memref<512xi32, #tpu.memory_space<vmem>>) semaphore(%arg20 : memref<!tpu.dma_semaphore, #tpu.memory_space<semaphore_mem>>) {add = true}
      %dma_start3A_251 = arith.constant 0 : i32
      %dma_start3A_252 = tpu.memref_slice %arg25[%dma_start3A_251] : memref<100352xf32, #tpu.memory_space<vmem_shared>> -> memref<100352xf32, #tpu.memory_space<vmem_shared>>
      tpu.enqueue_indirect_dma source(%arg15 : memref<512xf32, #tpu.memory_space<vmem>>) target(%dma_start3A_252 : memref<100352xf32, #tpu.memory_space<vmem_shared>>) offsets(%arg11 : memref<512xi32, #tpu.memory_space<vmem>>) semaphore(%arg22 : memref<!tpu.dma_semaphore, #tpu.memory_space<semaphore_mem>>) {add = true}
      %add3A_253 = arith.constant 1 : i32
      %add3A_254 = arith.addi %add3A_217, %add3A_253 : i32
      %mul3A_255 = arith.constant 512 : i32
      %mul3A_256 = arith.muli %add3A_254, %mul3A_255 : i32
      %add3A_257 = arith.addi %mul3A_196, %mul3A_256 : i32
      %dma_wait3A_258 = tpu.memref_slice %arg3[%add3A_257] : memref<3211264xi32, #tpu.memory_space<hbm>> -> memref<512xi32, #tpu.memory_space<hbm>>
      %dma_wait3A_259 = tpu.memref_slice %arg3[%add3A_257] : memref<3211264xi32, #tpu.memory_space<hbm>> -> memref<512xi32, #tpu.memory_space<hbm>>
      tpu.wait_dma2 semaphore(%arg17 : memref<!tpu.dma_semaphore, #tpu.memory_space<semaphore_mem>>) src(%dma_wait3A_259 : memref<512xi32, #tpu.memory_space<hbm>>) dst(%arg10 : memref<512xi32, #tpu.memory_space<vmem>>)
      %mul3A_260 = arith.constant 512 : i32
      %mul3A_261 = arith.muli %add3A_254, %mul3A_260 : i32
      %add3A_262 = arith.addi %mul3A_196, %mul3A_261 : i32
      %dma_wait3A_263 = tpu.memref_slice %arg4[%add3A_262] : memref<3211264xi32, #tpu.memory_space<hbm>> -> memref<512xi32, #tpu.memory_space<hbm>>
      %dma_wait3A_264 = tpu.memref_slice %arg4[%add3A_262] : memref<3211264xi32, #tpu.memory_space<hbm>> -> memref<512xi32, #tpu.memory_space<hbm>>
      tpu.wait_dma2 semaphore(%arg17 : memref<!tpu.dma_semaphore, #tpu.memory_space<semaphore_mem>>) src(%dma_wait3A_264 : memref<512xi32, #tpu.memory_space<hbm>>) dst(%arg12 : memref<512xi32, #tpu.memory_space<vmem>>)
      %dma_start3A_265 = arith.constant 0 : i32
      %dma_start3A_266 = arith.constant 0 : i32
      %dma_start3A_267 = tpu.memref_slice %arg2[%dma_start3A_265, %dma_start3A_266] : memref<100352x16xf32, #tpu.memory_space<hbm>> -> memref<100352x16xf32, #tpu.memory_space<hbm>>
      tpu.enqueue_indirect_dma source(%dma_start3A_267 : memref<100352x16xf32, #tpu.memory_space<hbm>>) target(%arg14 : memref<512x16xf32, #tpu.memory_space<vmem>>) offsets(%arg10 : memref<512xi32, #tpu.memory_space<vmem>>) semaphore(%arg19 : memref<!tpu.dma_semaphore, #tpu.memory_space<semaphore_mem>>)
      %dma_wait3A_268 = arith.constant 0 : i32
      %dma_wait3A_269 = arith.constant 0 : i32
      %dma_wait3A_270 = tpu.memref_slice %arg24[%dma_wait3A_268, %dma_wait3A_269] : memref<100352x16xf32, #tpu.memory_space<vmem_shared>> -> memref<100352x16xf32, #tpu.memory_space<vmem_shared>>
      tpu.wait_indirect_dma semaphore(%arg20 : memref<!tpu.dma_semaphore, #tpu.memory_space<semaphore_mem>>) src(%arg13 : memref<512x16xf32, #tpu.memory_space<vmem>>) dst(%dma_wait3A_270 : memref<100352x16xf32, #tpu.memory_space<vmem_shared>>)
      %dma_wait3A_271 = arith.constant 0 : i32
      %dma_wait3A_272 = tpu.memref_slice %arg25[%dma_wait3A_271] : memref<100352xf32, #tpu.memory_space<vmem_shared>> -> memref<100352xf32, #tpu.memory_space<vmem_shared>>
      tpu.wait_indirect_dma semaphore(%arg22 : memref<!tpu.dma_semaphore, #tpu.memory_space<semaphore_mem>>) src(%arg15 : memref<512xf32, #tpu.memory_space<vmem>>) dst(%dma_wait3A_272 : memref<100352xf32, #tpu.memory_space<vmem_shared>>)
      %add3A_273 = arith.constant 2 : i32
      %add3A_274 = arith.addi %add3A_217, %add3A_273 : i32
      %lt3A = arith.constant 196 : i32
      %lt3A_275 = arith.cmpi slt, %add3A_274, %lt3A : i32
      %convert_element_type3A_276 = arith.extui %lt3A_275 : i1 to i32
      %cond3A_277 = arith.constant 0 : i32
      %cond3A_278 = arith.cmpi ne, %convert_element_type3A_276, %cond3A_277 : i32
      scf.if %cond3A_278 {
        %add3A_287 = arith.constant 2 : i32
        %add3A_288 = arith.addi %add3A_217, %add3A_287 : i32
        %mul3A_289 = arith.constant 512 : i32
        %mul3A_290 = arith.muli %add3A_288, %mul3A_289 : i32
        %add3A_291 = arith.addi %mul3A_196, %mul3A_290 : i32
        %dma_start3A_292 = tpu.memref_slice %arg3[%add3A_291] : memref<3211264xi32, #tpu.memory_space<hbm>> -> memref<512xi32, #tpu.memory_space<hbm>>
        %dma_start3A_293 = tpu.memref_slice %arg3[%add3A_291] : memref<3211264xi32, #tpu.memory_space<hbm>> -> memref<512xi32, #tpu.memory_space<hbm>>
        tpu.enqueue_dma source(%dma_start3A_293 : memref<512xi32, #tpu.memory_space<hbm>>) target(%arg9 : memref<512xi32, #tpu.memory_space<vmem>>) target_semaphore(%arg16 : memref<!tpu.dma_semaphore, #tpu.memory_space<semaphore_mem>>)
        %mul3A_294 = arith.constant 512 : i32
        %mul3A_295 = arith.muli %add3A_288, %mul3A_294 : i32
        %add3A_296 = arith.addi %mul3A_196, %mul3A_295 : i32
        %dma_start3A_297 = tpu.memref_slice %arg4[%add3A_296] : memref<3211264xi32, #tpu.memory_space<hbm>> -> memref<512xi32, #tpu.memory_space<hbm>>
        %dma_start3A_298 = tpu.memref_slice %arg4[%add3A_296] : memref<3211264xi32, #tpu.memory_space<hbm>> -> memref<512xi32, #tpu.memory_space<hbm>>
        tpu.enqueue_dma source(%dma_start3A_298 : memref<512xi32, #tpu.memory_space<hbm>>) target(%arg11 : memref<512xi32, #tpu.memory_space<vmem>>) target_semaphore(%arg16 : memref<!tpu.dma_semaphore, #tpu.memory_space<semaphore_mem>>)
      } else {
      }
      %dma_wait3A_279 = arith.constant 0 : i32
      %dma_wait3A_280 = arith.constant 0 : i32
      %dma_wait3A_281 = tpu.memref_slice %arg2[%dma_wait3A_279, %dma_wait3A_280] : memref<100352x16xf32, #tpu.memory_space<hbm>> -> memref<100352x16xf32, #tpu.memory_space<hbm>>
      tpu.wait_indirect_dma semaphore(%arg19 : memref<!tpu.dma_semaphore, #tpu.memory_space<semaphore_mem>>) src(%dma_wait3A_281 : memref<100352x16xf32, #tpu.memory_space<hbm>>) dst(%arg14 : memref<512x16xf32, #tpu.memory_space<vmem>>)
      %dma_start3A_282 = arith.constant 0 : i32
      %dma_start3A_283 = arith.constant 0 : i32
      %dma_start3A_284 = tpu.memref_slice %arg24[%dma_start3A_282, %dma_start3A_283] : memref<100352x16xf32, #tpu.memory_space<vmem_shared>> -> memref<100352x16xf32, #tpu.memory_space<vmem_shared>>
      tpu.enqueue_indirect_dma source(%arg14 : memref<512x16xf32, #tpu.memory_space<vmem>>) target(%dma_start3A_284 : memref<100352x16xf32, #tpu.memory_space<vmem_shared>>) offsets(%arg12 : memref<512xi32, #tpu.memory_space<vmem>>) semaphore(%arg21 : memref<!tpu.dma_semaphore, #tpu.memory_space<semaphore_mem>>) {add = true}
      %dma_start3A_285 = arith.constant 0 : i32
      %dma_start3A_286 = tpu.memref_slice %arg25[%dma_start3A_285] : memref<100352xf32, #tpu.memory_space<vmem_shared>> -> memref<100352xf32, #tpu.memory_space<vmem_shared>>
      tpu.enqueue_indirect_dma source(%arg15 : memref<512xf32, #tpu.memory_space<vmem>>) target(%dma_start3A_286 : memref<100352xf32, #tpu.memory_space<vmem_shared>>) offsets(%arg12 : memref<512xi32, #tpu.memory_space<vmem>>) semaphore(%arg23 : memref<!tpu.dma_semaphore, #tpu.memory_space<semaphore_mem>>) {add = true}
    }
    %scan3A_207 = arith.constant 98 : i32
    %dma_wait3A = arith.constant 0 : i32
    %dma_wait3A_208 = arith.constant 0 : i32
    %dma_wait3A_209 = tpu.memref_slice %arg24[%dma_wait3A, %dma_wait3A_208] : memref<100352x16xf32, #tpu.memory_space<vmem_shared>> -> memref<100352x16xf32, #tpu.memory_space<vmem_shared>>
    tpu.wait_indirect_dma semaphore(%arg21 : memref<!tpu.dma_semaphore, #tpu.memory_space<semaphore_mem>>) src(%arg14 : memref<512x16xf32, #tpu.memory_space<vmem>>) dst(%dma_wait3A_209 : memref<100352x16xf32, #tpu.memory_space<vmem_shared>>)
    %dma_wait3A_210 = arith.constant 0 : i32
    %dma_wait3A_211 = tpu.memref_slice %arg25[%dma_wait3A_210] : memref<100352xf32, #tpu.memory_space<vmem_shared>> -> memref<100352xf32, #tpu.memory_space<vmem_shared>>
    tpu.wait_indirect_dma semaphore(%arg23 : memref<!tpu.dma_semaphore, #tpu.memory_space<semaphore_mem>>) src(%arg15 : memref<512xf32, #tpu.memory_space<vmem>>) dst(%dma_wait3A_211 : memref<100352xf32, #tpu.memory_space<vmem_shared>>)
    %barrier3A_212 = arith.constant 0 : index
    tpu.barrier barrier_id(%barrier3A_212)
    "tpu.region"() ({
      %run_scoped3A = tpu.sem_alloc : memref<!tpu.dma_semaphore, #tpu.memory_space<semaphore_mem>>
      %dma_start3A_213 = arith.constant 0 : i32
      %dma_start3A_214 = arith.constant 0 : i32
      %dma_start3A_215 = tpu.memref_slice %arg7[%arg0, %dma_start3A_213, %dma_start3A_214] : memref<2x100352x16xf32, #tpu.memory_space<hbm>> -> memref<1x100352x16xf32, #tpu.memory_space<hbm>>
      %dma_start3A_216 = tpu.memref_squeeze %dma_start3A_215 : memref<1x100352x16xf32, #tpu.memory_space<hbm>> -> memref<100352x16xf32, #tpu.memory_space<hbm>>
      %dma_start3A_217 = arith.constant 0 : i32
      %dma_start3A_218 = tpu.memref_slice %dma_start3A_216[%mul3A_192, %dma_start3A_217] : memref<100352x16xf32, #tpu.memory_space<hbm>> -> memref<6272x16xf32, #tpu.memory_space<hbm>>
      %dma_start3A_219 = arith.constant 0 : i32
      %dma_start3A_220 = tpu.memref_slice %arg24[%mul3A_192, %dma_start3A_219] : memref<100352x16xf32, #tpu.memory_space<vmem_shared>> -> memref<6272x16xf32, #tpu.memory_space<vmem_shared>>
      tpu.enqueue_dma source(%dma_start3A_220 : memref<6272x16xf32, #tpu.memory_space<vmem_shared>>) target(%dma_start3A_218 : memref<6272x16xf32, #tpu.memory_space<hbm>>) target_semaphore(%run_scoped3A : memref<!tpu.dma_semaphore, #tpu.memory_space<semaphore_mem>>)
      %dma_wait3A_221 = arith.constant 0 : i32
      %dma_wait3A_222 = arith.constant 0 : i32
      %dma_wait3A_223 = tpu.memref_slice %arg7[%arg0, %dma_wait3A_221, %dma_wait3A_222] : memref<2x100352x16xf32, #tpu.memory_space<hbm>> -> memref<1x100352x16xf32, #tpu.memory_space<hbm>>
      %dma_wait3A_224 = tpu.memref_squeeze %dma_wait3A_223 : memref<1x100352x16xf32, #tpu.memory_space<hbm>> -> memref<100352x16xf32, #tpu.memory_space<hbm>>
      %dma_wait3A_225 = arith.constant 0 : i32
      %dma_wait3A_226 = tpu.memref_slice %dma_wait3A_224[%mul3A_192, %dma_wait3A_225] : memref<100352x16xf32, #tpu.memory_space<hbm>> -> memref<6272x16xf32, #tpu.memory_space<hbm>>
      %dma_wait3A_227 = arith.constant 0 : i32
      %dma_wait3A_228 = tpu.memref_slice %arg24[%mul3A_192, %dma_wait3A_227] : memref<100352x16xf32, #tpu.memory_space<vmem_shared>> -> memref<6272x16xf32, #tpu.memory_space<vmem_shared>>
      tpu.wait_dma2 semaphore(%run_scoped3A : memref<!tpu.dma_semaphore, #tpu.memory_space<semaphore_mem>>) src(%dma_wait3A_228 : memref<6272x16xf32, #tpu.memory_space<vmem_shared>>) dst(%dma_wait3A_226 : memref<6272x16xf32, #tpu.memory_space<hbm>>)
      tpu.yield
    }) : () -> ()
    "tpu.region"() ({
      %run_scoped3A = tpu.sem_alloc : memref<!tpu.dma_semaphore, #tpu.memory_space<semaphore_mem>>
      %dma_start3A_213 = arith.constant 0 : i32
      %dma_start3A_214 = tpu.memref_slice %arg8[%arg0, %dma_start3A_213] : memref<2x100352xf32, #tpu.memory_space<hbm>> -> memref<1x100352xf32, #tpu.memory_space<hbm>>
      %dma_start3A_215 = tpu.memref_squeeze %dma_start3A_214 : memref<1x100352xf32, #tpu.memory_space<hbm>> -> memref<100352xf32, #tpu.memory_space<hbm>>
      %dma_start3A_216 = tpu.memref_slice %dma_start3A_215[%mul3A_192] : memref<100352xf32, #tpu.memory_space<hbm>> -> memref<6272xf32, #tpu.memory_space<hbm>>
      %dma_start3A_217 = tpu.memref_slice %arg25[%mul3A_192] : memref<100352xf32, #tpu.memory_space<vmem_shared>> -> memref<6272xf32, #tpu.memory_space<vmem_shared>>
      tpu.enqueue_dma source(%dma_start3A_217 : memref<6272xf32, #tpu.memory_space<vmem_shared>>) target(%dma_start3A_216 : memref<6272xf32, #tpu.memory_space<hbm>>) target_semaphore(%run_scoped3A : memref<!tpu.dma_semaphore, #tpu.memory_space<semaphore_mem>>)
      %dma_wait3A_218 = arith.constant 0 : i32
      %dma_wait3A_219 = tpu.memref_slice %arg8[%arg0, %dma_wait3A_218] : memref<2x100352xf32, #tpu.memory_space<hbm>> -> memref<1x100352xf32, #tpu.memory_space<hbm>>
      %dma_wait3A_220 = tpu.memref_squeeze %dma_wait3A_219 : memref<1x100352xf32, #tpu.memory_space<hbm>> -> memref<100352xf32, #tpu.memory_space<hbm>>
      %dma_wait3A_221 = tpu.memref_slice %dma_wait3A_220[%mul3A_192] : memref<100352xf32, #tpu.memory_space<hbm>> -> memref<6272xf32, #tpu.memory_space<hbm>>
      %dma_wait3A_222 = tpu.memref_slice %arg25[%mul3A_192] : memref<100352xf32, #tpu.memory_space<vmem_shared>> -> memref<6272xf32, #tpu.memory_space<vmem_shared>>
      tpu.wait_dma2 semaphore(%run_scoped3A : memref<!tpu.dma_semaphore, #tpu.memory_space<semaphore_mem>>) src(%dma_wait3A_222 : memref<6272xf32, #tpu.memory_space<vmem_shared>>) dst(%dma_wait3A_221 : memref<6272xf32, #tpu.memory_space<hbm>>)
      tpu.yield
    }) : () -> ()
    return
  }
}

module attributes {stable_mosaic.version = 14 : i64} {
  func.func @body(%arg0: i32, %arg1: memref<2x256x128xf32, #tpu.memory_space<vmem>>, %arg2: memref<2x256x128xf32, #tpu.memory_space<vmem>>, %arg3: memref<256x128xf32, #tpu.memory_space<vmem>>, %arg4: memref<128x512xf32, #tpu.memory_space<vmem>>, %arg5: memref<1x512xf32, #tpu.memory_space<vmem>>, %arg6: memref<128x512xf32, #tpu.memory_space<vmem>>, %arg7: memref<512x128xf32, #tpu.memory_space<vmem>>, %arg8: memref<512x128xf32, #tpu.memory_space<vmem>>, %arg9: memref<512x128xf32, #tpu.memory_space<vmem>>, %arg10: memref<512x128xf32, #tpu.memory_space<vmem>>, %arg11: memref<512x512xf32, #tpu.memory_space<vmem>>, %arg12: memref<256x128xf32, #tpu.memory_space<vmem>>, %arg13: memref<256x128xf32, #tpu.memory_space<vmem>>, %arg14: memref<256x128xf32, #tpu.memory_space<vmem>>, %arg15: memref<256x128xf32, #tpu.memory_space<vmem>>, %arg16: memref<256x128xf32, #tpu.memory_space<vmem>>) attributes {dimension_semantics = [#tpu.dimension_semantics<arbitrary>], iteration_bounds = array<i64: 49>, scalar_prefetch = 0 : i64, scratch_operands = 0 : i64, tpu.core_type = #tpu.core_type<tc>, window_params = [{transform_indices = @transform_0, window_bounds = array<i64: 2, 256, 128>}, {transform_indices = @transform_1, window_bounds = array<i64: 2, 256, 128>}, {transform_indices = @transform_2, window_bounds = array<i64: 256, 128>}, {pipeline_mode = #tpu.pipeline_mode<synchronous>, transform_indices = @transform_3, window_bounds = array<i64: 128, 512>}, {pipeline_mode = #tpu.pipeline_mode<synchronous>, transform_indices = @transform_4, window_bounds = array<i64: 1, 512>}, {pipeline_mode = #tpu.pipeline_mode<synchronous>, transform_indices = @transform_5, window_bounds = array<i64: 128, 512>}, {pipeline_mode = #tpu.pipeline_mode<synchronous>, transform_indices = @transform_6, window_bounds = array<i64: 512, 128>}, {pipeline_mode = #tpu.pipeline_mode<synchronous>, transform_indices = @transform_7, window_bounds = array<i64: 512, 128>}, {pipeline_mode = #tpu.pipeline_mode<synchronous>, transform_indices = @transform_8, window_bounds = array<i64: 512, 128>}, {pipeline_mode = #tpu.pipeline_mode<synchronous>, transform_indices = @transform_9, window_bounds = array<i64: 512, 128>}, {pipeline_mode = #tpu.pipeline_mode<synchronous>, transform_indices = @transform_10, window_bounds = array<i64: 512, 512>}, {transform_indices = @transform_11, window_bounds = array<i64: 256, 128>}, {transform_indices = @transform_12, window_bounds = array<i64: 256, 128>}, {transform_indices = @transform_13, window_bounds = array<i64: 256, 128>}, {transform_indices = @transform_14, window_bounds = array<i64: 256, 128>}, {transform_indices = @transform_15, window_bounds = array<i64: 256, 128>}]} {
    %get3A = arith.constant 0 : index
    %get3A_0 = arith.constant 0 : index
    %get3A_1 = arith.constant 0 : index
    %get3A_2 = vector.load %arg1[%get3A, %get3A_0, %get3A_1] : memref<2x256x128xf32, #tpu.memory_space<vmem>>, vector<1x256x128xf32>
    %get3A_3 = vector.shape_cast %get3A_2 : vector<1x256x128xf32> to vector<256x128xf32>
    %get3A_4 = arith.constant 1 : index
    %get3A_5 = arith.constant 0 : index
    %get3A_6 = arith.constant 0 : index
    %get3A_7 = vector.load %arg1[%get3A_4, %get3A_5, %get3A_6] : memref<2x256x128xf32, #tpu.memory_space<vmem>>, vector<1x256x128xf32>
    %get3A_8 = vector.shape_cast %get3A_7 : vector<1x256x128xf32> to vector<256x128xf32>
    %add3A = arith.addf %get3A_3, %get3A_8 : vector<256x128xf32>
    %get3A_9 = arith.constant 0 : index
    %get3A_10 = arith.constant 0 : index
    %get3A_11 = arith.constant 0 : index
    %get3A_12 = vector.load %arg2[%get3A_9, %get3A_10, %get3A_11] : memref<2x256x128xf32, #tpu.memory_space<vmem>>, vector<1x256x128xf32>
    %get3A_13 = vector.shape_cast %get3A_12 : vector<1x256x128xf32> to vector<256x128xf32>
    %get3A_14 = arith.constant 1 : index
    %get3A_15 = arith.constant 0 : index
    %get3A_16 = arith.constant 0 : index
    %get3A_17 = vector.load %arg2[%get3A_14, %get3A_15, %get3A_16] : memref<2x256x128xf32, #tpu.memory_space<vmem>>, vector<1x256x128xf32>
    %get3A_18 = vector.shape_cast %get3A_17 : vector<1x256x128xf32> to vector<256x128xf32>
    %add3A_19 = arith.addf %get3A_13, %get3A_18 : vector<256x128xf32>
    %max3A = arith.constant 1.000000e+00 : f32
    %max3A_20 = vector.broadcast %max3A : f32 to vector<256x128xf32>
    %max3A_21 = arith.maximumf %add3A_19, %max3A_20 : vector<256x128xf32>
    %div3A = arith.constant 1.000000e+00 : f32
    %div3A_22 = vector.broadcast %div3A : f32 to vector<256x128xf32>
    %div3A_23 = arith.divf %div3A_22, %max3A_21 : vector<256x128xf32>
    %mul3A = arith.mulf %add3A, %div3A_23 : vector<256x128xf32>
    %get3A_24 = arith.constant 0 : index
    %get3A_25 = arith.constant 0 : index
    %get3A_26 = vector.load %arg4[%get3A_24, %get3A_25] : memref<128x512xf32, #tpu.memory_space<vmem>>, vector<128x512xf32>
    %dot_general3A = arith.constant dense<0.000000e+00> : vector<256x512xf32>
    %dot_general3A_27 = tpu.matmul %mul3A, %get3A_26, %dot_general3A {dimension_numbers = #tpu.dot_dimension_numbers<[1], [0], [0], [1], [0, 0, 1, 1], [], []>, transpose_lhs_hint = false} : vector<256x128xf32>, vector<128x512xf32>, vector<256x512xf32> -> vector<256x512xf32>
    %get3A_28 = arith.constant 0 : index
    %get3A_29 = arith.constant 0 : index
    %get3A_30 = vector.load %arg5[%get3A_28, %get3A_29] : memref<1x512xf32, #tpu.memory_space<vmem>>, vector<1x512xf32>
    %add3A_31 = vector.broadcast %get3A_30 : vector<1x512xf32> to vector<256x512xf32>
    %add3A_32 = arith.addf %dot_general3A_27, %add3A_31 : vector<256x512xf32>
    %get3A_33 = arith.constant 0 : index
    %get3A_34 = arith.constant 0 : index
    %get3A_35 = vector.load %arg3[%get3A_33, %get3A_34] : memref<256x128xf32, #tpu.memory_space<vmem>>, vector<256x128xf32>
    %get3A_36 = arith.constant 0 : index
    %get3A_37 = arith.constant 0 : index
    %get3A_38 = vector.load %arg6[%get3A_36, %get3A_37] : memref<128x512xf32, #tpu.memory_space<vmem>>, vector<128x512xf32>
    %dot_general3A_39 = arith.constant dense<0.000000e+00> : vector<256x512xf32>
    %dot_general3A_40 = tpu.matmul %get3A_35, %get3A_38, %dot_general3A_39 {dimension_numbers = #tpu.dot_dimension_numbers<[1], [0], [0], [1], [0, 0, 1, 1], [], []>, transpose_lhs_hint = false} : vector<256x128xf32>, vector<128x512xf32>, vector<256x512xf32> -> vector<256x512xf32>
    %add3A_41 = arith.addf %add3A_32, %dot_general3A_40 : vector<256x512xf32>
    %mul3A_42 = arith.mulf %add3A_41, %add3A_41 : vector<256x512xf32>
    %get3A_43 = arith.constant 0 : index
    %get3A_44 = arith.constant 0 : index
    %get3A_45 = vector.load %arg11[%get3A_43, %get3A_44] : memref<512x512xf32, #tpu.memory_space<vmem>>, vector<512x512xf32>
    %dot_general3A_46 = arith.constant dense<0.000000e+00> : vector<256x512xf32>
    %dot_general3A_47 = tpu.matmul %mul3A_42, %get3A_45, %dot_general3A_46 {dimension_numbers = #tpu.dot_dimension_numbers<[1], [0], [0], [1], [0, 0, 1, 1], [], []>, transpose_lhs_hint = false} : vector<256x512xf32>, vector<512x512xf32>, vector<256x512xf32> -> vector<256x512xf32>
    %sqrt3A = math.sqrt %dot_general3A_47 : vector<256x512xf32>
    %max3A_48 = arith.constant 9.99999996E-13 : f32
    %max3A_49 = vector.broadcast %max3A_48 : f32 to vector<256x512xf32>
    %max3A_50 = arith.maximumf %sqrt3A, %max3A_49 : vector<256x512xf32>
    %div3A_51 = arith.divf %add3A_41, %max3A_50 : vector<256x512xf32>
    %gt3A = arith.constant 0.000000e+00 : f32
    %gt3A_52 = vector.broadcast %gt3A : f32 to vector<256x512xf32>
    %gt3A_53 = arith.cmpf ogt, %div3A_51, %gt3A_52 : vector<256x512xf32>
    %exp3A = math.exp %div3A_51 : vector<256x512xf32>
    %sub3A = arith.constant 1.000000e+00 : f32
    %sub3A_54 = vector.broadcast %sub3A : f32 to vector<256x512xf32>
    %sub3A_55 = arith.subf %exp3A, %sub3A_54 : vector<256x512xf32>
    %select_n3A = arith.select %gt3A_53, %div3A_51, %sub3A_55 : vector<256x512xi1>, vector<256x512xf32>
    %get3A_56 = arith.constant 0 : index
    %get3A_57 = arith.constant 0 : index
    %get3A_58 = vector.load %arg7[%get3A_56, %get3A_57] : memref<512x128xf32, #tpu.memory_space<vmem>>, vector<512x128xf32>
    %dot_general3A_59 = arith.constant dense<0.000000e+00> : vector<256x128xf32>
    %dot_general3A_60 = tpu.matmul %select_n3A, %get3A_58, %dot_general3A_59 {dimension_numbers = #tpu.dot_dimension_numbers<[1], [0], [0], [1], [0, 0, 1, 1], [], []>, transpose_lhs_hint = false} : vector<256x512xf32>, vector<512x128xf32>, vector<256x128xf32> -> vector<256x128xf32>
    %swap3A = arith.constant 0 : index
    %swap3A_61 = arith.constant 0 : index
    %swap3A_62 = vector.load %arg12[%swap3A, %swap3A_61] : memref<256x128xf32, #tpu.memory_space<vmem>>, vector<256x128xf32>
    tpu.vector_store %arg12[%swap3A, %swap3A_61], %dot_general3A_60 {strides = array<i32>} : memref<256x128xf32, #tpu.memory_space<vmem>>, vector<256x128xf32>,
    %get3A_63 = arith.constant 0 : index
    %get3A_64 = arith.constant 0 : index
    %get3A_65 = vector.load %arg8[%get3A_63, %get3A_64] : memref<512x128xf32, #tpu.memory_space<vmem>>, vector<512x128xf32>
    %dot_general3A_66 = arith.constant dense<0.000000e+00> : vector<256x128xf32>
    %dot_general3A_67 = tpu.matmul %select_n3A, %get3A_65, %dot_general3A_66 {dimension_numbers = #tpu.dot_dimension_numbers<[1], [0], [0], [1], [0, 0, 1, 1], [], []>, transpose_lhs_hint = false} : vector<256x512xf32>, vector<512x128xf32>, vector<256x128xf32> -> vector<256x128xf32>
    %swap3A_68 = arith.constant 0 : index
    %swap3A_69 = arith.constant 0 : index
    %swap3A_70 = vector.load %arg13[%swap3A_68, %swap3A_69] : memref<256x128xf32, #tpu.memory_space<vmem>>, vector<256x128xf32>
    tpu.vector_store %arg13[%swap3A_68, %swap3A_69], %dot_general3A_67 {strides = array<i32>} : memref<256x128xf32, #tpu.memory_space<vmem>>, vector<256x128xf32>,
    %get3A_71 = arith.constant 0 : index
    %get3A_72 = arith.constant 0 : index
    %get3A_73 = vector.load %arg9[%get3A_71, %get3A_72] : memref<512x128xf32, #tpu.memory_space<vmem>>, vector<512x128xf32>
    %dot_general3A_74 = arith.constant dense<0.000000e+00> : vector<256x128xf32>
    %dot_general3A_75 = tpu.matmul %select_n3A, %get3A_73, %dot_general3A_74 {dimension_numbers = #tpu.dot_dimension_numbers<[1], [0], [0], [1], [0, 0, 1, 1], [], []>, transpose_lhs_hint = false} : vector<256x512xf32>, vector<512x128xf32>, vector<256x128xf32> -> vector<256x128xf32>
    %swap3A_76 = arith.constant 0 : index
    %swap3A_77 = arith.constant 0 : index
    %swap3A_78 = vector.load %arg14[%swap3A_76, %swap3A_77] : memref<256x128xf32, #tpu.memory_space<vmem>>, vector<256x128xf32>
    tpu.vector_store %arg14[%swap3A_76, %swap3A_77], %dot_general3A_75 {strides = array<i32>} : memref<256x128xf32, #tpu.memory_space<vmem>>, vector<256x128xf32>,
    %get3A_79 = arith.constant 0 : index
    %get3A_80 = arith.constant 0 : index
    %get3A_81 = vector.load %arg10[%get3A_79, %get3A_80] : memref<512x128xf32, #tpu.memory_space<vmem>>, vector<512x128xf32>
    %dot_general3A_82 = arith.constant dense<0.000000e+00> : vector<256x128xf32>
    %dot_general3A_83 = tpu.matmul %select_n3A, %get3A_81, %dot_general3A_82 {dimension_numbers = #tpu.dot_dimension_numbers<[1], [0], [0], [1], [0, 0, 1, 1], [], []>, transpose_lhs_hint = false} : vector<256x512xf32>, vector<512x128xf32>, vector<256x128xf32> -> vector<256x128xf32>
    %swap3A_84 = arith.constant 0 : index
    %swap3A_85 = arith.constant 0 : index
    %swap3A_86 = vector.load %arg15[%swap3A_84, %swap3A_85] : memref<256x128xf32, #tpu.memory_space<vmem>>, vector<256x128xf32>
    tpu.vector_store %arg15[%swap3A_84, %swap3A_85], %dot_general3A_83 {strides = array<i32>} : memref<256x128xf32, #tpu.memory_space<vmem>>, vector<256x128xf32>,
    %swap3A_87 = arith.constant 0 : index
    %swap3A_88 = arith.constant 0 : index
    %swap3A_89 = vector.load %arg16[%swap3A_87, %swap3A_88] : memref<256x128xf32, #tpu.memory_space<vmem>>, vector<256x128xf32>
    tpu.vector_store %arg16[%swap3A_87, %swap3A_88], %div3A_23 {strides = array<i32>} : memref<256x128xf32, #tpu.memory_space<vmem>>, vector<256x128xf32>,
    return
  }
  func.func @transform_0(%arg0: i32) -> (i32, i32, i32) {
    %c0_i32 = arith.constant 0 : i32
    %c0_i32_0 = arith.constant 0 : i32
    %c0_i32_1 = arith.constant 0 : i32
    return %c0_i32, %arg0, %c0_i32_0 : i32, i32, i32
  }
  func.func @transform_1(%arg0: i32) -> (i32, i32, i32) {
    %c0_i32 = arith.constant 0 : i32
    %c0_i32_0 = arith.constant 0 : i32
    %c0_i32_1 = arith.constant 0 : i32
    return %c0_i32, %arg0, %c0_i32_0 : i32, i32, i32
  }
  func.func @transform_2(%arg0: i32) -> (i32, i32) {
    %c0_i32 = arith.constant 0 : i32
    %c0_i32_0 = arith.constant 0 : i32
    return %arg0, %c0_i32 : i32, i32
  }
  func.func @transform_3(%arg0: i32) -> (i32, i32) {
    %c0_i32 = arith.constant 0 : i32
    %c0_i32_0 = arith.constant 0 : i32
    %c0_i32_1 = arith.constant 0 : i32
    return %c0_i32, %c0_i32_0 : i32, i32
  }
  func.func @transform_4(%arg0: i32) -> (i32, i32) {
    %c0_i32 = arith.constant 0 : i32
    %c0_i32_0 = arith.constant 0 : i32
    %c0_i32_1 = arith.constant 0 : i32
    return %c0_i32, %c0_i32_0 : i32, i32
  }
  func.func @transform_5(%arg0: i32) -> (i32, i32) {
    %c0_i32 = arith.constant 0 : i32
    %c0_i32_0 = arith.constant 0 : i32
    %c0_i32_1 = arith.constant 0 : i32
    return %c0_i32, %c0_i32_0 : i32, i32
  }
  func.func @transform_6(%arg0: i32) -> (i32, i32) {
    %c0_i32 = arith.constant 0 : i32
    %c0_i32_0 = arith.constant 0 : i32
    %c0_i32_1 = arith.constant 0 : i32
    return %c0_i32, %c0_i32_0 : i32, i32
  }
  func.func @transform_7(%arg0: i32) -> (i32, i32) {
    %c0_i32 = arith.constant 0 : i32
    %c0_i32_0 = arith.constant 0 : i32
    %c0_i32_1 = arith.constant 0 : i32
    return %c0_i32, %c0_i32_0 : i32, i32
  }
  func.func @transform_8(%arg0: i32) -> (i32, i32) {
    %c0_i32 = arith.constant 0 : i32
    %c0_i32_0 = arith.constant 0 : i32
    %c0_i32_1 = arith.constant 0 : i32
    return %c0_i32, %c0_i32_0 : i32, i32
  }
  func.func @transform_9(%arg0: i32) -> (i32, i32) {
    %c0_i32 = arith.constant 0 : i32
    %c0_i32_0 = arith.constant 0 : i32
    %c0_i32_1 = arith.constant 0 : i32
    return %c0_i32, %c0_i32_0 : i32, i32
  }
  func.func @transform_10(%arg0: i32) -> (i32, i32) {
    %c0_i32 = arith.constant 0 : i32
    %c0_i32_0 = arith.constant 0 : i32
    %c0_i32_1 = arith.constant 0 : i32
    return %c0_i32, %c0_i32_0 : i32, i32
  }
  func.func @transform_11(%arg0: i32) -> (i32, i32) {
    %c0_i32 = arith.constant 0 : i32
    %c0_i32_0 = arith.constant 0 : i32
    return %arg0, %c0_i32 : i32, i32
  }
  func.func @transform_12(%arg0: i32) -> (i32, i32) {
    %c0_i32 = arith.constant 0 : i32
    %c0_i32_0 = arith.constant 0 : i32
    return %arg0, %c0_i32 : i32, i32
  }
  func.func @transform_13(%arg0: i32) -> (i32, i32) {
    %c0_i32 = arith.constant 0 : i32
    %c0_i32_0 = arith.constant 0 : i32
    return %arg0, %c0_i32 : i32, i32
  }
  func.func @transform_14(%arg0: i32) -> (i32, i32) {
    %c0_i32 = arith.constant 0 : i32
    %c0_i32_0 = arith.constant 0 : i32
    return %arg0, %c0_i32 : i32, i32
  }
  func.func @transform_15(%arg0: i32) -> (i32, i32) {
    %c0_i32 = arith.constant 0 : i32
    %c0_i32_0 = arith.constant 0 : i32
    return %arg0, %c0_i32 : i32, i32
  }
}

module attributes {stable_mosaic.version = 14 : i64} {
  func.func @body(%arg0: i32, %arg1: memref<2x256x128xf32, #tpu.memory_space<vmem>>, %arg2: memref<256x128xf32, #tpu.memory_space<vmem>>, %arg3: memref<256x128xf32, #tpu.memory_space<vmem>>, %arg4: memref<256x128xf32, #tpu.memory_space<vmem>>, %arg5: memref<1x128xf32, #tpu.memory_space<vmem>>, %arg6: memref<1x128xf32, #tpu.memory_space<vmem>>, %arg7: memref<128x128xf32, #tpu.memory_space<vmem>>, %arg8: memref<1024x8xf32, #tpu.memory_space<vmem>>, %arg9: memref<16x32xf32, #tpu.memory_space<vmem>>, %arg10: memref<1x16xf32, #tpu.memory_space<vmem>>, %arg11: memref<128x16xf32, #tpu.memory_space<vmem>>, %arg12: memref<1x128xf32, #tpu.memory_space<vmem>>, %arg13: memref<128x128xf32, #tpu.memory_space<vmem>>, %arg14: memref<1x128xf32, #tpu.memory_space<vmem>>, %arg15: memref<128x128xf32, #tpu.memory_space<vmem>>, %arg16: memref<1x128xf32, #tpu.memory_space<vmem>>, %arg17: memref<128x128xf32, #tpu.memory_space<vmem>>, %arg18: memref<1x128xf32, #tpu.memory_space<vmem>>, %arg19: memref<16x128xf32, #tpu.memory_space<vmem>>, %arg20: memref<1x16xf32, #tpu.memory_space<vmem>>, %arg21: memref<1x128xf32, #tpu.memory_space<vmem>>, %arg22: memref<1x128xf32, #tpu.memory_space<vmem>>, %arg23: memref<1024x1xf32, #tpu.memory_space<vmem>>) attributes {dimension_semantics = [#tpu.dimension_semantics<arbitrary>], iteration_bounds = array<i64: 49>, scalar_prefetch = 0 : i64, scratch_operands = 0 : i64, tpu.core_type = #tpu.core_type<tc>, window_params = [{transform_indices = @transform_0, window_bounds = array<i64: 2, 256, 128>}, {transform_indices = @transform_1, window_bounds = array<i64: 256, 128>}, {transform_indices = @transform_2, window_bounds = array<i64: 256, 128>}, {transform_indices = @transform_3, window_bounds = array<i64: 256, 128>}, {pipeline_mode = #tpu.pipeline_mode<synchronous>, transform_indices = @transform_4, window_bounds = array<i64: 1, 128>}, {pipeline_mode = #tpu.pipeline_mode<synchronous>, transform_indices = @transform_5, window_bounds = array<i64: 1, 128>}, {pipeline_mode = #tpu.pipeline_mode<synchronous>, transform_indices = @transform_6, window_bounds = array<i64: 128, 128>}, {pipeline_mode = #tpu.pipeline_mode<synchronous>, transform_indices = @transform_7, window_bounds = array<i64: 1024, 8>}, {pipeline_mode = #tpu.pipeline_mode<synchronous>, transform_indices = @transform_8, window_bounds = array<i64: 16, 32>}, {pipeline_mode = #tpu.pipeline_mode<synchronous>, transform_indices = @transform_9, window_bounds = array<i64: 1, 16>}, {pipeline_mode = #tpu.pipeline_mode<synchronous>, transform_indices = @transform_10, window_bounds = array<i64: 128, 16>}, {pipeline_mode = #tpu.pipeline_mode<synchronous>, transform_indices = @transform_11, window_bounds = array<i64: 1, 128>}, {pipeline_mode = #tpu.pipeline_mode<synchronous>, transform_indices = @transform_12, window_bounds = array<i64: 128, 128>}, {pipeline_mode = #tpu.pipeline_mode<synchronous>, transform_indices = @transform_13, window_bounds = array<i64: 1, 128>}, {pipeline_mode = #tpu.pipeline_mode<synchronous>, transform_indices = @transform_14, window_bounds = array<i64: 128, 128>}, {pipeline_mode = #tpu.pipeline_mode<synchronous>, transform_indices = @transform_15, window_bounds = array<i64: 1, 128>}, {pipeline_mode = #tpu.pipeline_mode<synchronous>, transform_indices = @transform_16, window_bounds = array<i64: 128, 128>}, {pipeline_mode = #tpu.pipeline_mode<synchronous>, transform_indices = @transform_17, window_bounds = array<i64: 1, 128>}, {pipeline_mode = #tpu.pipeline_mode<synchronous>, transform_indices = @transform_18, window_bounds = array<i64: 16, 128>}, {pipeline_mode = #tpu.pipeline_mode<synchronous>, transform_indices = @transform_19, window_bounds = array<i64: 1, 16>}, {pipeline_mode = #tpu.pipeline_mode<synchronous>, transform_indices = @transform_20, window_bounds = array<i64: 1, 128>}, {pipeline_mode = #tpu.pipeline_mode<synchronous>, transform_indices = @transform_21, window_bounds = array<i64: 1, 128>}, {pipeline_mode = #tpu.pipeline_mode<synchronous>, transform_indices = @transform_22, window_bounds = array<i64: 1024, 1>}]} {
    %get3A = arith.constant 0 : index
    %get3A_0 = arith.constant 0 : index
    %get3A_1 = vector.load %arg2[%get3A, %get3A_0] : memref<256x128xf32, #tpu.memory_space<vmem>>, vector<256x128xf32>
    %get3A_2 = arith.constant 0 : index
    %get3A_3 = arith.constant 0 : index
    %get3A_4 = arith.constant 0 : index
    %get3A_5 = vector.load %arg1[%get3A_2, %get3A_3, %get3A_4] : memref<2x256x128xf32, #tpu.memory_space<vmem>>, vector<1x256x128xf32>
    %get3A_6 = vector.shape_cast %get3A_5 : vector<1x256x128xf32> to vector<256x128xf32>
    %mul3A = arith.mulf %get3A_6, %get3A_1 : vector<256x128xf32>
    %get3A_7 = arith.constant 0 : index
    %get3A_8 = arith.constant 0 : index
    %get3A_9 = vector.load %arg5[%get3A_7, %get3A_8] : memref<1x128xf32, #tpu.memory_space<vmem>>, vector<1x128xf32>
    %add3A = vector.broadcast %get3A_9 : vector<1x128xf32> to vector<256x128xf32>
    %add3A_10 = arith.addf %mul3A, %add3A : vector<256x128xf32>
    %get3A_11 = arith.constant 0 : index
    %get3A_12 = arith.constant 0 : index
    %get3A_13 = vector.load %arg3[%get3A_11, %get3A_12] : memref<256x128xf32, #tpu.memory_space<vmem>>, vector<256x128xf32>
    %add3A_14 = arith.addf %add3A_10, %get3A_13 : vector<256x128xf32>
    %get3A_15 = arith.constant 1 : index
    %get3A_16 = arith.constant 0 : index
    %get3A_17 = arith.constant 0 : index
    %get3A_18 = vector.load %arg1[%get3A_15, %get3A_16, %get3A_17] : memref<2x256x128xf32, #tpu.memory_space<vmem>>, vector<1x256x128xf32>
    %get3A_19 = vector.shape_cast %get3A_18 : vector<1x256x128xf32> to vector<256x128xf32>
    %mul3A_20 = arith.mulf %get3A_19, %get3A_1 : vector<256x128xf32>
    %get3A_21 = arith.constant 0 : index
    %get3A_22 = arith.constant 0 : index
    %get3A_23 = vector.load %arg6[%get3A_21, %get3A_22] : memref<1x128xf32, #tpu.memory_space<vmem>>, vector<1x128xf32>
    %add3A_24 = vector.broadcast %get3A_23 : vector<1x128xf32> to vector<256x128xf32>
    %add3A_25 = arith.addf %mul3A_20, %add3A_24 : vector<256x128xf32>
    %get3A_26 = arith.constant 0 : index
    %get3A_27 = arith.constant 0 : index
    %get3A_28 = vector.load %arg4[%get3A_26, %get3A_27] : memref<256x128xf32, #tpu.memory_space<vmem>>, vector<256x128xf32>
    %add3A_29 = arith.addf %add3A_25, %get3A_28 : vector<256x128xf32>
    %mul3A_30 = arith.mulf %add3A_14, %add3A_14 : vector<256x128xf32>
    %get3A_31 = arith.constant 0 : index
    %get3A_32 = arith.constant 0 : index
    %get3A_33 = vector.load %arg7[%get3A_31, %get3A_32] : memref<128x128xf32, #tpu.memory_space<vmem>>, vector<128x128xf32>
    %dot_general3A = arith.constant dense<0.000000e+00> : vector<256x128xf32>
    %dot_general3A_34 = tpu.matmul %mul3A_30, %get3A_33, %dot_general3A {dimension_numbers = #tpu.dot_dimension_numbers<[1], [0], [0], [1], [0, 0, 1, 1], [], []>, transpose_lhs_hint = false} : vector<256x128xf32>, vector<128x128xf32>, vector<256x128xf32> -> vector<256x128xf32>
    %mul3A_35 = arith.mulf %add3A_29, %add3A_29 : vector<256x128xf32>
    %get3A_36 = arith.constant 0 : index
    %get3A_37 = arith.constant 0 : index
    %get3A_38 = vector.load %arg7[%get3A_36, %get3A_37] : memref<128x128xf32, #tpu.memory_space<vmem>>, vector<128x128xf32>
    %dot_general3A_39 = arith.constant dense<0.000000e+00> : vector<256x128xf32>
    %dot_general3A_40 = tpu.matmul %mul3A_35, %get3A_38, %dot_general3A_39 {dimension_numbers = #tpu.dot_dimension_numbers<[1], [0], [0], [1], [0, 0, 1, 1], [], []>, transpose_lhs_hint = false} : vector<256x128xf32>, vector<128x128xf32>, vector<256x128xf32> -> vector<256x128xf32>
    %add3A_41 = arith.addf %dot_general3A_34, %dot_general3A_40 : vector<256x128xf32>
    %sqrt3A = math.sqrt %add3A_41 : vector<256x128xf32>
    %max3A = arith.constant 9.99999996E-13 : f32
    %max3A_42 = vector.broadcast %max3A : f32 to vector<256x128xf32>
    %max3A_43 = arith.maximumf %sqrt3A, %max3A_42 : vector<256x128xf32>
    %div3A = arith.constant 1.000000e+00 : f32
    %div3A_44 = vector.broadcast %div3A : f32 to vector<256x128xf32>
    %div3A_45 = arith.divf %div3A_44, %max3A_43 : vector<256x128xf32>
    %mul3A_46 = arith.mulf %add3A_14, %div3A_45 : vector<256x128xf32>
    %gt3A = arith.constant 0.000000e+00 : f32
    %gt3A_47 = vector.broadcast %gt3A : f32 to vector<256x128xf32>
    %gt3A_48 = arith.cmpf ogt, %mul3A_46, %gt3A_47 : vector<256x128xf32>
    %exp3A = math.exp %mul3A_46 : vector<256x128xf32>
    %sub3A = arith.constant 1.000000e+00 : f32
    %sub3A_49 = vector.broadcast %sub3A : f32 to vector<256x128xf32>
    %sub3A_50 = arith.subf %exp3A, %sub3A_49 : vector<256x128xf32>
    %select_n3A = arith.select %gt3A_48, %mul3A_46, %sub3A_50 : vector<256x128xi1>, vector<256x128xf32>
    %mul3A_51 = arith.mulf %add3A_29, %div3A_45 : vector<256x128xf32>
    %gt3A_52 = arith.constant 0.000000e+00 : f32
    %gt3A_53 = vector.broadcast %gt3A_52 : f32 to vector<256x128xf32>
    %gt3A_54 = arith.cmpf ogt, %mul3A_51, %gt3A_53 : vector<256x128xf32>
    %exp3A_55 = math.exp %mul3A_51 : vector<256x128xf32>
    %sub3A_56 = arith.constant 1.000000e+00 : f32
    %sub3A_57 = vector.broadcast %sub3A_56 : f32 to vector<256x128xf32>
    %sub3A_58 = arith.subf %exp3A_55, %sub3A_57 : vector<256x128xf32>
    %select_n3A_59 = arith.select %gt3A_54, %mul3A_51, %sub3A_58 : vector<256x128xi1>, vector<256x128xf32>
    %iota3A = tpu.iota {dimensions = array<i32: 0>} : vector<256x1xi32>
    %eq3A = arith.constant 48 : i32
    %eq3A_60 = arith.cmpi eq, %arg0, %eq3A : i32
    %jit3A = arith.constant 212 : i32
    %jit3A_61 = arith.constant 256 : i32
    %select_n3A_62 = arith.select %eq3A_60, %jit3A, %jit3A_61 : i32
    %lt3A = vector.broadcast %select_n3A_62 : i32 to vector<256x1xi32>
    %lt3A_63 = arith.cmpi slt, %iota3A, %lt3A : vector<256x1xi32>
    %jit3A_64 = arith.constant 0xFF800000 : f32
    %broadcast_in_dim3A = vector.shape_cast %lt3A_63 : vector<256x1xi1> to vector<256x1xi1>
    %broadcast_in_dim3A_65 = vector.broadcast %broadcast_in_dim3A : vector<256x1xi1> to vector<256x128xi1>
    %broadcast_in_dim3A_66 = vector.broadcast %jit3A_64 : f32 to vector<256x128xf32>
    %select_n3A_67 = arith.select %broadcast_in_dim3A_65, %select_n3A, %broadcast_in_dim3A_66 : vector<256x128xi1>, vector<256x128xf32>
    %reduce_max3A = arith.constant dense<0xFF800000> : vector<128xf32>
    %reduce_max3A_68 = vector.multi_reduction <maximumf>, %select_n3A_67, %reduce_max3A [0] : vector<256x128xf32> to vector<128xf32>
    %broadcast_in_dim3A_69 = vector.shape_cast %reduce_max3A_68 : vector<128xf32> to vector<1x128xf32>
    %lt3A_70 = vector.broadcast %select_n3A_62 : i32 to vector<256x1xi32>
    %lt3A_71 = arith.cmpi slt, %iota3A, %lt3A_70 : vector<256x1xi32>
    %jit3A_72 = arith.constant 0xFF800000 : f32
    %broadcast_in_dim3A_73 = vector.shape_cast %lt3A_71 : vector<256x1xi1> to vector<256x1xi1>
    %broadcast_in_dim3A_74 = vector.broadcast %broadcast_in_dim3A_73 : vector<256x1xi1> to vector<256x128xi1>
    %broadcast_in_dim3A_75 = vector.broadcast %jit3A_72 : f32 to vector<256x128xf32>
    %select_n3A_76 = arith.select %broadcast_in_dim3A_74, %select_n3A_59, %broadcast_in_dim3A_75 : vector<256x128xi1>, vector<256x128xf32>
    %reduce_max3A_77 = arith.constant dense<0xFF800000> : vector<128xf32>
    %reduce_max3A_78 = vector.multi_reduction <maximumf>, %select_n3A_76, %reduce_max3A_77 [0] : vector<256x128xf32> to vector<128xf32>
    %broadcast_in_dim3A_79 = vector.shape_cast %reduce_max3A_78 : vector<128xf32> to vector<1x128xf32>
    %eq3A_80 = arith.constant 0 : i32
    %eq3A_81 = arith.cmpi eq, %arg0, %eq3A_80 : i32
    %convert_element_type3A = arith.extui %eq3A_81 : i1 to i32
    %cond3A = arith.constant 0 : i32
    %cond3A_82 = arith.cmpi ne, %convert_element_type3A, %cond3A : i32
    scf.if %cond3A_82 {
      %broadcast_in_dim3A_101 = arith.constant 0xFF800000 : f32
      %broadcast_in_dim3A_102 = vector.broadcast %broadcast_in_dim3A_101 : f32 to vector<1x128xf32>
      %swap3A_103 = arith.constant 0 : index
      %swap3A_104 = arith.constant 0 : index
      %swap3A_105 = vector.load %arg21[%swap3A_103, %swap3A_104] : memref<1x128xf32, #tpu.memory_space<vmem>>, vector<1x128xf32>
      tpu.vector_store %arg21[%swap3A_103, %swap3A_104], %broadcast_in_dim3A_102 {strides = array<i32>} : memref<1x128xf32, #tpu.memory_space<vmem>>, vector<1x128xf32>,
      %broadcast_in_dim3A_106 = arith.constant 0xFF800000 : f32
      %broadcast_in_dim3A_107 = vector.broadcast %broadcast_in_dim3A_106 : f32 to vector<1x128xf32>
      %swap3A_108 = arith.constant 0 : index
      %swap3A_109 = arith.constant 0 : index
      %swap3A_110 = vector.load %arg22[%swap3A_108, %swap3A_109] : memref<1x128xf32, #tpu.memory_space<vmem>>, vector<1x128xf32>
      tpu.vector_store %arg22[%swap3A_108, %swap3A_109], %broadcast_in_dim3A_107 {strides = array<i32>} : memref<1x128xf32, #tpu.memory_space<vmem>>, vector<1x128xf32>,
    } else {
    }
    %get3A_83 = arith.constant 0 : index
    %get3A_84 = arith.constant 0 : index
    %get3A_85 = vector.load %arg21[%get3A_83, %get3A_84] : memref<1x128xf32, #tpu.memory_space<vmem>>, vector<1x128xf32>
    %max3A_86 = arith.maximumf %get3A_85, %broadcast_in_dim3A_69 : vector<1x128xf32>
    %swap3A = arith.constant 0 : index
    %swap3A_87 = arith.constant 0 : index
    %swap3A_88 = vector.load %arg21[%swap3A, %swap3A_87] : memref<1x128xf32, #tpu.memory_space<vmem>>, vector<1x128xf32>
    tpu.vector_store %arg21[%swap3A, %swap3A_87], %max3A_86 {strides = array<i32>} : memref<1x128xf32, #tpu.memory_space<vmem>>, vector<1x128xf32>,
    %get3A_89 = arith.constant 0 : index
    %get3A_90 = arith.constant 0 : index
    %get3A_91 = vector.load %arg22[%get3A_89, %get3A_90] : memref<1x128xf32, #tpu.memory_space<vmem>>, vector<1x128xf32>
    %max3A_92 = arith.maximumf %get3A_91, %broadcast_in_dim3A_79 : vector<1x128xf32>
    %swap3A_93 = arith.constant 0 : index
    %swap3A_94 = arith.constant 0 : index
    %swap3A_95 = vector.load %arg22[%swap3A_93, %swap3A_94] : memref<1x128xf32, #tpu.memory_space<vmem>>, vector<1x128xf32>
    tpu.vector_store %arg22[%swap3A_93, %swap3A_94], %max3A_92 {strides = array<i32>} : memref<1x128xf32, #tpu.memory_space<vmem>>, vector<1x128xf32>,
    %eq3A_96 = arith.constant 48 : i32
    %eq3A_97 = arith.cmpi eq, %arg0, %eq3A_96 : i32
    %convert_element_type3A_98 = arith.extui %eq3A_97 : i1 to i32
    %cond3A_99 = arith.constant 0 : i32
    %cond3A_100 = arith.cmpi ne, %convert_element_type3A_98, %cond3A_99 : i32
    scf.if %cond3A_100 {
      %get3A_101 = arith.constant 0 : index
      %get3A_102 = arith.constant 0 : index
      %get3A_103 = vector.load %arg21[%get3A_101, %get3A_102] : memref<1x128xf32, #tpu.memory_space<vmem>>, vector<1x128xf32>
      %get3A_104 = arith.constant 0 : index
      %get3A_105 = arith.constant 0 : index
      %get3A_106 = vector.load %arg22[%get3A_104, %get3A_105] : memref<1x128xf32, #tpu.memory_space<vmem>>, vector<1x128xf32>
      %slice3A = vector.extract_strided_slice %get3A_103 {offsets = [0, 0], sizes = [1, 16], strides = [1, 1]} : vector<1x128xf32> to vector<1x16xf32>
      %slice3A_107 = vector.extract_strided_slice %get3A_106 {offsets = [0, 0], sizes = [1, 16], strides = [1, 1]} : vector<1x128xf32> to vector<1x16xf32>
      %slice3A_108 = vector.extract_strided_slice %get3A_103 {offsets = [0, 16], sizes = [1, 16], strides = [1, 1]} : vector<1x128xf32> to vector<1x16xf32>
      %max3A_109 = arith.maximumf %slice3A, %slice3A_108 : vector<1x16xf32>
      %slice3A_110 = vector.extract_strided_slice %get3A_106 {offsets = [0, 16], sizes = [1, 16], strides = [1, 1]} : vector<1x128xf32> to vector<1x16xf32>
      %max3A_111 = arith.maximumf %slice3A_107, %slice3A_110 : vector<1x16xf32>
      %slice3A_112 = vector.extract_strided_slice %get3A_103 {offsets = [0, 32], sizes = [1, 16], strides = [1, 1]} : vector<1x128xf32> to vector<1x16xf32>
      %max3A_113 = arith.maximumf %max3A_109, %slice3A_112 : vector<1x16xf32>
      %slice3A_114 = vector.extract_strided_slice %get3A_106 {offsets = [0, 32], sizes = [1, 16], strides = [1, 1]} : vector<1x128xf32> to vector<1x16xf32>
      %max3A_115 = arith.maximumf %max3A_111, %slice3A_114 : vector<1x16xf32>
      %slice3A_116 = vector.extract_strided_slice %get3A_103 {offsets = [0, 48], sizes = [1, 16], strides = [1, 1]} : vector<1x128xf32> to vector<1x16xf32>
      %max3A_117 = arith.maximumf %max3A_113, %slice3A_116 : vector<1x16xf32>
      %slice3A_118 = vector.extract_strided_slice %get3A_106 {offsets = [0, 48], sizes = [1, 16], strides = [1, 1]} : vector<1x128xf32> to vector<1x16xf32>
      %max3A_119 = arith.maximumf %max3A_115, %slice3A_118 : vector<1x16xf32>
      %slice3A_120 = vector.extract_strided_slice %get3A_103 {offsets = [0, 64], sizes = [1, 16], strides = [1, 1]} : vector<1x128xf32> to vector<1x16xf32>
      %max3A_121 = arith.maximumf %max3A_117, %slice3A_120 : vector<1x16xf32>
      %slice3A_122 = vector.extract_strided_slice %get3A_106 {offsets = [0, 64], sizes = [1, 16], strides = [1, 1]} : vector<1x128xf32> to vector<1x16xf32>
      %max3A_123 = arith.maximumf %max3A_119, %slice3A_122 : vector<1x16xf32>
      %slice3A_124 = vector.extract_strided_slice %get3A_103 {offsets = [0, 80], sizes = [1, 16], strides = [1, 1]} : vector<1x128xf32> to vector<1x16xf32>
      %max3A_125 = arith.maximumf %max3A_121, %slice3A_124 : vector<1x16xf32>
      %slice3A_126 = vector.extract_strided_slice %get3A_106 {offsets = [0, 80], sizes = [1, 16], strides = [1, 1]} : vector<1x128xf32> to vector<1x16xf32>
      %max3A_127 = arith.maximumf %max3A_123, %slice3A_126 : vector<1x16xf32>
      %slice3A_128 = vector.extract_strided_slice %get3A_103 {offsets = [0, 96], sizes = [1, 16], strides = [1, 1]} : vector<1x128xf32> to vector<1x16xf32>
      %max3A_129 = arith.maximumf %max3A_125, %slice3A_128 : vector<1x16xf32>
      %slice3A_130 = vector.extract_strided_slice %get3A_106 {offsets = [0, 96], sizes = [1, 16], strides = [1, 1]} : vector<1x128xf32> to vector<1x16xf32>
      %max3A_131 = arith.maximumf %max3A_127, %slice3A_130 : vector<1x16xf32>
      %slice3A_132 = vector.extract_strided_slice %get3A_103 {offsets = [0, 112], sizes = [1, 16], strides = [1, 1]} : vector<1x128xf32> to vector<1x16xf32>
      %max3A_133 = arith.maximumf %max3A_129, %slice3A_132 : vector<1x16xf32>
      %slice3A_134 = vector.extract_strided_slice %get3A_106 {offsets = [0, 112], sizes = [1, 16], strides = [1, 1]} : vector<1x128xf32> to vector<1x16xf32>
      %max3A_135 = arith.maximumf %max3A_131, %slice3A_134 : vector<1x16xf32>
      %concatenate3A = tpu.concatenate %max3A_133, %max3A_135 in 1 : vector<1x16xf32>, vector<1x16xf32> -> vector<1x32xf32>
      %gt3A_136 = arith.constant 0.000000e+00 : f32
      %gt3A_137 = vector.broadcast %gt3A_136 : f32 to vector<1x32xf32>
      %gt3A_138 = arith.cmpf ogt, %concatenate3A, %gt3A_137 : vector<1x32xf32>
      %exp3A_139 = math.exp %concatenate3A : vector<1x32xf32>
      %sub3A_140 = arith.constant 1.000000e+00 : f32
      %sub3A_141 = vector.broadcast %sub3A_140 : f32 to vector<1x32xf32>
      %sub3A_142 = arith.subf %exp3A_139, %sub3A_141 : vector<1x32xf32>
      %select_n3A_143 = arith.select %gt3A_138, %concatenate3A, %sub3A_142 : vector<1x32xi1>, vector<1x32xf32>
      %get3A_144 = arith.constant 0 : index
      %get3A_145 = arith.constant 0 : index
      %get3A_146 = vector.load %arg9[%get3A_144, %get3A_145] : memref<16x32xf32, #tpu.memory_space<vmem>>, vector<16x32xf32>
      %dot_general3A_147 = arith.constant dense<0.000000e+00> : vector<1x16xf32>
      %dot_general3A_148 = tpu.matmul %select_n3A_143, %get3A_146, %dot_general3A_147 {dimension_numbers = #tpu.dot_dimension_numbers<[1], [1], [0], [0], [0, 0, 1, 0], [], []>, transpose_lhs_hint = false} : vector<1x32xf32>, vector<16x32xf32>, vector<1x16xf32> -> vector<1x16xf32>
      %get3A_149 = arith.constant 0 : index
      %get3A_150 = arith.constant 0 : index
      %get3A_151 = vector.load %arg10[%get3A_149, %get3A_150] : memref<1x16xf32, #tpu.memory_space<vmem>>, vector<1x16xf32>
      %add3A_152 = arith.addf %dot_general3A_148, %get3A_151 : vector<1x16xf32>
      %get3A_153 = arith.constant 0 : index
      %get3A_154 = arith.constant 0 : index
      %get3A_155 = vector.load %arg11[%get3A_153, %get3A_154] : memref<128x16xf32, #tpu.memory_space<vmem>>, vector<128x16xf32>
      %dot_general3A_156 = arith.constant dense<0.000000e+00> : vector<1x128xf32>
      %dot_general3A_157 = tpu.matmul %add3A_152, %get3A_155, %dot_general3A_156 {dimension_numbers = #tpu.dot_dimension_numbers<[1], [1], [0], [0], [0, 0, 1, 0], [], []>, transpose_lhs_hint = false} : vector<1x16xf32>, vector<128x16xf32>, vector<1x128xf32> -> vector<1x128xf32>
      %get3A_158 = arith.constant 0 : index
      %get3A_159 = arith.constant 0 : index
      %get3A_160 = vector.load %arg12[%get3A_158, %get3A_159] : memref<1x128xf32, #tpu.memory_space<vmem>>, vector<1x128xf32>
      %add3A_161 = arith.addf %dot_general3A_157, %get3A_160 : vector<1x128xf32>
      %gt3A_162 = arith.constant 0.000000e+00 : f32
      %gt3A_163 = vector.broadcast %gt3A_162 : f32 to vector<1x128xf32>
      %gt3A_164 = arith.cmpf ogt, %add3A_161, %gt3A_163 : vector<1x128xf32>
      %exp3A_165 = math.exp %add3A_161 : vector<1x128xf32>
      %sub3A_166 = arith.constant 1.000000e+00 : f32
      %sub3A_167 = vector.broadcast %sub3A_166 : f32 to vector<1x128xf32>
      %sub3A_168 = arith.subf %exp3A_165, %sub3A_167 : vector<1x128xf32>
      %select_n3A_169 = arith.select %gt3A_164, %add3A_161, %sub3A_168 : vector<1x128xi1>, vector<1x128xf32>
      %get3A_170 = arith.constant 0 : index
      %get3A_171 = arith.constant 0 : index
      %get3A_172 = vector.load %arg13[%get3A_170, %get3A_171] : memref<128x128xf32, #tpu.memory_space<vmem>>, vector<128x128xf32>
      %dot_general3A_173 = arith.constant dense<0.000000e+00> : vector<1x128xf32>
      %dot_general3A_174 = tpu.matmul %select_n3A_169, %get3A_172, %dot_general3A_173 {dimension_numbers = #tpu.dot_dimension_numbers<[1], [1], [0], [0], [0, 0, 1, 0], [], []>, transpose_lhs_hint = false} : vector<1x128xf32>, vector<128x128xf32>, vector<1x128xf32> -> vector<1x128xf32>
      %get3A_175 = arith.constant 0 : index
      %get3A_176 = arith.constant 0 : index
      %get3A_177 = vector.load %arg14[%get3A_175, %get3A_176] : memref<1x128xf32, #tpu.memory_space<vmem>>, vector<1x128xf32>
      %add3A_178 = arith.addf %dot_general3A_174, %get3A_177 : vector<1x128xf32>
      %gt3A_179 = arith.constant 0.000000e+00 : f32
      %gt3A_180 = vector.broadcast %gt3A_179 : f32 to vector<1x128xf32>
      %gt3A_181 = arith.cmpf ogt, %add3A_178, %gt3A_180 : vector<1x128xf32>
      %exp3A_182 = math.exp %add3A_178 : vector<1x128xf32>
      %sub3A_183 = arith.constant 1.000000e+00 : f32
      %sub3A_184 = vector.broadcast %sub3A_183 : f32 to vector<1x128xf32>
      %sub3A_185 = arith.subf %exp3A_182, %sub3A_184 : vector<1x128xf32>
      %select_n3A_186 = arith.select %gt3A_181, %add3A_178, %sub3A_185 : vector<1x128xi1>, vector<1x128xf32>
      %get3A_187 = arith.constant 0 : index
      %get3A_188 = arith.constant 0 : index
      %get3A_189 = vector.load %arg15[%get3A_187, %get3A_188] : memref<128x128xf32, #tpu.memory_space<vmem>>, vector<128x128xf32>
      %dot_general3A_190 = arith.constant dense<0.000000e+00> : vector<1x128xf32>
      %dot_general3A_191 = tpu.matmul %select_n3A_186, %get3A_189, %dot_general3A_190 {dimension_numbers = #tpu.dot_dimension_numbers<[1], [1], [0], [0], [0, 0, 1, 0], [], []>, transpose_lhs_hint = false} : vector<1x128xf32>, vector<128x128xf32>, vector<1x128xf32> -> vector<1x128xf32>
      %get3A_192 = arith.constant 0 : index
      %get3A_193 = arith.constant 0 : index
      %get3A_194 = vector.load %arg16[%get3A_192, %get3A_193] : memref<1x128xf32, #tpu.memory_space<vmem>>, vector<1x128xf32>
      %add3A_195 = arith.addf %dot_general3A_191, %get3A_194 : vector<1x128xf32>
      %gt3A_196 = arith.constant 0.000000e+00 : f32
      %gt3A_197 = vector.broadcast %gt3A_196 : f32 to vector<1x128xf32>
      %gt3A_198 = arith.cmpf ogt, %add3A_195, %gt3A_197 : vector<1x128xf32>
      %exp3A_199 = math.exp %add3A_195 : vector<1x128xf32>
      %sub3A_200 = arith.constant 1.000000e+00 : f32
      %sub3A_201 = vector.broadcast %sub3A_200 : f32 to vector<1x128xf32>
      %sub3A_202 = arith.subf %exp3A_199, %sub3A_201 : vector<1x128xf32>
      %select_n3A_203 = arith.select %gt3A_198, %add3A_195, %sub3A_202 : vector<1x128xi1>, vector<1x128xf32>
      %get3A_204 = arith.constant 0 : index
      %get3A_205 = arith.constant 0 : index
      %get3A_206 = vector.load %arg17[%get3A_204, %get3A_205] : memref<128x128xf32, #tpu.memory_space<vmem>>, vector<128x128xf32>
      %dot_general3A_207 = arith.constant dense<0.000000e+00> : vector<1x128xf32>
      %dot_general3A_208 = tpu.matmul %select_n3A_203, %get3A_206, %dot_general3A_207 {dimension_numbers = #tpu.dot_dimension_numbers<[1], [1], [0], [0], [0, 0, 1, 0], [], []>, transpose_lhs_hint = false} : vector<1x128xf32>, vector<128x128xf32>, vector<1x128xf32> -> vector<1x128xf32>
      %get3A_209 = arith.constant 0 : index
      %get3A_210 = arith.constant 0 : index
      %get3A_211 = vector.load %arg18[%get3A_209, %get3A_210] : memref<1x128xf32, #tpu.memory_space<vmem>>, vector<1x128xf32>
      %add3A_212 = arith.addf %dot_general3A_208, %get3A_211 : vector<1x128xf32>
      %gt3A_213 = arith.constant 0.000000e+00 : f32
      %gt3A_214 = vector.broadcast %gt3A_213 : f32 to vector<1x128xf32>
      %gt3A_215 = arith.cmpf ogt, %add3A_212, %gt3A_214 : vector<1x128xf32>
      %exp3A_216 = math.exp %add3A_212 : vector<1x128xf32>
      %sub3A_217 = arith.constant 1.000000e+00 : f32
      %sub3A_218 = vector.broadcast %sub3A_217 : f32 to vector<1x128xf32>
      %sub3A_219 = arith.subf %exp3A_216, %sub3A_218 : vector<1x128xf32>
      %select_n3A_220 = arith.select %gt3A_215, %add3A_212, %sub3A_219 : vector<1x128xi1>, vector<1x128xf32>
      %get3A_221 = arith.constant 0 : index
      %get3A_222 = arith.constant 0 : index
      %get3A_223 = vector.load %arg19[%get3A_221, %get3A_222] : memref<16x128xf32, #tpu.memory_space<vmem>>, vector<16x128xf32>
      %dot_general3A_224 = arith.constant dense<0.000000e+00> : vector<1x16xf32>
      %dot_general3A_225 = tpu.matmul %select_n3A_220, %get3A_223, %dot_general3A_224 {dimension_numbers = #tpu.dot_dimension_numbers<[1], [1], [0], [0], [0, 0, 1, 0], [], []>, transpose_lhs_hint = false} : vector<1x128xf32>, vector<16x128xf32>, vector<1x16xf32> -> vector<1x16xf32>
      %get3A_226 = arith.constant 0 : index
      %get3A_227 = arith.constant 0 : index
      %get3A_228 = vector.load %arg20[%get3A_226, %get3A_227] : memref<1x16xf32, #tpu.memory_space<vmem>>, vector<1x16xf32>
      %add3A_229 = arith.addf %dot_general3A_225, %get3A_228 : vector<1x16xf32>
      %slice3A_230 = vector.extract_strided_slice %add3A_229 {offsets = [0, 0], sizes = [1, 8], strides = [1, 1]} : vector<1x16xf32> to vector<1x8xf32>
      %slice3A_231 = vector.extract_strided_slice %add3A_229 {offsets = [0, 8], sizes = [1, 8], strides = [1, 1]} : vector<1x16xf32> to vector<1x8xf32>
      %get3A_232 = arith.constant 0 : index
      %get3A_233 = arith.constant 0 : index
      %get3A_234 = vector.load %arg8[%get3A_232, %get3A_233] : memref<1024x8xf32, #tpu.memory_space<vmem>>, vector<1024x8xf32>
      %sub3A_235 = vector.broadcast %slice3A_230 : vector<1x8xf32> to vector<1024x8xf32>
      %sub3A_236 = arith.subf %get3A_234, %sub3A_235 : vector<1024x8xf32>
      %neg3A = arith.constant 0.000000e+00 : f32
      %neg3A_237 = vector.broadcast %neg3A : f32 to vector<1x8xf32>
      %neg3A_238 = arith.subf %neg3A_237, %slice3A_231 : vector<1x8xf32>
      %exp3A_239 = math.exp %neg3A_238 : vector<1x8xf32>
      %mul3A_240 = vector.broadcast %exp3A_239 : vector<1x8xf32> to vector<1024x8xf32>
      %mul3A_241 = arith.mulf %sub3A_236, %mul3A_240 : vector<1024x8xf32>
      %reduce_sum3A = vector.shape_cast %slice3A_231 : vector<1x8xf32> to vector<1x1x8xf32>
      %reduce_sum3A_242 = arith.constant dense<0.000000e+00> : vector<1xf32>
      %reduce_sum3A_243 = vector.multi_reduction <add>, %reduce_sum3A, %reduce_sum3A_242 [1, 2] : vector<1x1x8xf32> to vector<1xf32>
      %reduce_sum3A_244 = vector.shape_cast %reduce_sum3A_243 : vector<1xf32> to vector<1x1x1xf32>
      %reduce_sum3A_245 = vector.extract %reduce_sum3A_244[0, 0, 0] : f32 from vector<1x1x1xf32>
      %log3A = arith.constant 6.28318548 : f32
      %log3A_246 = math.log %log3A : f32
      %mul3A_247 = arith.constant 4.000000e+00 : f32
      %mul3A_248 = arith.mulf %mul3A_247, %log3A_246 : f32
      %add3A_249 = arith.addf %reduce_sum3A_245, %mul3A_248 : f32
      %mul3A_250 = arith.mulf %mul3A_241, %mul3A_241 : vector<1024x8xf32>
      %reduce_sum3A_251 = arith.constant dense<0.000000e+00> : vector<1024xf32>
      %reduce_sum3A_252 = vector.multi_reduction <add>, %mul3A_250, %reduce_sum3A_251 [1] : vector<1024x8xf32> to vector<1024xf32>
      %broadcast_in_dim3A_253 = vector.shape_cast %reduce_sum3A_252 : vector<1024xf32> to vector<1024x1xf32>
      %mul3A_254 = arith.constant -5.000000e-01 : f32
      %mul3A_255 = vector.broadcast %mul3A_254 : f32 to vector<1024x1xf32>
      %mul3A_256 = arith.mulf %mul3A_255, %broadcast_in_dim3A_253 : vector<1024x1xf32>
      %sub3A_257 = vector.broadcast %add3A_249 : f32 to vector<1024x1xf32>
      %sub3A_258 = arith.subf %mul3A_256, %sub3A_257 : vector<1024x1xf32>
      %swap3A_259 = arith.constant 0 : index
      %swap3A_260 = arith.constant 0 : index
      %swap3A_261 = vector.load %arg23[%swap3A_259, %swap3A_260] : memref<1024x1xf32, #tpu.memory_space<vmem>>, vector<1024x1xf32>
      tpu.vector_store %arg23[%swap3A_259, %swap3A_260], %sub3A_258 {strides = array<i32>} : memref<1024x1xf32, #tpu.memory_space<vmem>>, vector<1024x1xf32>,
    } else {
    }
    return
  }
  func.func @transform_0(%arg0: i32) -> (i32, i32, i32) {
    %c0_i32 = arith.constant 0 : i32
    %c0_i32_0 = arith.constant 0 : i32
    %c0_i32_1 = arith.constant 0 : i32
    return %c0_i32, %arg0, %c0_i32_0 : i32, i32, i32
  }
  func.func @transform_1(%arg0: i32) -> (i32, i32) {
    %c0_i32 = arith.constant 0 : i32
    %c0_i32_0 = arith.constant 0 : i32
    return %arg0, %c0_i32 : i32, i32
  }
  func.func @transform_2(%arg0: i32) -> (i32, i32) {
    %c0_i32 = arith.constant 0 : i32
    %c0_i32_0 = arith.constant 0 : i32
    return %arg0, %c0_i32 : i32, i32
  }
  func.func @transform_3(%arg0: i32) -> (i32, i32) {
    %c0_i32 = arith.constant 0 : i32
    %c0_i32_0 = arith.constant 0 : i32
    return %arg0, %c0_i32 : i32, i32
  }
  func.func @transform_4(%arg0: i32) -> (i32, i32) {
    %c0_i32 = arith.constant 0 : i32
    %c0_i32_0 = arith.constant 0 : i32
    %c0_i32_1 = arith.constant 0 : i32
    return %c0_i32, %c0_i32_0 : i32, i32
  }
  func.func @transform_5(%arg0: i32) -> (i32, i32) {
    %c0_i32 = arith.constant 0 : i32
    %c0_i32_0 = arith.constant 0 : i32
    %c0_i32_1 = arith.constant 0 : i32
    return %c0_i32, %c0_i32_0 : i32, i32
  }
  func.func @transform_6(%arg0: i32) -> (i32, i32) {
    %c0_i32 = arith.constant 0 : i32
    %c0_i32_0 = arith.constant 0 : i32
    %c0_i32_1 = arith.constant 0 : i32
    return %c0_i32, %c0_i32_0 : i32, i32
  }
  func.func @transform_7(%arg0: i32) -> (i32, i32) {
    %c0_i32 = arith.constant 0 : i32
    %c0_i32_0 = arith.constant 0 : i32
    %c0_i32_1 = arith.constant 0 : i32
    return %c0_i32, %c0_i32_0 : i32, i32
  }
  func.func @transform_8(%arg0: i32) -> (i32, i32) {
    %c0_i32 = arith.constant 0 : i32
    %c0_i32_0 = arith.constant 0 : i32
    %c0_i32_1 = arith.constant 0 : i32
    return %c0_i32, %c0_i32_0 : i32, i32
  }
  func.func @transform_9(%arg0: i32) -> (i32, i32) {
    %c0_i32 = arith.constant 0 : i32
    %c0_i32_0 = arith.constant 0 : i32
    %c0_i32_1 = arith.constant 0 : i32
    return %c0_i32, %c0_i32_0 : i32, i32
  }
  func.func @transform_10(%arg0: i32) -> (i32, i32) {
    %c0_i32 = arith.constant 0 : i32
    %c0_i32_0 = arith.constant 0 : i32
    %c0_i32_1 = arith.constant 0 : i32
    return %c0_i32, %c0_i32_0 : i32, i32
  }
  func.func @transform_11(%arg0: i32) -> (i32, i32) {
    %c0_i32 = arith.constant 0 : i32
    %c0_i32_0 = arith.constant 0 : i32
    %c0_i32_1 = arith.constant 0 : i32
    return %c0_i32, %c0_i32_0 : i32, i32
  }
  func.func @transform_12(%arg0: i32) -> (i32, i32) {
    %c0_i32 = arith.constant 0 : i32
    %c0_i32_0 = arith.constant 0 : i32
    %c0_i32_1 = arith.constant 0 : i32
    return %c0_i32, %c0_i32_0 : i32, i32
  }
  func.func @transform_13(%arg0: i32) -> (i32, i32) {
    %c0_i32 = arith.constant 0 : i32
    %c0_i32_0 = arith.constant 0 : i32
    %c0_i32_1 = arith.constant 0 : i32
    return %c0_i32, %c0_i32_0 : i32, i32
  }
  func.func @transform_14(%arg0: i32) -> (i32, i32) {
    %c0_i32 = arith.constant 0 : i32
    %c0_i32_0 = arith.constant 0 : i32
    %c0_i32_1 = arith.constant 0 : i32
    return %c0_i32, %c0_i32_0 : i32, i32
  }
  func.func @transform_15(%arg0: i32) -> (i32, i32) {
    %c0_i32 = arith.constant 0 : i32
    %c0_i32_0 = arith.constant 0 : i32
    %c0_i32_1 = arith.constant 0 : i32
    return %c0_i32, %c0_i32_0 : i32, i32
  }
  func.func @transform_16(%arg0: i32) -> (i32, i32) {
    %c0_i32 = arith.constant 0 : i32
    %c0_i32_0 = arith.constant 0 : i32
    %c0_i32_1 = arith.constant 0 : i32
    return %c0_i32, %c0_i32_0 : i32, i32
  }
  func.func @transform_17(%arg0: i32) -> (i32, i32) {
    %c0_i32 = arith.constant 0 : i32
    %c0_i32_0 = arith.constant 0 : i32
    %c0_i32_1 = arith.constant 0 : i32
    return %c0_i32, %c0_i32_0 : i32, i32
  }
  func.func @transform_18(%arg0: i32) -> (i32, i32) {
    %c0_i32 = arith.constant 0 : i32
    %c0_i32_0 = arith.constant 0 : i32
    %c0_i32_1 = arith.constant 0 : i32
    return %c0_i32, %c0_i32_0 : i32, i32
  }
  func.func @transform_19(%arg0: i32) -> (i32, i32) {
    %c0_i32 = arith.constant 0 : i32
    %c0_i32_0 = arith.constant 0 : i32
    %c0_i32_1 = arith.constant 0 : i32
    return %c0_i32, %c0_i32_0 : i32, i32
  }
  func.func @transform_20(%arg0: i32) -> (i32, i32) {
    %c0_i32 = arith.constant 0 : i32
    %c0_i32_0 = arith.constant 0 : i32
    %c0_i32_1 = arith.constant 0 : i32
    return %c0_i32, %c0_i32_0 : i32, i32
  }
  func.func @transform_21(%arg0: i32) -> (i32, i32) {
    %c0_i32 = arith.constant 0 : i32
    %c0_i32_0 = arith.constant 0 : i32
    %c0_i32_1 = arith.constant 0 : i32
    return %c0_i32, %c0_i32_0 : i32, i32
  }
  func.func @transform_22(%arg0: i32) -> (i32, i32) {
    %c0_i32 = arith.constant 0 : i32
    %c0_i32_0 = arith.constant 0 : i32
    %c0_i32_1 = arith.constant 0 : i32
    return %c0_i32, %c0_i32_0 : i32, i32
  }
}

</mosaic_0001>

<sc_bundles>
// kernel: kernel.6.cloned.1.call-start
scs
__scs_entry_jumppad:
0x0: {  	(pc) =	sbr.rel $0x88, $3  }
0x1: {  	(tag) =	ssettag $0x0;
	lr =	simm.s32 $0x1  }
0x2: {  	[smem:$0x3F8C] =	sst lr;
	_ =	strace $0xD0000000  }
0x3: {  	_ = 	snop  }
0x4: {  	_ = 	snop  }
0x5: {  	_ = 	snop  }
0x6: {  	_ = 	snop  }
0x7: {  	_ = 	snop  }
__scs_overlays_trampoline_lowered:
0x8: {  	[smem:$0x3F9B] =	sst s0  }
0x9: {  	[smem:$0x3F9C] =	sst s1  }
0xa: {  	[smem:$0x3F9D] =	sst s2  }
0xb: {  	[smem:$0x3F9E] =	sst s3  }
0xc: {  	[smem:$0x3F9F] =	sst s4  }
0xd: {  	[smem:$0x3FA0] =	sst s5  }
0xe: {  	[smem:$0x3FA1] =	sst s6  }
0xf: {  	[smem:$0x3FA2] =	sst s7  }
0x10: {  	[smem:$0x3FA3] =	sst s8  }
0x11: {  	[smem:$0x3FA4] =	sst s9;
	s0 =	simm.s32 @!p0 $0x0  }
0x12: {  	s1 =	sld [smem:$0x3F8A];
	s0 =	simm.s32 @p0 $0x1  }
0x13: {  	[smem:$0x3FA5] =	sst s0;
	s0 =	simm.s32 @!p1 $0x0  }
0x14: {  	s2 =	sld [smem:$0x3F89];
	s0 =	simm.s32 @p1 $0x1  }
0x15: {  	[smem:$0x3FA6] =	sst s0;
	s0 =	simm.s32 @!p2 $0x0  }
0x16: {  	s3 =	sld [smem:$0x3FDB];
	s0 =	simm.s32 @p2 $0x1  }
0x17: {  	s4 =	simm.s32 $0x1BF5;
	[smem:$0x3FA8] =	sst s0  }
0x18: {  	s0 =	sld [smem:$0x3F8B];
	_ =	swait.ge [sflag:s4], $0x0  }
0x19: {  	s7 =	sld [smem:$0x3F8C]  }
0x1a: {  	s8 =	sadd.s32 $0xFFFFE003, lr  }
0x1b: {  	s9 =	sadd.s32 $0xFFFFFEF7, lr;
	s5 =	simm.s32 $0xFFFFFFFF;
	p2 =	slt.u32 s8, $0xFFFFF086  }
0x1c: {  	p1 =	slt.u32 s9, $0xF7A;
	s5 =	simm.s32 @!p2 $0x0  }
0x1d: {  	s5 =	simm.s32 @p1 $0x1;
	p0 =	seq.s32 s7, s2  }
0x1e: {  	s7 =	smul.u32 @!p0 $0xF7A, s2;
	p2 =	seq.s32 @!p0 s5, $0x0  }
0x1f: {  	s9 =	smul.u32 $0xF7A, s1;
	s8 =	simm.s32 @!p0 $0x1BF5;
	p2 =	por !p2, p0  }
0x20: {  	[sflag:s8] =	ssyncset.s32 @!p0 $0xFFFFF086;
	s6 =	sadd.s32 @!p0 s3, s7;
	s7 =	simm.s32 @!p0 $0x108  }
0x21: {  	s3 =	sadd.s32 s3, s9;
	s6 =	sadd.s32 @!p0 $0x88, s6;
	s7 =	simm.s32 @p2 $0x1082  }
0x22: {  	[simem:s7], [sflag:s8] =	dma.local @!p0 [hbm:s6], $0xF7A  }
0x23: {  	s9 =	sor.u32 $0xD0000000, s2;
	s6 =	simm.s32 $0x108;
	_ =	swait.ge @!p0 [sflag:s8], $0x0  }
0x24: {  	s3 =	sadd.s32 $0x88, s3;
	s6 =	simm.s32 @!p1 $0x1082;
	[sflag:s4] =	ssyncset.s32 $0xFFFFF086  }
0x25: {  	[simem:s6], [sflag:s4] =	dma.local [hbm:s3], $0xF7A  }
0x26: {  	[smem:$0x3F8C] =	sst s1;
	(tag) =	ssettag s2;
	_ =	strace s9  }
0x27: {  	s1 =	sld [smem:$0x3F9C]  }
0x28: {  	s2 =	sld [smem:$0x3F9D]  }
0x29: {  	s4 =	sld [smem:$0x3F9F]  }
0x2a: {  	p0 =	seq.s32 s5, $0x0;
	s5 =	sld [smem:$0x3FA0]  }
0x2b: {  	s6 =	sld [smem:$0x3FA1]  }
0x2c: {  	s7 =	sld [smem:$0x3FA2]  }
0x2d: {  	s3 =	simm.s32 $0x108;
	s8 =	sld [smem:$0x3FA3]  }
0x2e: {  	s3 =	simm.s32 @!p0 $0x1082;
	s9 =	sld [smem:$0x3FA4]  }
0x2f: {  	lr =	sadd.s32 s0, s3;
	s0 =	sld [smem:$0x3F9B]  }
0x30: {  	s3 =	sld [smem:$0x3F9E]  }
0x31: {  	[smem:$0x3FA7] =	sst s10  }
0x32: {  	s10 =	sld [smem:$0x3FA5];
	_ =	sdelay $0x3  }
0x33: {  	p0 =	seq.s32 s10, $0x1;
	s10 =	sld [smem:$0x3FA7];
	_ =	sdelay $0x3  }
0x34: {  	[smem:$0x3FA7] =	sst s10  }
0x35: {  	s10 =	sld [smem:$0x3FA6];
	_ =	sdelay $0x3  }
0x36: {  	p1 =	seq.s32 s10, $0x1;
	s10 =	sld [smem:$0x3FA7];
	_ =	sdelay $0x3  }
0x37: {  	[smem:$0x3FA7] =	sst s10  }
0x38: {  	s10 =	sld [smem:$0x3FA8]  }
0x39: {  	_ = 	snop;
	(pc) =	sbr.ind lr, $3  }
0x3a: {  	_ = 	snop  }
0x3b: {  	_ = 	snop  }
0x3c: {  	p2 =	seq.s32 s10, $0x1;
	s10 =	sld [smem:$0x3FA7]  }
0x3d: {  	_ =	shalt  }
0x3e: {  	_ =	shalt  }
0x3f: {  	_ =	shalt  }
0x40: {  	_ =	shalt  }
0x41: {  	_ =	shalt  }
0x42: {  	_ =	shalt  }
0x43: {  	_ =	shalt  }
0x44: {  	_ =	shalt  }
0x45: {  	_ =	shalt  }
0x46: {  	_ =	shalt  }
0x47: {  	_ =	shalt  }
0x48: {  	_ =	shalt  }
0x49: {  	_ =	shalt  }
0x4a: {  	_ =	shalt  }
0x4b: {  	_ =	shalt  }
0x4c: {  	_ =	shalt  }
0x4d: {  	_ =	shalt  }
0x4e: {  	_ =	shalt  }
0x4f: {  	_ =	shalt  }
0x50: {  	_ =	shalt  }
0x51: {  	_ =	shalt  }
0x52: {  	_ =	shalt  }
0x53: {  	_ =	shalt  }
0x54: {  	_ =	shalt  }
0x55: {  	_ =	shalt  }
0x56: {  	_ =	shalt  }
0x57: {  	_ =	shalt  }
0x58: {  	_ =	shalt  }
0x59: {  	_ =	shalt  }
0x5a: {  	_ =	shalt  }
0x5b: {  	_ =	shalt  }
0x5c: {  	_ =	shalt  }
0x5d: {  	_ =	shalt  }
0x5e: {  	_ =	shalt  }
0x5f: {  	_ =	shalt  }
0x60: {  	_ =	shalt  }
0x61: {  	_ =	shalt  }
0x62: {  	_ =	shalt  }
0x63: {  	_ =	shalt  }
0x64: {  	_ =	shalt  }
0x65: {  	_ =	shalt  }
0x66: {  	_ =	shalt  }
0x67: {  	_ =	shalt  }
0x68: {  	_ =	shalt  }
0x69: {  	_ =	shalt  }
0x6a: {  	_ =	shalt  }
0x6b: {  	_ =	shalt  }
0x6c: {  	_ =	shalt  }
0x6d: {  	_ =	shalt  }
0x6e: {  	_ =	shalt  }
0x6f: {  	_ =	shalt  }
0x70: {  	_ =	shalt  }
0x71: {  	_ =	shalt  }
0x72: {  	_ =	shalt  }
0x73: {  	_ =	shalt  }
0x74: {  	_ =	shalt  }
0x75: {  	_ =	shalt  }
0x76: {  	_ =	shalt  }
0x77: {  	_ =	shalt  }
0x78: {  	_ =	shalt  }
0x79: {  	_ =	shalt  }
0x7a: {  	_ =	shalt  }
0x7b: {  	_ =	shalt  }
0x7c: {  	_ =	shalt  }
0x7d: {  	_ =	shalt  }
0x7e: {  	_ =	shalt  }
0x7f: {  	_ =	shalt  }
0x80: {  	_ =	shalt  }
0x81: {  	_ =	shalt  }
0x82: {  	_ =	shalt  }
0x83: {  	_ =	shalt  }
0x84: {  	_ =	shalt  }
0x85: {  	_ =	shalt  }
0x86: {  	_ =	shalt  }
0x87: {  	_ =	shalt  }
.Lfunc_end0:
.L_simem_size_0:
called_computation_lowered:
.L_overlay_start_0:
0x88: {  	s2 =	sld [smem:$0x3FD9]  }
0x89: {  	s3 =	sld [smem:$0x3FFE];
	_ =	sdelay $0x1  }
0x8a: {  	s1 =	srdreg.scid  }
0x8b: {  	s0 =	sand.u32 $0x1, s1  }
0x8c: {  	s16 =	sshll.u32 s0, $0xA;
	s2 =	sadd.s32 s3, s2  }
0x8d: {  	s2 =	sadd.s32 s2, s16  }
0x8e: {  	[smem:$0x3FB3] =	sst s2  }
0x8f: {  	_ = 	snop  }
0x90: {  	(tm) =	ssettm $0x1  }
0x91: {  	s17 =	sld [smem:$0x3FFB];
	_ =	sdelay $0x3  }
0x92: {  	_ =	strace s17  }
0x93: {  	s2 =	sld [smem:$0x3FFC];
	_ =	sdelay $0x3  }
0x94: {  	_ =	strace s2  }
0x95: {  	s2 =	sld [smem:$0x3FFD];
	_ =	sdelay $0x3  }
0x96: {  	_ =	strace s2  }
0x97: {  	_ =	strace $0x8FFFFFFF  }
0x98: {  	s18 =	sld [smem:$0x3FDB];
	_ =	sdelay $0x1  }
0x99: {  	s19 =	simm.s32 $_scs_section_size  }
0x9a: {  	s4 =	simm.s32 $_size__tile_overlayer_lowered;
	s5 =	simm.s32 $_tile_overlayer_lowered  }
0x9b: {  	s22 =	simm.s32 $0x1BFF;
	s21 =	sshll.u32 s5, $0x1;
	s2 =	sadd.s32 s19, s18  }
0x9c: {  	s6 =	simm.s32 $0x0;
	s20 =	sshll.u32 s4, $0x1;
	s4 =	sadd.s32 s21, s2  }
0x9d: {  	[timem:s6], [sflag:s22] =	dma.local [hbm:s4], s20  }
0x9e: {  	_ =	swait.ge [sflag:s22], s20  }
0x9f: {  	s3 =	ssub.s32 $0x0, s20;
	[sflag:s22] =	ssyncset.done $0x0  }
0xa0: {  	[sflag:s22] =	ssyncadd.s32 s3;
	_ =	sdelay $0x1  }
0xa1: {  	s23 =	simm.s32 $0x1B8B  }
0xa2: {  	_ =	swait.ge [sflag:s23], $0x1  }
0xa3: {  	[sflag:s23] =	ssyncset.done $0x0  }
0xa4: {  	s25 =	simm.s32 $0x1B8E;
	s24 =	sld [smem:$0x3FFE];
	[sflag:s23] =	ssyncadd.s32 $0xFFFFFFFF  }
0xa5: {  	s26 =	simm.s32 $execute0_lowered;
	[smem:$0x3FD2] =	sst s25  }
0xa6: {  	s4 =	sshll.u32 s26, $0x1;
	_ =	strace $0x80000046;
	[dreg:$0x1] =	wrdreg $0xFFFFFFFF  }
0xa7: {  	s28 =	simm.s32 $_size_execute0_lowered;
	s2 =	sadd.s32 s2, s4;
	[dreg:$0x0] =	wrdreg $0x0  }
0xa8: {  	s4 =	sshll.u32 s28, $0x1;
	[dreg:$0x2] =	wrdreg s2  }
0xa9: {  	[dreg:$0x3] =	wrdreg s4  }
0xaa: {  	[dreg:$0x4] =	wrdreg $0xC0  }
0xab: {  	_ =	task [dreg:s6], $0x5FFFF  }
0xac: {  	[dreg:$0x1] =	wrdreg $0xFFFFFFFF  }
0xad: {  	[dreg:$0x0] =	wrdreg $0x60  }
0xae: {  	[dreg:$0x2] =	wrdreg s24  }
0xaf: {  	[dreg:$0x3] =	wrdreg $0x4A000  }
0xb0: {  	[dreg:$0x4] =	wrdreg $0x1D2000  }
0xb1: {  	[dreg:$0x5] =	wrdreg $0x9  }
0xb2: {  	_ =	task.clear_ibuf [dreg:s6], $0x6FFFF;
	_ =	strace $0x90000046  }
0xb3: {  	s29 =	simm.s32 $0x9;
	_ =	strace $0x80000048  }
0xb4: {  	_ =	swait.ge [sflag:s29], $0x1  }
0xb5: {  	[sflag:s29] =	ssyncadd.s32 $0xFFFFFFFF  }
0xb6: {  	_ =	strace $0x90000048  }
0xb7: {  	_ =	sfence  }
0xb8: {  	s30 =	sld [smem:$0x0];
	_ =	sdelay $0x2  }
0xb9: {  	s31 =	sshll.u32 s1, $0xD;
	s1 =	sshrl.u32 s1, $0x2  }
0xba: {  	s3 =	sand.u32 $0x4000, s31;
	s1 =	sadd.s32 s1, s30  }
0xbb: {  	s0 =	sor.u32 s3, s0;
	s1 =	sshll.u32 s1, $0x11  }
0xbc: {  	s0 =	sor.u32 s1, s0  }
0xbd: {  	s0 =	sadd.s32 $0x8F2B, s0  }
0xbe: {  	[sflag:s0] =	ssyncadd.remote.s32 $0x1  }
0xbf: {  	_ =	sfence.sel $0xFFFF  }
0xc0: {  	[dreg:$0x0] =	wrdreg $0xFFFFFFFF;
	(pc) =	sbr.abs _section_cstart, $3  }
0xc1: {  	[dreg:$0x1] =	wrdreg $0xFFFFFFFF  }
0xc2: {  	_ =	task.clear_ibuf [dreg:s6], $0x2FFFF;
	_ =	strace $0x9FFFFFFF  }
0xc3: {  	(tm) =	ssettm $0x7FFFFFFF  }
tec
execute0_lowered:
.L_overlay_start_1:
0x0: {  	(tag) =	ssettag $0x1  }
0x1: {  	s0 =	rddreg [dreg:$0x0]  }
0x2: {  	s1 =	rddreg [dreg:$0x1]  }
0x3: {  	s2 =	rddreg [dreg:$0x2];
	s3 =	simm.s32 $0x0  }
0x4: {  	s4 =	srdreg.scid;
	s19 =	stileid.u32;
	s28 =	simm.s32 $0x400  }
0x5: {  	s29 =	simm.s32 $0x1;
	s30 =	simm.s32 $0x200;
	s31 =	simm.s32 $0x800  }
0x6: {  	[smem:$0x7FF] =	sst s3;
	s4 =	sand.u32 $0x1, s4;
	s5 =	sadd.s32 $0x4600, s0  }
0x7: {  	s9 =	sadd.s32 $0x66600, s0;
	s10 =	sadd.s32 $0xC8600, s0;
	s13 =	smul.u32 $0x1880, s19  }
0x8: {  	s23 =	sadd.s32 $0x12A600, s0;
	s24 =	sshll.u32 s19, $0x6;
	s6 =	smul.u32 $0x31000, s4  }
0x9: {  	_ =	strace $0x80000047;
	s7 =	sshll.u32 s4, $0x4;
	s8 =	smul.u32 $0x3100, s4  }
0xa: {  	s11 =	ssub.s32 $0x2, s4;
	s4 =	smul.u32 $0x188000, s4;
	[dreg:$0xd] =	wrdreg s23  }
0xb: {  	s23 =	sor.u32 $0x1C09, s24;
	s7 =	sor.u32 s19, s7;
	s12 =	sshrl.u32 s11, $0x1  }
0xc: {  	s7 =	smul.u32 $0x18800, s7;
	s6 =	sadd.s32 s6, s0;
	s8 =	sadd.s32 s8, s0  }
0xd: {  	s11 =	ssub.s32 s11, s12;
	s12 =	smul.u32 $0x18800, s19;
	s0 =	sadd.s32 $0x12D800, s0  }
0xe: {  	s22 =	sshrl.u32 s13, $0x3;
	s6 =	sadd.s32 $0x133E00, s6;
	s8 =	sadd.s32 $0x12DC00, s8  }
0xf: {  	[dreg:$0xf] =	wrdreg s0;
	s0 =	simm.s32 $0x600;
	s14 =	sshrl.u32 s7, $0x3  }
0x10: {  	s26 =	sor.u32 $0x200, s7;
	s7 =	sor.u32 $0x400, s7;
	s18 =	sshrl.u32 s12, $0x3  }
0x11: {  	s4 =	sadd.s32 s12, s4;
	s15 =	sadd.s32 s9, s14;
	s25 =	sadd.s32 s10, s14  }
0x12: {  	s7 =	sshrl.u32 s7, $0x3;
	s17 =	sadd.s32 $0x30C0, s14;
	s20 =	sadd.s32 $0x800, s4  }
0x13: {  	s4 =	sor.u32 $0x600, s4;
	s6 =	sadd.s32 s18, s6;
	[dreg:$0x4] =	wrdreg s15  }
0x14: {  	s18 =	simm.s32 $0x0;
	[dreg:$0x5] =	wrdreg s25;
	s15 =	sshrl.u32 s26, $0x3  }
0x15: {  	s14 =	sadd.s32 s9, s17;
	s21 =	sshrl.u32 s20, $0x3;
	s4 =	sshrl.u32 s4, $0x3  }
0x16: {  	[dreg:$0xc] =	wrdreg s6;
	s25 =	sadd.s32 s12, s1;
	s26 =	sadd.s32 s13, s2  }
0x17: {  	s6 =	simm.s32 $0x4800;
	s12 =	simm.s32 $0x6;
	[dreg:$0xa] =	wrdreg s14  }
0x18: {  	s13 =	simm.s32 $0x8;
	s16 =	sadd.s32 s9, s15;
	[dreg:$0x10] =	wrdreg s25  }
0x19: {  	s15 =	sadd.s32 s10, s15;
	s14 =	sadd.s32 s21, s10;
	[dreg:$0x11] =	wrdreg s26  }
0x1a: {  	s25 =	smax.u32 s11, $0x1;
	s26 =	simm.s32 $0x9;
	[dreg:$0x6] =	wrdreg s16  }
0x1b: {  	s11 =	simm.s32 $0x4;
	[dreg:$0x7] =	wrdreg s15;
	s16 =	sadd.s32 s9, s7  }
0x1c: {  	s7 =	sadd.s32 s10, s7;
	s15 =	sadd.s32 s21, s9;
	[dreg:$0x8] =	wrdreg s16  }
0x1d: {  	[dreg:$0x9] =	wrdreg s7;
	s7 =	sadd.s32 s10, s17;
	s16 =	sadd.s32 s4, s10  }
0x1e: {  	s17 =	sadd.s32 s4, s9;
	s4 =	sadd.s32 s22, s8;
	s8 =	simm.s32 $0x2800  }
0x1f: {  	s9 =	simm.s32 $0x5;
	s10 =	simm.s32 $0x7;
	[dreg:$0xb] =	wrdreg s7  }
0x20: {  	v0 =	vimm.f32 $1.000000000e+00;
	[dreg:$0xe] =	wrdreg s4;
	s4 =	simm.s32 $0x3;
	s7 =	simm.s32 $0x2  }
.LBB2_1:
0x21: {  	[tilespmem:$0x4800] =	vst v0  }
0x22: {  	[tilespmem:$0x4810] =	vst v0  }
0x23: {  	[tilespmem:$0x4820] =	vst v0  }
0x24: {  	[tilespmem:$0x4830] =	vst v0  }
0x25: {  	[tilespmem:$0x4840] =	vst v0  }
0x26: {  	[tilespmem:$0x4850] =	vst v0  }
0x27: {  	[tilespmem:$0x4860] =	vst v0  }
0x28: {  	[tilespmem:$0x4870] =	vst v0  }
0x29: {  	[tilespmem:$0x4880] =	vst v0  }
0x2a: {  	[tilespmem:$0x4890] =	vst v0  }
0x2b: {  	[tilespmem:$0x48A0] =	vst v0  }
0x2c: {  	[tilespmem:$0x48B0] =	vst v0  }
0x2d: {  	[tilespmem:$0x48C0] =	vst v0  }
0x2e: {  	[tilespmem:$0x48D0] =	vst v0  }
0x2f: {  	[tilespmem:$0x48E0] =	vst v0  }
0x30: {  	[tilespmem:$0x48F0] =	vst v0  }
0x31: {  	[tilespmem:$0x4900] =	vst v0  }
0x32: {  	[tilespmem:$0x4910] =	vst v0  }
0x33: {  	[tilespmem:$0x4920] =	vst v0  }
0x34: {  	[tilespmem:$0x4930] =	vst v0  }
0x35: {  	[tilespmem:$0x4940] =	vst v0  }
0x36: {  	[tilespmem:$0x4950] =	vst v0  }
0x37: {  	[tilespmem:$0x4960] =	vst v0  }
0x38: {  	[tilespmem:$0x4970] =	vst v0  }
0x39: {  	[tilespmem:$0x4980] =	vst v0  }
0x3a: {  	[tilespmem:$0x4990] =	vst v0  }
0x3b: {  	[tilespmem:$0x49A0] =	vst v0  }
0x3c: {  	[tilespmem:$0x49B0] =	vst v0  }
0x3d: {  	[tilespmem:$0x49C0] =	vst v0  }
0x3e: {  	[tilespmem:$0x49D0] =	vst v0  }
0x3f: {  	[tilespmem:$0x49E0] =	vst v0;
	s19 =	rddreg [dreg:$0x10]  }
0x40: {  	[tilespmem:$0x49F0] =	vst v0;
	s20 =	rddreg [dreg:$0xd];
	s19 =	sshrl.u32 s19, $0x3  }
0x41: {  	[spmem:s19], [sflag:s23] =	dma.local [hbm:s20], $0x3100  }
0x42: {  	_ =	swait.ge [sflag:s26], $0x3100  }
0x43: {  	[sflag:s26] =	ssyncset.done $0x0;
	s21 =	rddreg [dreg:$0x11]  }
0x44: {  	[sflag:s26] =	ssyncadd.s32 $0xFFFFCF00;
	s20 =	sshrl.u32 s21, $0x3;
	s21 =	rddreg [dreg:$0xf]  }
0x45: {  	[spmem:s20], [sflag:s23] =	dma.local [hbm:s21], $0x310  }
0x46: {  	_ =	swait.ge [sflag:s26], $0x310  }
0x47: {  	[sflag:s26] =	ssyncset.done $0x0  }
0x48: {  	[sflag:s26] =	ssyncadd.s32 $0xFFFFFCF0  }
0x49: {  	[bflag:$0x0] =	sbarrier.arrive $0xFFFF  }
0x4a: {  	s22 =	rddreg [dreg:$0x4]  }
0x4b: {  	[tilespmem:s3], [sflag:$0x1] =	stream.linear.gather [hbm4b:s22+s3], $0x200, $0x38;
	[tilespmem:$0x1EA80] =	vst v63  }
0x4c: {  	s24 =	rddreg [dreg:$0x5]  }
0x4d: {  	[tilespmem:s28], [sflag:$0x1] =	stream.linear.gather [hbm4b:s24+s3], $0x200, $0x38;
	[tilespmem:$0x1EA80] =	vst v63  }
0x4e: {  	_ =	swait.ge [sflag:s29], $0x200  }
0x4f: {  	[sflag:s29] =	ssyncset.done $0x0  }
0x50: {  	[sflag:s29] =	ssyncadd.s32 $0xFFFFFE00  }
0x51: {  	_ =	swait.ge [sflag:s29], $0x200  }
0x52: {  	[sflag:s29] =	ssyncset.done $0x0  }
0x53: {  	[sflag:s29] =	ssyncadd.s32 $0xFFFFFE00  }
0x54: {  	[tilespmem:s31], [sflag:$0x3] =	stream.indirect.gather [hbm4b:s5+s30], $0x10, s3, s30, $0xb8;
	[tilespmem:$0x1EA80] =	vst v63  }
0x55: {  	s22 =	rddreg [dreg:$0x6]  }
0x56: {  	[tilespmem:s30], [sflag:$0x2] =	stream.linear.gather [hbm4b:s22+s3], $0x200, $0x38;
	[tilespmem:$0x1EA80] =	vst v63  }
0x57: {  	s24 =	rddreg [dreg:$0x7]  }
0x58: {  	[tilespmem:s0], [sflag:$0x2] =	stream.linear.gather [hbm4b:s24+s3], $0x200, $0x38;
	[tilespmem:$0x1EA80] =	vst v63  }
0x59: {  	_ =	swait.ge [sflag:s4], $0x2000  }
0x5a: {  	[sflag:s4] =	ssyncset.done $0x0  }
0x5b: {  	[sflag:s4] =	ssyncadd.s32 $0xFFFFE000  }
0x5c: {  	[spmem:s1] =	stream.indirect.scatter.add.f32 [tilespmem:s31], [sflag:$0x5], $0x10, s28, s30, $0xb8;
	[tilespmem:$0x1EA80] =	vst v63  }
0x5d: {  	_ = 	snop  }
0x5e: {  	[spmem:s2] =	stream.indirect.scatter.add.f32 [tilespmem:s6], [sflag:$0x7], $0x1, s28, s30, $0xb8;
	[tilespmem:$0x1EA80] =	vst v63  }
0x5f: {  	_ =	swait.ge [sflag:s7], $0x200  }
0x60: {  	[sflag:s7] =	ssyncset.done $0x0  }
0x61: {  	[sflag:s7] =	ssyncadd.s32 $0xFFFFFE00  }
0x62: {  	_ =	swait.ge [sflag:s7], $0x200  }
0x63: {  	[sflag:s7] =	ssyncset.done $0x0  }
0x64: {  	[sflag:s7] =	ssyncadd.s32 $0xFFFFFE00  }
0x65: {  	[tilespmem:s8], [sflag:$0x4] =	stream.indirect.gather [hbm4b:s5+s30], $0x10, s30, s30, $0xb8;
	[tilespmem:$0x1EA80] =	vst v63  }
0x66: {  	_ =	swait.ge [sflag:s9], $0x2000  }
0x67: {  	[sflag:s9] =	ssyncset.done $0x0  }
0x68: {  	[sflag:s9] =	ssyncadd.s32 $0xFFFFE000  }
0x69: {  	_ =	swait.ge [sflag:s10], $0x200  }
0x6a: {  	[sflag:s10] =	ssyncset.done $0x0  }
0x6b: {  	s22 =	rddreg [dreg:$0x8];
	[sflag:s10] =	ssyncadd.s32 $0xFFFFFE00  }
0x6c: {  	[tilespmem:s3], [sflag:$0x1] =	stream.linear.gather [hbm4b:s22+s3], $0x200, $0x38;
	[tilespmem:$0x1EA80] =	vst v63  }
0x6d: {  	s24 =	rddreg [dreg:$0x9]  }
0x6e: {  	[tilespmem:s28], [sflag:$0x1] =	stream.linear.gather [hbm4b:s24+s3], $0x200, $0x38;
	[tilespmem:$0x1EA80] =	vst v63  }
0x6f: {  	_ =	swait.ge [sflag:s11], $0x2000  }
0x70: {  	[sflag:s11] =	ssyncset.done $0x0  }
0x71: {  	[sflag:s11] =	ssyncadd.s32 $0xFFFFE000  }
0x72: {  	[spmem:s1] =	stream.indirect.scatter.add.f32 [tilespmem:s8], [sflag:$0x6], $0x10, s0, s30, $0xb8;
	[tilespmem:$0x1EA80] =	vst v63  }
0x73: {  	_ = 	snop  }
0x74: {  	[spmem:s2] =	stream.indirect.scatter.add.f32 [tilespmem:s6], [sflag:$0x8], $0x1, s0, s30, $0xb8;
	[tilespmem:$0x1EA80] =	vst v63  }
0x75: {  	_ =	swait.ge [sflag:s29], $0x200  }
0x76: {  	[sflag:s29] =	ssyncset.done $0x0  }
0x77: {  	[sflag:s29] =	ssyncadd.s32 $0xFFFFFE00  }
0x78: {  	_ =	swait.ge [sflag:s29], $0x200  }
0x79: {  	[sflag:s29] =	ssyncset.done $0x0  }
0x7a: {  	[sflag:s29] =	ssyncadd.s32 $0xFFFFFE00  }
0x7b: {  	[tilespmem:s31], [sflag:$0x3] =	stream.indirect.gather [hbm4b:s5+s30], $0x10, s3, s30, $0xb8;
	[tilespmem:$0x1EA80] =	vst v63  }
0x7c: {  	_ =	swait.ge [sflag:s12], $0x2000  }
0x7d: {  	[sflag:s12] =	ssyncset.done $0x0  }
0x7e: {  	[sflag:s12] =	ssyncadd.s32 $0xFFFFE000  }
0x7f: {  	_ =	swait.ge [sflag:s13], $0x200  }
0x80: {  	[sflag:s13] =	ssyncset.done $0x0  }
0x81: {  	s22 =	sadd.s32 $0x0, s17;
	[sflag:s13] =	ssyncadd.s32 $0xFFFFFE00  }
0x82: {  	[tilespmem:s30], [sflag:$0x2] =	stream.linear.gather [hbm4b:s22+s3], $0x200, $0x38;
	[tilespmem:$0x1EA80] =	vst v63  }
0x83: {  	s24 =	sadd.s32 $0x0, s16  }
0x84: {  	[tilespmem:s0], [sflag:$0x2] =	stream.linear.gather [hbm4b:s24+s3], $0x200, $0x38;
	[tilespmem:$0x1EA80] =	vst v63  }
0x85: {  	_ =	swait.ge [sflag:s4], $0x2000  }
0x86: {  	[sflag:s4] =	ssyncset.done $0x0  }
0x87: {  	[sflag:s4] =	ssyncadd.s32 $0xFFFFE000  }
0x88: {  	[spmem:s1] =	stream.indirect.scatter.add.f32 [tilespmem:s31], [sflag:$0x5], $0x10, s28, s30, $0xb8;
	[tilespmem:$0x1EA80] =	vst v63  }
0x89: {  	_ = 	snop  }
0x8a: {  	[spmem:s2] =	stream.indirect.scatter.add.f32 [tilespmem:s6], [sflag:$0x7], $0x1, s28, s30, $0xb8;
	[tilespmem:$0x1EA80] =	vst v63  }
0x8b: {  	_ =	swait.ge [sflag:s7], $0x200  }
0x8c: {  	[sflag:s7] =	ssyncset.done $0x0  }
0x8d: {  	[sflag:s7] =	ssyncadd.s32 $0xFFFFFE00  }
0x8e: {  	_ =	swait.ge [sflag:s7], $0x200  }
0x8f: {  	[sflag:s7] =	ssyncset.done $0x0  }
0x90: {  	[sflag:s7] =	ssyncadd.s32 $0xFFFFFE00  }
0x91: {  	[tilespmem:s8], [sflag:$0x4] =	stream.indirect.gather [hbm4b:s5+s30], $0x10, s30, s30, $0xb8;
	[tilespmem:$0x1EA80] =	vst v63  }
0x92: {  	_ =	swait.ge [sflag:s9], $0x2000  }
0x93: {  	[sflag:s9] =	ssyncset.done $0x0  }
0x94: {  	[sflag:s9] =	ssyncadd.s32 $0xFFFFE000  }
0x95: {  	_ =	swait.ge [sflag:s10], $0x200  }
0x96: {  	[sflag:s10] =	ssyncset.done $0x0  }
0x97: {  	s22 =	sadd.s32 $0x0, s15;
	[sflag:s10] =	ssyncadd.s32 $0xFFFFFE00  }
0x98: {  	[tilespmem:s3], [sflag:$0x1] =	stream.linear.gather [hbm4b:s22+s3], $0x200, $0x38;
	[tilespmem:$0x1EA80] =	vst v63  }
0x99: {  	s24 =	sadd.s32 $0x0, s14  }
0x9a: {  	[tilespmem:s28], [sflag:$0x1] =	stream.linear.gather [hbm4b:s24+s3], $0x200, $0x38;
	[tilespmem:$0x1EA80] =	vst v63  }
0x9b: {  	_ =	swait.ge [sflag:s11], $0x2000  }
0x9c: {  	[sflag:s11] =	ssyncset.done $0x0  }
0x9d: {  	s21 =	simm.s32 $0x80;
	[sflag:s11] =	ssyncadd.s32 $0xFFFFE000  }
0x9e: {  	[spmem:s1] =	stream.indirect.scatter.add.f32 [tilespmem:s8], [sflag:$0x6], $0x10, s0, s30, $0xb8;
	[tilespmem:$0x1EA80] =	vst v63  }
.LBB2_2:
0x9f: {  	[spmem:s2] =	stream.indirect.scatter.add.f32 [tilespmem:s6], [sflag:$0x8], $0x1, s0, s30, $0xb8;
	[tilespmem:$0x1EA80] =	vst v63  }
0xa0: {  	s22 =	smov.u32 s21  }
0xa1: {  	p0 =	sne.s32 s21, $0x2F80;
	s21 =	sadd.s32 $0x80, s21;
	_ =	swait.ge [sflag:s29], $0x200  }
0xa2: {  	[sflag:s29] =	ssyncset.done $0x0  }
0xa3: {  	[sflag:s29] =	ssyncadd.s32 $0xFFFFFE00  }
0xa4: {  	_ =	swait.ge [sflag:s29], $0x200  }
0xa5: {  	[sflag:s29] =	ssyncset.done $0x0  }
0xa6: {  	[sflag:s29] =	ssyncadd.s32 $0xFFFFFE00  }
0xa7: {  	[tilespmem:s31], [sflag:$0x3] =	stream.indirect.gather [hbm4b:s5+s30], $0x10, s3, s30, $0xb8;
	[tilespmem:$0x1EA80] =	vst v63  }
0xa8: {  	_ =	swait.ge [sflag:s12], $0x2000  }
0xa9: {  	[sflag:s12] =	ssyncset.done $0x0  }
0xaa: {  	[sflag:s12] =	ssyncadd.s32 $0xFFFFE000  }
0xab: {  	_ =	swait.ge [sflag:s13], $0x200  }
0xac: {  	[sflag:s13] =	ssyncset.done $0x0  }
0xad: {  	s24 =	sadd.s32 s22, s17;
	[sflag:s13] =	ssyncadd.s32 $0xFFFFFE00  }
0xae: {  	[tilespmem:s30], [sflag:$0x2] =	stream.linear.gather [hbm4b:s24+s3], $0x200, $0x38;
	[tilespmem:$0x1EA80] =	vst v63  }
0xaf: {  	s24 =	sadd.s32 s22, s16  }
0xb0: {  	[tilespmem:s0], [sflag:$0x2] =	stream.linear.gather [hbm4b:s24+s3], $0x200, $0x38;
	[tilespmem:$0x1EA80] =	vst v63  }
0xb1: {  	_ =	swait.ge [sflag:s4], $0x2000  }
0xb2: {  	[sflag:s4] =	ssyncset.done $0x0  }
0xb3: {  	[sflag:s4] =	ssyncadd.s32 $0xFFFFE000  }
0xb4: {  	[spmem:s1] =	stream.indirect.scatter.add.f32 [tilespmem:s31], [sflag:$0x5], $0x10, s28, s30, $0xb8;
	[tilespmem:$0x1EA80] =	vst v63  }
0xb5: {  	_ = 	snop  }
0xb6: {  	[spmem:s2] =	stream.indirect.scatter.add.f32 [tilespmem:s6], [sflag:$0x7], $0x1, s28, s30, $0xb8;
	[tilespmem:$0x1EA80] =	vst v63  }
0xb7: {  	_ =	swait.ge [sflag:s7], $0x200  }
0xb8: {  	[sflag:s7] =	ssyncset.done $0x0  }
0xb9: {  	[sflag:s7] =	ssyncadd.s32 $0xFFFFFE00  }
0xba: {  	_ =	swait.ge [sflag:s7], $0x200  }
0xbb: {  	[sflag:s7] =	ssyncset.done $0x0  }
0xbc: {  	[sflag:s7] =	ssyncadd.s32 $0xFFFFFE00  }
0xbd: {  	[tilespmem:s8], [sflag:$0x4] =	stream.indirect.gather [hbm4b:s5+s30], $0x10, s30, s30, $0xb8;
	[tilespmem:$0x1EA80] =	vst v63  }
0xbe: {  	_ =	swait.ge [sflag:s9], $0x2000  }
0xbf: {  	[sflag:s9] =	ssyncset.done $0x0  }
0xc0: {  	[sflag:s9] =	ssyncadd.s32 $0xFFFFE000  }
0xc1: {  	_ =	swait.ge [sflag:s10], $0x200  }
0xc2: {  	[sflag:s10] =	ssyncset.done $0x0  }
0xc3: {  	s24 =	sadd.s32 s22, s15;
	[sflag:s10] =	ssyncadd.s32 $0xFFFFFE00  }
0xc4: {  	[tilespmem:s3], [sflag:$0x1] =	stream.linear.gather [hbm4b:s24+s3], $0x200, $0x38;
	[tilespmem:$0x1EA80] =	vst v63  }
0xc5: {  	s22 =	sadd.s32 s22, s14  }
0xc6: {  	[tilespmem:s28], [sflag:$0x1] =	stream.linear.gather [hbm4b:s22+s3], $0x200, $0x38;
	[tilespmem:$0x1EA80] =	vst v63  }
.Ltmp0:
0xc7: {  	_ = 	snop;
	(pc) =	sbr.rel @p0 .LBB2_2-.Ltmp0, $4  }
0xc8: {  	_ =	swait.ge [sflag:s11], $0x2000  }
0xc9: {  	[sflag:s11] =	ssyncset.done $0x0  }
0xca: {  	[sflag:s11] =	ssyncadd.s32 $0xFFFFE000  }
0xcb: {  	[spmem:s1] =	stream.indirect.scatter.add.f32 [tilespmem:s8], [sflag:$0x6], $0x10, s0, s30, $0xb8;
	[tilespmem:$0x1EA80] =	vst v63  }
0xcc: {  	[spmem:s2] =	stream.indirect.scatter.add.f32 [tilespmem:s6], [sflag:$0x8], $0x1, s0, s30, $0xb8;
	[tilespmem:$0x1EA80] =	vst v63  }
0xcd: {  	_ =	swait.ge [sflag:s29], $0x200  }
0xce: {  	[sflag:s29] =	ssyncset.done $0x0  }
0xcf: {  	[sflag:s29] =	ssyncadd.s32 $0xFFFFFE00  }
0xd0: {  	_ =	swait.ge [sflag:s29], $0x200  }
0xd1: {  	[sflag:s29] =	ssyncset.done $0x0  }
0xd2: {  	[sflag:s29] =	ssyncadd.s32 $0xFFFFFE00  }
0xd3: {  	[tilespmem:s31], [sflag:$0x3] =	stream.indirect.gather [hbm4b:s5+s30], $0x10, s3, s30, $0xb8;
	[tilespmem:$0x1EA80] =	vst v63  }
0xd4: {  	_ =	swait.ge [sflag:s12], $0x2000  }
0xd5: {  	[sflag:s12] =	ssyncset.done $0x0  }
0xd6: {  	[sflag:s12] =	ssyncadd.s32 $0xFFFFE000  }
0xd7: {  	_ =	swait.ge [sflag:s13], $0x200  }
0xd8: {  	[sflag:s13] =	ssyncset.done $0x0  }
0xd9: {  	s21 =	rddreg [dreg:$0xa];
	[sflag:s13] =	ssyncadd.s32 $0xFFFFFE00  }
0xda: {  	[tilespmem:s30], [sflag:$0x2] =	stream.linear.gather [hbm4b:s21+s3], $0x200, $0x38;
	[tilespmem:$0x1EA80] =	vst v63  }
0xdb: {  	s24 =	rddreg [dreg:$0xb]  }
0xdc: {  	[tilespmem:s0], [sflag:$0x2] =	stream.linear.gather [hbm4b:s24+s3], $0x200, $0x38;
	[tilespmem:$0x1EA80] =	vst v63  }
0xdd: {  	_ =	swait.ge [sflag:s4], $0x2000  }
0xde: {  	[sflag:s4] =	ssyncset.done $0x0  }
0xdf: {  	[sflag:s4] =	ssyncadd.s32 $0xFFFFE000  }
0xe0: {  	[spmem:s1] =	stream.indirect.scatter.add.f32 [tilespmem:s31], [sflag:$0x5], $0x10, s28, s30, $0xb8;
	[tilespmem:$0x1EA80] =	vst v63  }
0xe1: {  	_ = 	snop  }
0xe2: {  	[spmem:s2] =	stream.indirect.scatter.add.f32 [tilespmem:s6], [sflag:$0x7], $0x1, s28, s30, $0xb8;
	[tilespmem:$0x1EA80] =	vst v63  }
0xe3: {  	_ =	swait.ge [sflag:s7], $0x200  }
0xe4: {  	[sflag:s7] =	ssyncset.done $0x0  }
0xe5: {  	[sflag:s7] =	ssyncadd.s32 $0xFFFFFE00  }
0xe6: {  	_ =	swait.ge [sflag:s7], $0x200  }
0xe7: {  	[sflag:s7] =	ssyncset.done $0x0  }
0xe8: {  	[sflag:s7] =	ssyncadd.s32 $0xFFFFFE00  }
0xe9: {  	[tilespmem:s8], [sflag:$0x4] =	stream.indirect.gather [hbm4b:s5+s30], $0x10, s30, s30, $0xb8;
	[tilespmem:$0x1EA80] =	vst v63  }
0xea: {  	_ =	swait.ge [sflag:s9], $0x2000  }
0xeb: {  	[sflag:s9] =	ssyncset.done $0x0  }
0xec: {  	[sflag:s9] =	ssyncadd.s32 $0xFFFFE000  }
0xed: {  	_ =	swait.ge [sflag:s10], $0x200  }
0xee: {  	[sflag:s10] =	ssyncset.done $0x0  }
0xef: {  	[sflag:s10] =	ssyncadd.s32 $0xFFFFFE00  }
0xf0: {  	_ =	swait.ge [sflag:s11], $0x2000  }
0xf1: {  	[sflag:s11] =	ssyncset.done $0x0  }
0xf2: {  	[sflag:s11] =	ssyncadd.s32 $0xFFFFE000  }
0xf3: {  	[spmem:s1] =	stream.indirect.scatter.add.f32 [tilespmem:s8], [sflag:$0x6], $0x10, s0, s30, $0xb8;
	[tilespmem:$0x1EA80] =	vst v63  }
0xf4: {  	_ = 	snop  }
0xf5: {  	[spmem:s2] =	stream.indirect.scatter.add.f32 [tilespmem:s6], [sflag:$0x8], $0x1, s0, s30, $0xb8;
	[tilespmem:$0x1EA80] =	vst v63  }
0xf6: {  	_ =	swait.ge [sflag:s12], $0x2000  }
0xf7: {  	[sflag:s12] =	ssyncset.done $0x0  }
0xf8: {  	[sflag:s12] =	ssyncadd.s32 $0xFFFFE000  }
0xf9: {  	_ =	swait.ge [sflag:s13], $0x200  }
0xfa: {  	[sflag:s13] =	ssyncset.done $0x0  }
0xfb: {  	[sflag:s13] =	ssyncadd.s32 $0xFFFFFE00  }
0xfc: {  	[bflag:$0x0] =	sbarrier.arrive $0xFFFF  }
0xfd: {  	s22 =	rddreg [dreg:$0xc]  }
0xfe: {  	[hbm:s22], [sflag:s23] =	dma.local [spmem:s19], $0x3100  }
0xff: {  	s18 =	sadd.s32 $0x1, s18;
	_ =	swait.ge [sflag:s26], $0x3100  }
0x100: {  	p0 =	sne.s32 s18, s25;
	[sflag:s26] =	ssyncset.done $0x0  }
.Ltmp1:
0x101: {  	s24 =	rddreg [dreg:$0xe];
	[sflag:s26] =	ssyncadd.s32 $0xFFFFCF00;
	(pc) =	sbr.rel @p0 .LBB2_1-.Ltmp1, $4  }
0x102: {  	[hbm:s24], [sflag:s23] =	dma.local [spmem:s20], $0x310  }
0x103: {  	_ =	swait.ge [sflag:s26], $0x310  }
0x104: {  	[sflag:s26] =	ssyncset.done $0x0  }
0x105: {  	[sflag:s26] =	ssyncadd.s32 $0xFFFFFCF0  }
0x106: {  	_ =	sfence.sel $0x180000  }
0x107: {  	[bflag:$0x0] =	sbarrier.arrive $0xFFFF  }
0x108: {  	_ =	strace $0x90000047  }
0x109: {  	s0 =	stileid.u32;
	[bflag:$0x2] =	sbarrier.arrive $0xFFFF  }
0x10a: {  	p0 =	sne.s32 s0, $0x0;
	s0 =	rddreg [dreg:$0x3]  }
0x10b: {  	s0 =	sadd.s32 @!p0 $0x100000, s0  }
0x10c: {  	[sflag:s0] =	ssyncadd.tile.s32 @!p0 $0x1;
	_ =	shalt  }
.Lfunc_end2:
_tile_overlayer_lowered:
.L_overlay_start_2:
0x10d: {  	(tag) =	ssettag $0x2  }
0x10e: {  	s0 =	rddreg [dreg:$0x0];
	s2 =	stileid.u32  }
0x10f: {  	s1 =	rddreg [dreg:$0x1];
	p0 =	sne.s32 s2, $0x0  }
0x110: {  	s3 =	rddreg [dreg:$0x2];
	[bflag:$0x3] =	sbarrier.arrive $0xFFFF;
	s2 =	simm.s32 @!p0 $0x1C09  }
0x111: {  	[timem:s3], [sflag:s2] =	dma.local @!p0 [hbm:s0], s1  }
0x112: {  	s0 =	simm.s32 @!p0 $0x9  }
0x113: {  	_ =	swait.ge @!p0 [sflag:s0], s1  }
0x114: {  	s1 =	ssub.s32 @!p0 $0x0, s1;
	[sflag:s0] =	ssyncset.done @!p0 $0x0  }
0x115: {  	[sflag:s0] =	ssyncadd.s32 @!p0 s1  }
0x116: {  	[bflag:$0x3] =	sbarrier.arrive $0xFFFF  }
0x117: {  	_ =	shalt  }

// kernel: kernel.9.cloned.1.call-start
scs
__scs_entry_jumppad:
0x0: {  	(pc) =	sbr.rel $0x88, $3  }
0x1: {  	(tag) =	ssettag $0x0;
	lr =	simm.s32 $0x1  }
0x2: {  	[smem:$0x3F8C] =	sst lr;
	_ =	strace $0xD0000000  }
0x3: {  	_ = 	snop  }
0x4: {  	_ = 	snop  }
0x5: {  	_ = 	snop  }
0x6: {  	_ = 	snop  }
0x7: {  	_ = 	snop  }
__scs_overlays_trampoline_lowered:
0x8: {  	[smem:$0x3F9B] =	sst s0  }
0x9: {  	[smem:$0x3F9C] =	sst s1  }
0xa: {  	[smem:$0x3F9D] =	sst s2  }
0xb: {  	[smem:$0x3F9E] =	sst s3  }
0xc: {  	[smem:$0x3F9F] =	sst s4  }
0xd: {  	[smem:$0x3FA0] =	sst s5  }
0xe: {  	[smem:$0x3FA1] =	sst s6  }
0xf: {  	[smem:$0x3FA2] =	sst s7  }
0x10: {  	[smem:$0x3FA3] =	sst s8  }
0x11: {  	[smem:$0x3FA4] =	sst s9;
	s0 =	simm.s32 @!p0 $0x0  }
0x12: {  	s1 =	sld [smem:$0x3F8A];
	s0 =	simm.s32 @p0 $0x1  }
0x13: {  	[smem:$0x3FA5] =	sst s0;
	s0 =	simm.s32 @!p1 $0x0  }
0x14: {  	s2 =	sld [smem:$0x3F89];
	s0 =	simm.s32 @p1 $0x1  }
0x15: {  	[smem:$0x3FA6] =	sst s0;
	s0 =	simm.s32 @!p2 $0x0  }
0x16: {  	s3 =	sld [smem:$0x3FDB];
	s0 =	simm.s32 @p2 $0x1  }
0x17: {  	s4 =	simm.s32 $0x1BF5;
	[smem:$0x3FA8] =	sst s0  }
0x18: {  	s0 =	sld [smem:$0x3F8B];
	_ =	swait.ge [sflag:s4], $0x0  }
0x19: {  	s7 =	sld [smem:$0x3F8C]  }
0x1a: {  	s8 =	sadd.s32 $0xFFFFE003, lr  }
0x1b: {  	s9 =	sadd.s32 $0xFFFFFEF7, lr;
	s5 =	simm.s32 $0xFFFFFFFF;
	p2 =	slt.u32 s8, $0xFFFFF086  }
0x1c: {  	p1 =	slt.u32 s9, $0xF7A;
	s5 =	simm.s32 @!p2 $0x0  }
0x1d: {  	s5 =	simm.s32 @p1 $0x1;
	p0 =	seq.s32 s7, s2  }
0x1e: {  	s7 =	smul.u32 @!p0 $0xF7A, s2;
	p2 =	seq.s32 @!p0 s5, $0x0  }
0x1f: {  	s9 =	smul.u32 $0xF7A, s1;
	s8 =	simm.s32 @!p0 $0x1BF5;
	p2 =	por !p2, p0  }
0x20: {  	[sflag:s8] =	ssyncset.s32 @!p0 $0xFFFFF086;
	s6 =	sadd.s32 @!p0 s3, s7;
	s7 =	simm.s32 @!p0 $0x108  }
0x21: {  	s3 =	sadd.s32 s3, s9;
	s6 =	sadd.s32 @!p0 $0x88, s6;
	s7 =	simm.s32 @p2 $0x1082  }
0x22: {  	[simem:s7], [sflag:s8] =	dma.local @!p0 [hbm:s6], $0xF7A  }
0x23: {  	s9 =	sor.u32 $0xD0000000, s2;
	s6 =	simm.s32 $0x108;
	_ =	swait.ge @!p0 [sflag:s8], $0x0  }
0x24: {  	s3 =	sadd.s32 $0x88, s3;
	s6 =	simm.s32 @!p1 $0x1082;
	[sflag:s4] =	ssyncset.s32 $0xFFFFF086  }
0x25: {  	[simem:s6], [sflag:s4] =	dma.local [hbm:s3], $0xF7A  }
0x26: {  	[smem:$0x3F8C] =	sst s1;
	(tag) =	ssettag s2;
	_ =	strace s9  }
0x27: {  	s1 =	sld [smem:$0x3F9C]  }
0x28: {  	s2 =	sld [smem:$0x3F9D]  }
0x29: {  	s4 =	sld [smem:$0x3F9F]  }
0x2a: {  	p0 =	seq.s32 s5, $0x0;
	s5 =	sld [smem:$0x3FA0]  }
0x2b: {  	s6 =	sld [smem:$0x3FA1]  }
0x2c: {  	s7 =	sld [smem:$0x3FA2]  }
0x2d: {  	s3 =	simm.s32 $0x108;
	s8 =	sld [smem:$0x3FA3]  }
0x2e: {  	s3 =	simm.s32 @!p0 $0x1082;
	s9 =	sld [smem:$0x3FA4]  }
0x2f: {  	lr =	sadd.s32 s0, s3;
	s0 =	sld [smem:$0x3F9B]  }
0x30: {  	s3 =	sld [smem:$0x3F9E]  }
0x31: {  	[smem:$0x3FA7] =	sst s10  }
0x32: {  	s10 =	sld [smem:$0x3FA5];
	_ =	sdelay $0x3  }
0x33: {  	p0 =	seq.s32 s10, $0x1;
	s10 =	sld [smem:$0x3FA7];
	_ =	sdelay $0x3  }
0x34: {  	[smem:$0x3FA7] =	sst s10  }
0x35: {  	s10 =	sld [smem:$0x3FA6];
	_ =	sdelay $0x3  }
0x36: {  	p1 =	seq.s32 s10, $0x1;
	s10 =	sld [smem:$0x3FA7];
	_ =	sdelay $0x3  }
0x37: {  	[smem:$0x3FA7] =	sst s10  }
0x38: {  	s10 =	sld [smem:$0x3FA8]  }
0x39: {  	_ = 	snop;
	(pc) =	sbr.ind lr, $3  }
0x3a: {  	_ = 	snop  }
0x3b: {  	_ = 	snop  }
0x3c: {  	p2 =	seq.s32 s10, $0x1;
	s10 =	sld [smem:$0x3FA7]  }
0x3d: {  	_ =	shalt  }
0x3e: {  	_ =	shalt  }
0x3f: {  	_ =	shalt  }
0x40: {  	_ =	shalt  }
0x41: {  	_ =	shalt  }
0x42: {  	_ =	shalt  }
0x43: {  	_ =	shalt  }
0x44: {  	_ =	shalt  }
0x45: {  	_ =	shalt  }
0x46: {  	_ =	shalt  }
0x47: {  	_ =	shalt  }
0x48: {  	_ =	shalt  }
0x49: {  	_ =	shalt  }
0x4a: {  	_ =	shalt  }
0x4b: {  	_ =	shalt  }
0x4c: {  	_ =	shalt  }
0x4d: {  	_ =	shalt  }
0x4e: {  	_ =	shalt  }
0x4f: {  	_ =	shalt  }
0x50: {  	_ =	shalt  }
0x51: {  	_ =	shalt  }
0x52: {  	_ =	shalt  }
0x53: {  	_ =	shalt  }
0x54: {  	_ =	shalt  }
0x55: {  	_ =	shalt  }
0x56: {  	_ =	shalt  }
0x57: {  	_ =	shalt  }
0x58: {  	_ =	shalt  }
0x59: {  	_ =	shalt  }
0x5a: {  	_ =	shalt  }
0x5b: {  	_ =	shalt  }
0x5c: {  	_ =	shalt  }
0x5d: {  	_ =	shalt  }
0x5e: {  	_ =	shalt  }
0x5f: {  	_ =	shalt  }
0x60: {  	_ =	shalt  }
0x61: {  	_ =	shalt  }
0x62: {  	_ =	shalt  }
0x63: {  	_ =	shalt  }
0x64: {  	_ =	shalt  }
0x65: {  	_ =	shalt  }
0x66: {  	_ =	shalt  }
0x67: {  	_ =	shalt  }
0x68: {  	_ =	shalt  }
0x69: {  	_ =	shalt  }
0x6a: {  	_ =	shalt  }
0x6b: {  	_ =	shalt  }
0x6c: {  	_ =	shalt  }
0x6d: {  	_ =	shalt  }
0x6e: {  	_ =	shalt  }
0x6f: {  	_ =	shalt  }
0x70: {  	_ =	shalt  }
0x71: {  	_ =	shalt  }
0x72: {  	_ =	shalt  }
0x73: {  	_ =	shalt  }
0x74: {  	_ =	shalt  }
0x75: {  	_ =	shalt  }
0x76: {  	_ =	shalt  }
0x77: {  	_ =	shalt  }
0x78: {  	_ =	shalt  }
0x79: {  	_ =	shalt  }
0x7a: {  	_ =	shalt  }
0x7b: {  	_ =	shalt  }
0x7c: {  	_ =	shalt  }
0x7d: {  	_ =	shalt  }
0x7e: {  	_ =	shalt  }
0x7f: {  	_ =	shalt  }
0x80: {  	_ =	shalt  }
0x81: {  	_ =	shalt  }
0x82: {  	_ =	shalt  }
0x83: {  	_ =	shalt  }
0x84: {  	_ =	shalt  }
0x85: {  	_ =	shalt  }
0x86: {  	_ =	shalt  }
0x87: {  	_ =	shalt  }
.Lfunc_end0:
.L_simem_size_0:
called_computation.1_lowered:
.L_overlay_start_0:
0x88: {  	s2 =	sld [smem:$0x3FD9]  }
0x89: {  	s3 =	sld [smem:$0x3FFE];
	_ =	sdelay $0x1  }
0x8a: {  	s1 =	srdreg.scid  }
0x8b: {  	s0 =	sand.u32 $0x1, s1  }
0x8c: {  	s16 =	sshll.u32 s0, $0xA;
	s2 =	sadd.s32 s3, s2  }
0x8d: {  	s2 =	sadd.s32 s2, s16  }
0x8e: {  	[smem:$0x3FB3] =	sst s2  }
0x8f: {  	_ = 	snop  }
0x90: {  	(tm) =	ssettm $0x1  }
0x91: {  	s17 =	sld [smem:$0x3FFB];
	_ =	sdelay $0x3  }
0x92: {  	_ =	strace s17  }
0x93: {  	s2 =	sld [smem:$0x3FFC];
	_ =	sdelay $0x3  }
0x94: {  	_ =	strace s2  }
0x95: {  	s2 =	sld [smem:$0x3FFD];
	_ =	sdelay $0x3  }
0x96: {  	_ =	strace s2  }
0x97: {  	_ =	strace $0x8FFFFFFF  }
0x98: {  	s18 =	sld [smem:$0x3FDB];
	_ =	sdelay $0x1  }
0x99: {  	s19 =	simm.s32 $_scs_section_size  }
0x9a: {  	s4 =	simm.s32 $_size__tile_overlayer_lowered;
	s5 =	simm.s32 $_tile_overlayer_lowered  }
0x9b: {  	s22 =	simm.s32 $0x1BFF;
	s21 =	sshll.u32 s5, $0x1;
	s2 =	sadd.s32 s19, s18  }
0x9c: {  	s6 =	simm.s32 $0x0;
	s20 =	sshll.u32 s4, $0x1;
	s4 =	sadd.s32 s21, s2  }
0x9d: {  	[timem:s6], [sflag:s22] =	dma.local [hbm:s4], s20  }
0x9e: {  	_ =	swait.ge [sflag:s22], s20  }
0x9f: {  	s3 =	ssub.s32 $0x0, s20;
	[sflag:s22] =	ssyncset.done $0x0  }
0xa0: {  	[sflag:s22] =	ssyncadd.s32 s3;
	_ =	sdelay $0x1  }
0xa1: {  	s23 =	simm.s32 $0x1B8B  }
0xa2: {  	_ =	swait.ge [sflag:s23], $0x1  }
0xa3: {  	[sflag:s23] =	ssyncset.done $0x0  }
0xa4: {  	s25 =	simm.s32 $0x1B8E;
	s24 =	sld [smem:$0x3FFE];
	[sflag:s23] =	ssyncadd.s32 $0xFFFFFFFF  }
0xa5: {  	s26 =	simm.s32 $execute0_lowered;
	[smem:$0x3FD2] =	sst s25  }
0xa6: {  	s4 =	sshll.u32 s26, $0x1;
	_ =	strace $0x80000049;
	[dreg:$0x1] =	wrdreg $0xFFFFFFFF  }
0xa7: {  	s28 =	simm.s32 $_size_execute0_lowered;
	s2 =	sadd.s32 s2, s4;
	[dreg:$0x0] =	wrdreg $0x0  }
0xa8: {  	s4 =	sshll.u32 s28, $0x1;
	[dreg:$0x2] =	wrdreg s2  }
0xa9: {  	[dreg:$0x3] =	wrdreg s4  }
0xaa: {  	[dreg:$0x4] =	wrdreg $0xC0  }
0xab: {  	_ =	task [dreg:s6], $0x5FFFF  }
0xac: {  	[dreg:$0x1] =	wrdreg $0xFFFFFFFF  }
0xad: {  	[dreg:$0x0] =	wrdreg $0x60  }
0xae: {  	[dreg:$0x2] =	wrdreg s24  }
0xaf: {  	[dreg:$0x3] =	wrdreg $0x6E400  }
0xb0: {  	[dreg:$0x4] =	wrdreg $0x9  }
0xb1: {  	_ =	task.clear_ibuf [dreg:s6], $0x5FFFF;
	_ =	strace $0x90000049  }
0xb2: {  	s29 =	simm.s32 $0x9;
	_ =	strace $0x8000004B  }
0xb3: {  	_ =	swait.ge [sflag:s29], $0x1  }
0xb4: {  	[sflag:s29] =	ssyncadd.s32 $0xFFFFFFFF  }
0xb5: {  	_ =	strace $0x9000004B  }
0xb6: {  	_ =	sfence  }
0xb7: {  	s30 =	sld [smem:$0x0];
	_ =	sdelay $0x2  }
0xb8: {  	s31 =	sshll.u32 s1, $0xD;
	s1 =	sshrl.u32 s1, $0x2  }
0xb9: {  	s3 =	sand.u32 $0x4000, s31;
	s1 =	sadd.s32 s1, s30  }
0xba: {  	s0 =	sor.u32 s3, s0;
	s1 =	sshll.u32 s1, $0x11  }
0xbb: {  	s0 =	sor.u32 s1, s0  }
0xbc: {  	s0 =	sadd.s32 $0x8F2B, s0  }
0xbd: {  	[sflag:s0] =	ssyncadd.remote.s32 $0x1  }
0xbe: {  	_ =	sfence.sel $0xFFFF  }
0xbf: {  	[dreg:$0x0] =	wrdreg $0xFFFFFFFF;
	(pc) =	sbr.abs _section_cstart, $3  }
0xc0: {  	[dreg:$0x1] =	wrdreg $0xFFFFFFFF  }
0xc1: {  	_ =	task.clear_ibuf [dreg:s6], $0x2FFFF;
	_ =	strace $0x9FFFFFFF  }
0xc2: {  	(tm) =	ssettm $0x7FFFFFFF  }
0xc3: {  	_ =	shalt  }
tec
execute0_lowered:
.L_overlay_start_1:
0x0: {  	(tag) =	ssettag $0x1  }
0x1: {  	s0 =	rddreg [dreg:$0x0]  }
0x2: {  	s1 =	rddreg [dreg:$0x1]  }
0x3: {  	s2 =	simm.s32 $0x0;
	s5 =	srdreg.scid;
	s10 =	stileid.u32  }
0x4: {  	s28 =	simm.s32 $0x3;
	s29 =	simm.s32 $0x2;
	s30 =	simm.s32 $0x3D40  }
0x5: {  	s31 =	simm.s32 $0x5;
	[smem:$0x7FF] =	sst s2;
	s3 =	sadd.s32 $0x35600, s0  }
0x6: {  	s4 =	sadd.s32 $0x12D800, s0;
	s6 =	sadd.s32 $0x66600, s0;
	s5 =	sand.u32 $0x1, s5  }
0x7: {  	s7 =	sadd.s32 $0xC8600, s0;
	s9 =	sadd.s32 $0x12A600, s0;
	s11 =	smul.u32 $0x18800, s10  }
0x8: {  	s12 =	smul.u32 $0x31000, s10;
	s21 =	sshll.u32 s10, $0x6;
	_ =	strace $0x8000004A  }
0x9: {  	s8 =	smul.u32 $0x31000, s5;
	[dreg:$0x3] =	wrdreg s9;
	s18 =	ssub.s32 $0x2, s5  }
0xa: {  	p0 =	seq.s32 s5, $0x1;
	s19 =	sshrl.u32 s18, $0x1;
	s20 =	sadd.s32 s11, s1  }
0xb: {  	s22 =	sshrl.u32 s12, $0x3;
	s24 =	sor.u32 $0x310, s12;
	s14 =	sor.u32 $0x620, s12  }
0xc: {  	s0 =	sadd.s32 s8, s0;
	s9 =	ssub.s32 s18, s19;
	[dreg:$0x4] =	wrdreg s20  }
0xd: {  	s8 =	sor.u32 $0x1C07, s21;
	s13 =	sadd.s32 s6, s22;
	s23 =	sadd.s32 s7, s22  }
0xe: {  	s26 =	sshrl.u32 s14, $0x3;
	s19 =	smul.u32 $0x6200, s10;
	s5 =	sadd.s32 $0x619E, s22  }
0xf: {  	s20 =	simm.s32 $0x7;
	s21 =	simm.s32 $0x620;
	[dreg:$0x5] =	wrdreg s13  }
0x10: {  	s22 =	simm.s32 $0x1;
	[dreg:$0x6] =	wrdreg s23;
	s0 =	sadd.s32 $0x1C6E00, s0  }
0x11: {  	s13 =	sshrl.u32 s24, $0x3;
	s24 =	sshrl.u32 s11, $0x3;
	s9 =	smax.u32 s9, $0x1  }
0x12: {  	s14 =	sadd.s32 s6, s26;
	s15 =	sadd.s32 s7, s26;
	s16 =	sadd.s32 s6, s5  }
.Ltmp0:
0x13: {  	s17 =	sadd.s32 s7, s5;
	s23 =	simm.s32 $0x310;
	(pc) =	sbr.rel .LBB2_1-.Ltmp0, $4  }
0x14: {  	s26 =	simm.s32 $0x930;
	s5 =	simm.s32 $0x6;
	[dreg:$0x7] =	wrdreg s9  }
0x15: {  	s25 =	sadd.s32 s6, s13;
	s13 =	sadd.s32 s7, s13;
	s18 =	sadd.s32 s19, s7  }
0x16: {  	s19 =	sadd.s32 s19, s6;
	s24 =	sadd.s32 s24, s0;
	s0 =	simm.s32 $0x4  }
0x17: {  	s6 =	simm.s32 $0x0;
	[dreg:$0x8] =	wrdreg s25;
	s25 =	simm.s32 $0xC40  }
.LBB2_7:
0x18: {  	[spmem:s1] =	stream.indirect.scatter.add.f32 [tilespmem:s30], [sflag:$0x6], $0x10, s26, s23, $0xb8;
	[tilespmem:$0x1F640] =	vst v63  }
0x19: {  	_ =	swait.ge [sflag:s22], $0x310  }
0x1a: {  	[sflag:s22] =	ssyncset.done $0x0  }
0x1b: {  	[sflag:s22] =	ssyncadd.s32 $0xFFFFFCF0  }
0x1c: {  	_ =	swait.ge [sflag:s22], $0x310  }
0x1d: {  	[sflag:s22] =	ssyncset.done $0x0  }
0x1e: {  	[sflag:s22] =	ssyncadd.s32 $0xFFFFFCF0  }
0x1f: {  	[tilespmem:s25], [sflag:$0x3] =	stream.indirect.gather [hbm4b:s4+s23], $0x10, s2, s23, $0xb8;
	[tilespmem:$0x1F640] =	vst v63  }
0x20: {  	_ =	swait.ge [sflag:s5], $0x3100  }
0x21: {  	[sflag:s5] =	ssyncset.done $0x0  }
0x22: {  	[sflag:s5] =	ssyncadd.s32 $0xFFFFCF00  }
0x23: {  	[tilespmem:s23], [sflag:$0x2] =	stream.linear.gather [hbm4b:s16+s2], $0x310, $0x38;
	[tilespmem:$0x1F640] =	vst v63  }
0x24: {  	_ = 	snop  }
0x25: {  	[tilespmem:s26], [sflag:$0x2] =	stream.linear.gather [hbm4b:s17+s2], $0x310, $0x38;
	[tilespmem:$0x1F640] =	vst v63  }
0x26: {  	_ =	swait.ge [sflag:s28], $0x3100  }
0x27: {  	[sflag:s28] =	ssyncset.done $0x0  }
0x28: {  	[sflag:s28] =	ssyncadd.s32 $0xFFFFCF00  }
0x29: {  	[spmem:s1] =	stream.indirect.scatter.add.f32 [tilespmem:s25], [sflag:$0x5], $0x10, s21, s23, $0xb8;
	[tilespmem:$0x1F640] =	vst v63  }
0x2a: {  	_ =	swait.ge [sflag:s29], $0x310  }
0x2b: {  	[sflag:s29] =	ssyncset.done $0x0  }
0x2c: {  	[sflag:s29] =	ssyncadd.s32 $0xFFFFFCF0  }
0x2d: {  	_ =	swait.ge [sflag:s29], $0x310  }
0x2e: {  	[sflag:s29] =	ssyncset.done $0x0  }
0x2f: {  	[sflag:s29] =	ssyncadd.s32 $0xFFFFFCF0  }
0x30: {  	[tilespmem:s30], [sflag:$0x4] =	stream.indirect.gather [hbm4b:s4+s23], $0x10, s23, s23, $0xb8;
	[tilespmem:$0x1F640] =	vst v63  }
0x31: {  	_ =	swait.ge [sflag:s31], $0x3100  }
0x32: {  	[sflag:s31] =	ssyncset.done $0x0  }
0x33: {  	[sflag:s31] =	ssyncadd.s32 $0xFFFFCF00  }
0x34: {  	_ =	swait.ge [sflag:s0], $0x3100  }
0x35: {  	[sflag:s0] =	ssyncset.done $0x0  }
0x36: {  	[sflag:s0] =	ssyncadd.s32 $0xFFFFCF00  }
0x37: {  	[spmem:s1] =	stream.indirect.scatter.add.f32 [tilespmem:s30], [sflag:$0x6], $0x10, s26, s23, $0xb8;
	[tilespmem:$0x1F640] =	vst v63  }
.LBB2_8:
0x38: {  	_ =	swait.ge [sflag:s5], $0x3100  }
0x39: {  	[sflag:s5] =	ssyncset.done $0x0  }
0x3a: {  	[sflag:s5] =	ssyncadd.s32 $0xFFFFCF00  }
0x3b: {  	[bflag:$0x0] =	sbarrier.arrive $0xFFFF  }
0x3c: {  	[hbm:s24], [sflag:s8] =	dma.local [spmem:s7], $0x3100  }
0x3d: {  	_ =	swait.ge [sflag:s20], $0x3100  }
0x3e: {  	s6 =	sadd.s32 $0x1, s6;
	s12 =	rddreg [dreg:$0x7]  }
0x3f: {  	p1 =	sne.s32 s6, s12  }
.Ltmp1:
0x40: {  	_ = 	snop;
	(pc) =	sbr.rel @!p1 .LBB2_9-.Ltmp1, $3  }
0x41: {  	_ =	sdelay $0x1  }
0x42: {  	[sflag:s20] =	ssyncset.done $0x0  }
0x43: {  	[sflag:s20] =	ssyncadd.s32 $0xFFFFCF00  }
.LBB2_1:
0x44: {  	s7 =	rddreg [dreg:$0x4]  }
0x45: {  	s9 =	rddreg [dreg:$0x3];
	s7 =	sshrl.u32 s7, $0x3  }
0x46: {  	[spmem:s7], [sflag:s8] =	dma.local [hbm:s9], $0x3100  }
0x47: {  	_ =	swait.ge [sflag:s20], $0x3100  }
0x48: {  	[sflag:s20] =	ssyncset.done $0x0  }
0x49: {  	[sflag:s20] =	ssyncadd.s32 $0xFFFFCF00  }
0x4a: {  	[bflag:$0x0] =	sbarrier.arrive $0xFFFF  }
0x4b: {  	s11 =	rddreg [dreg:$0x5]  }
0x4c: {  	[tilespmem:s2], [sflag:$0x1] =	stream.linear.gather [hbm4b:s11+s2], $0x310, $0x38;
	[tilespmem:$0x1F640] =	vst v63  }
0x4d: {  	s12 =	rddreg [dreg:$0x6]  }
0x4e: {  	[tilespmem:s21], [sflag:$0x1] =	stream.linear.gather [hbm4b:s12+s2], $0x310, $0x38;
	[tilespmem:$0x1F640] =	vst v63  }
0x4f: {  	_ =	swait.ge [sflag:s22], $0x310  }
.Ltmp2:
0x50: {  	[sflag:s22] =	ssyncset.done $0x0;
	(pc) =	sbr.rel @!p0 .LBB2_2-.Ltmp2, $4  }
0x51: {  	[sflag:s22] =	ssyncadd.s32 $0xFFFFFCF0  }
0x52: {  	_ =	swait.ge [sflag:s22], $0x310  }
0x53: {  	[sflag:s22] =	ssyncset.done $0x0  }
0x54: {  	[sflag:s22] =	ssyncadd.s32 $0xFFFFFCF0  }
0x55: {  	[tilespmem:s25], [sflag:$0x3] =	stream.indirect.gather [hbm4b:s4+s23], $0x10, s2, s23, $0xb8;
	[tilespmem:$0x1F640] =	vst v63  }
0x56: {  	s9 =	rddreg [dreg:$0x8]  }
0x57: {  	[tilespmem:s23], [sflag:$0x2] =	stream.linear.gather [hbm4b:s9+s2], $0x310, $0x38;
	[tilespmem:$0x1F640] =	vst v63  }
0x58: {  	_ = 	snop  }
0x59: {  	[tilespmem:s26], [sflag:$0x2] =	stream.linear.gather [hbm4b:s13+s2], $0x310, $0x38;
	[tilespmem:$0x1F640] =	vst v63  }
0x5a: {  	_ =	swait.ge [sflag:s28], $0x3100  }
0x5b: {  	[sflag:s28] =	ssyncset.done $0x0  }
0x5c: {  	[sflag:s28] =	ssyncadd.s32 $0xFFFFCF00  }
0x5d: {  	[spmem:s1] =	stream.indirect.scatter.add.f32 [tilespmem:s25], [sflag:$0x5], $0x10, s21, s23, $0xb8;
	[tilespmem:$0x1F640] =	vst v63  }
0x5e: {  	_ =	swait.ge [sflag:s29], $0x310  }
0x5f: {  	[sflag:s29] =	ssyncset.done $0x0  }
0x60: {  	[sflag:s29] =	ssyncadd.s32 $0xFFFFFCF0  }
0x61: {  	_ =	swait.ge [sflag:s29], $0x310  }
0x62: {  	[sflag:s29] =	ssyncset.done $0x0  }
0x63: {  	[sflag:s29] =	ssyncadd.s32 $0xFFFFFCF0  }
0x64: {  	[tilespmem:s30], [sflag:$0x4] =	stream.indirect.gather [hbm4b:s4+s23], $0x10, s23, s23, $0xb8;
	[tilespmem:$0x1F640] =	vst v63  }
0x65: {  	_ =	swait.ge [sflag:s31], $0x3100  }
0x66: {  	[sflag:s31] =	ssyncset.done $0x0  }
0x67: {  	[sflag:s31] =	ssyncadd.s32 $0xFFFFCF00  }
0x68: {  	[tilespmem:s2], [sflag:$0x1] =	stream.linear.gather [hbm4b:s14+s2], $0x310, $0x38;
	[tilespmem:$0x1F640] =	vst v63  }
0x69: {  	_ = 	snop  }
0x6a: {  	[tilespmem:s21], [sflag:$0x1] =	stream.linear.gather [hbm4b:s15+s2], $0x310, $0x38;
	[tilespmem:$0x1F640] =	vst v63  }
0x6b: {  	_ =	swait.ge [sflag:s0], $0x3100  }
0x6c: {  	[sflag:s0] =	ssyncset.done $0x0  }
0x6d: {  	[sflag:s0] =	ssyncadd.s32 $0xFFFFCF00  }
0x6e: {  	[spmem:s1] =	stream.indirect.scatter.add.f32 [tilespmem:s30], [sflag:$0x6], $0x10, s26, s23, $0xb8;
	[tilespmem:$0x1F640] =	vst v63  }
0x6f: {  	_ =	swait.ge [sflag:s22], $0x310  }
0x70: {  	[sflag:s22] =	ssyncset.done $0x0  }
0x71: {  	[sflag:s22] =	ssyncadd.s32 $0xFFFFFCF0  }
0x72: {  	_ =	swait.ge [sflag:s22], $0x310  }
0x73: {  	[sflag:s22] =	ssyncset.done $0x0  }
0x74: {  	[sflag:s22] =	ssyncadd.s32 $0xFFFFFCF0  }
0x75: {  	[tilespmem:s25], [sflag:$0x3] =	stream.indirect.gather [hbm4b:s4+s23], $0x10, s2, s23, $0xb8;
	[tilespmem:$0x1F640] =	vst v63  }
0x76: {  	_ =	swait.ge [sflag:s5], $0x3100  }
0x77: {  	s9 =	sadd.s32 $0xFFFF9F88, s19;
	[sflag:s5] =	ssyncset.done $0x0  }
0x78: {  	s11 =	sadd.s32 $0xFFFF9F88, s18;
	s10 =	sadd.s32 $0x619E, s9;
	[sflag:s5] =	ssyncadd.s32 $0xFFFFCF00  }
0x79: {  	[tilespmem:s23], [sflag:$0x2] =	stream.linear.gather [hbm4b:s10+s2], $0x310, $0x38;
	[tilespmem:$0x1F640] =	vst v63  }
0x7a: {  	s12 =	sadd.s32 $0x619E, s11  }
0x7b: {  	[tilespmem:s26], [sflag:$0x2] =	stream.linear.gather [hbm4b:s12+s2], $0x310, $0x38;
	[tilespmem:$0x1F640] =	vst v63  }
0x7c: {  	_ =	swait.ge [sflag:s28], $0x3100  }
0x7d: {  	[sflag:s28] =	ssyncset.done $0x0  }
0x7e: {  	[sflag:s28] =	ssyncadd.s32 $0xFFFFCF00  }
0x7f: {  	[spmem:s1] =	stream.indirect.scatter.add.f32 [tilespmem:s25], [sflag:$0x5], $0x10, s21, s23, $0xb8;
	[tilespmem:$0x1F640] =	vst v63  }
0x80: {  	_ =	swait.ge [sflag:s29], $0x310  }
0x81: {  	[sflag:s29] =	ssyncset.done $0x0  }
0x82: {  	[sflag:s29] =	ssyncadd.s32 $0xFFFFFCF0  }
0x83: {  	_ =	swait.ge [sflag:s29], $0x310  }
0x84: {  	[sflag:s29] =	ssyncset.done $0x0  }
0x85: {  	[sflag:s29] =	ssyncadd.s32 $0xFFFFFCF0  }
0x86: {  	[tilespmem:s30], [sflag:$0x4] =	stream.indirect.gather [hbm4b:s4+s23], $0x10, s23, s23, $0xb8;
	[tilespmem:$0x1F640] =	vst v63  }
0x87: {  	_ =	swait.ge [sflag:s31], $0x3100  }
0x88: {  	[sflag:s31] =	ssyncset.done $0x0  }
0x89: {  	s9 =	sadd.s32 $0x6200, s9;
	[sflag:s31] =	ssyncadd.s32 $0xFFFFCF00  }
0x8a: {  	[tilespmem:s2], [sflag:$0x1] =	stream.linear.gather [hbm4b:s9+s2], $0x310, $0x38;
	[tilespmem:$0x1F640] =	vst v63  }
0x8b: {  	s12 =	sadd.s32 $0x6200, s11  }
0x8c: {  	[tilespmem:s21], [sflag:$0x1] =	stream.linear.gather [hbm4b:s12+s2], $0x310, $0x38;
	[tilespmem:$0x1F640] =	vst v63  }
0x8d: {  	_ =	swait.ge [sflag:s0], $0x3100  }
0x8e: {  	[sflag:s0] =	ssyncset.done $0x0  }
0x8f: {  	s9 =	simm.s32 $0xFFFFA04C;
	[sflag:s0] =	ssyncadd.s32 $0xFFFFCF00  }
.LBB2_6:
0x90: {  	[spmem:s1] =	stream.indirect.scatter.add.f32 [tilespmem:s30], [sflag:$0x6], $0x10, s26, s23, $0xb8;
	[tilespmem:$0x1F640] =	vst v63  }
0x91: {  	s10 =	smov.u32 s9  }
0x92: {  	p1 =	sne.s32 s9, $0xFFFFFF3C;
	s9 =	sadd.s32 $0xC4, s9;
	_ =	swait.ge [sflag:s22], $0x310  }
0x93: {  	[sflag:s22] =	ssyncset.done $0x0  }
0x94: {  	[sflag:s22] =	ssyncadd.s32 $0xFFFFFCF0  }
0x95: {  	_ =	swait.ge [sflag:s22], $0x310  }
0x96: {  	[sflag:s22] =	ssyncset.done $0x0  }
0x97: {  	[sflag:s22] =	ssyncadd.s32 $0xFFFFFCF0  }
0x98: {  	[tilespmem:s25], [sflag:$0x3] =	stream.indirect.gather [hbm4b:s4+s23], $0x10, s2, s23, $0xb8;
	[tilespmem:$0x1F640] =	vst v63  }
0x99: {  	_ =	swait.ge [sflag:s5], $0x3100  }
0x9a: {  	s11 =	sadd.s32 s10, s19;
	[sflag:s5] =	ssyncset.done $0x0  }
0x9b: {  	s10 =	sadd.s32 s10, s18;
	s12 =	sadd.s32 $0x619E, s11;
	[sflag:s5] =	ssyncadd.s32 $0xFFFFCF00  }
0x9c: {  	[tilespmem:s23], [sflag:$0x2] =	stream.linear.gather [hbm4b:s12+s2], $0x310, $0x38;
	[tilespmem:$0x1F640] =	vst v63  }
0x9d: {  	s12 =	sadd.s32 $0x619E, s10  }
0x9e: {  	[tilespmem:s26], [sflag:$0x2] =	stream.linear.gather [hbm4b:s12+s2], $0x310, $0x38;
	[tilespmem:$0x1F640] =	vst v63  }
0x9f: {  	_ =	swait.ge [sflag:s28], $0x3100  }
0xa0: {  	[sflag:s28] =	ssyncset.done $0x0  }
0xa1: {  	[sflag:s28] =	ssyncadd.s32 $0xFFFFCF00  }
0xa2: {  	[spmem:s1] =	stream.indirect.scatter.add.f32 [tilespmem:s25], [sflag:$0x5], $0x10, s21, s23, $0xb8;
	[tilespmem:$0x1F640] =	vst v63  }
0xa3: {  	_ =	swait.ge [sflag:s29], $0x310  }
0xa4: {  	[sflag:s29] =	ssyncset.done $0x0  }
0xa5: {  	[sflag:s29] =	ssyncadd.s32 $0xFFFFFCF0  }
0xa6: {  	_ =	swait.ge [sflag:s29], $0x310  }
0xa7: {  	[sflag:s29] =	ssyncset.done $0x0  }
0xa8: {  	[sflag:s29] =	ssyncadd.s32 $0xFFFFFCF0  }
0xa9: {  	[tilespmem:s30], [sflag:$0x4] =	stream.indirect.gather [hbm4b:s4+s23], $0x10, s23, s23, $0xb8;
	[tilespmem:$0x1F640] =	vst v63  }
0xaa: {  	_ =	swait.ge [sflag:s31], $0x3100  }
0xab: {  	[sflag:s31] =	ssyncset.done $0x0  }
0xac: {  	s11 =	sadd.s32 $0x6200, s11;
	[sflag:s31] =	ssyncadd.s32 $0xFFFFCF00  }
0xad: {  	[tilespmem:s2], [sflag:$0x1] =	stream.linear.gather [hbm4b:s11+s2], $0x310, $0x38;
	[tilespmem:$0x1F640] =	vst v63  }
.Ltmp3:
0xae: {  	s10 =	sadd.s32 $0x6200, s10;
	(pc) =	sbr.rel @p1 .LBB2_6-.Ltmp3, $4  }
0xaf: {  	[tilespmem:s21], [sflag:$0x1] =	stream.linear.gather [hbm4b:s10+s2], $0x310, $0x38;
	[tilespmem:$0x1F640] =	vst v63  }
0xb0: {  	_ =	swait.ge [sflag:s0], $0x3100  }
0xb1: {  	[sflag:s0] =	ssyncset.done $0x0  }
0xb2: {  	[sflag:s0] =	ssyncadd.s32 $0xFFFFCF00  }
.Ltmp4:
0xb3: {  	_ = 	snop;
	(pc) =	sbr.rel .LBB2_7-.Ltmp4, $1  }
0xb4: {  	_ =	sdelay $0x3  }
.LBB2_2:
0xb5: {  	[tilespmem:s25], [sflag:$0x3] =	stream.indirect.gather [hbm4b:s3+s23], $0x10, s2, s23, $0xb8;
	[tilespmem:$0x1F640] =	vst v63  }
0xb6: {  	s9 =	rddreg [dreg:$0x8]  }
0xb7: {  	[tilespmem:s23], [sflag:$0x2] =	stream.linear.gather [hbm4b:s9+s2], $0x310, $0x38;
	[tilespmem:$0x1F640] =	vst v63  }
0xb8: {  	_ = 	snop  }
0xb9: {  	[tilespmem:s26], [sflag:$0x2] =	stream.linear.gather [hbm4b:s13+s2], $0x310, $0x38;
	[tilespmem:$0x1F640] =	vst v63  }
0xba: {  	_ =	swait.ge [sflag:s28], $0x3100  }
0xbb: {  	[sflag:s28] =	ssyncset.done $0x0  }
0xbc: {  	[sflag:s28] =	ssyncadd.s32 $0xFFFFCF00  }
0xbd: {  	[spmem:s1] =	stream.indirect.scatter.add.f32 [tilespmem:s25], [sflag:$0x5], $0x10, s21, s23, $0xb8;
	[tilespmem:$0x1F640] =	vst v63  }
0xbe: {  	_ =	swait.ge [sflag:s29], $0x310  }
0xbf: {  	[sflag:s29] =	ssyncset.done $0x0  }
0xc0: {  	[sflag:s29] =	ssyncadd.s32 $0xFFFFFCF0  }
0xc1: {  	_ =	swait.ge [sflag:s29], $0x310  }
0xc2: {  	[sflag:s29] =	ssyncset.done $0x0  }
0xc3: {  	[sflag:s29] =	ssyncadd.s32 $0xFFFFFCF0  }
0xc4: {  	[tilespmem:s30], [sflag:$0x4] =	stream.indirect.gather [hbm4b:s3+s23], $0x10, s23, s23, $0xb8;
	[tilespmem:$0x1F640] =	vst v63  }
0xc5: {  	_ =	swait.ge [sflag:s31], $0x3100  }
0xc6: {  	[sflag:s31] =	ssyncset.done $0x0  }
0xc7: {  	[sflag:s31] =	ssyncadd.s32 $0xFFFFCF00  }
0xc8: {  	[tilespmem:s2], [sflag:$0x1] =	stream.linear.gather [hbm4b:s14+s2], $0x310, $0x38;
	[tilespmem:$0x1F640] =	vst v63  }
0xc9: {  	_ = 	snop  }
0xca: {  	[tilespmem:s21], [sflag:$0x1] =	stream.linear.gather [hbm4b:s15+s2], $0x310, $0x38;
	[tilespmem:$0x1F640] =	vst v63  }
0xcb: {  	_ =	swait.ge [sflag:s0], $0x3100  }
0xcc: {  	[sflag:s0] =	ssyncset.done $0x0  }
0xcd: {  	[sflag:s0] =	ssyncadd.s32 $0xFFFFCF00  }
0xce: {  	[spmem:s1] =	stream.indirect.scatter.add.f32 [tilespmem:s30], [sflag:$0x6], $0x10, s26, s23, $0xb8;
	[tilespmem:$0x1F640] =	vst v63  }
0xcf: {  	_ =	swait.ge [sflag:s22], $0x310  }
0xd0: {  	[sflag:s22] =	ssyncset.done $0x0  }
0xd1: {  	[sflag:s22] =	ssyncadd.s32 $0xFFFFFCF0  }
0xd2: {  	_ =	swait.ge [sflag:s22], $0x310  }
0xd3: {  	[sflag:s22] =	ssyncset.done $0x0  }
0xd4: {  	[sflag:s22] =	ssyncadd.s32 $0xFFFFFCF0  }
0xd5: {  	[tilespmem:s25], [sflag:$0x3] =	stream.indirect.gather [hbm4b:s3+s23], $0x10, s2, s23, $0xb8;
	[tilespmem:$0x1F640] =	vst v63  }
0xd6: {  	_ =	swait.ge [sflag:s5], $0x3100  }
0xd7: {  	s9 =	sadd.s32 $0xFFFF9F88, s19;
	[sflag:s5] =	ssyncset.done $0x0  }
0xd8: {  	s11 =	sadd.s32 $0xFFFF9F88, s18;
	s10 =	sadd.s32 $0x619E, s9;
	[sflag:s5] =	ssyncadd.s32 $0xFFFFCF00  }
0xd9: {  	[tilespmem:s23], [sflag:$0x2] =	stream.linear.gather [hbm4b:s10+s2], $0x310, $0x38;
	[tilespmem:$0x1F640] =	vst v63  }
0xda: {  	s12 =	sadd.s32 $0x619E, s11  }
0xdb: {  	[tilespmem:s26], [sflag:$0x2] =	stream.linear.gather [hbm4b:s12+s2], $0x310, $0x38;
	[tilespmem:$0x1F640] =	vst v63  }
0xdc: {  	_ =	swait.ge [sflag:s28], $0x3100  }
0xdd: {  	[sflag:s28] =	ssyncset.done $0x0  }
0xde: {  	[sflag:s28] =	ssyncadd.s32 $0xFFFFCF00  }
0xdf: {  	[spmem:s1] =	stream.indirect.scatter.add.f32 [tilespmem:s25], [sflag:$0x5], $0x10, s21, s23, $0xb8;
	[tilespmem:$0x1F640] =	vst v63  }
0xe0: {  	_ =	swait.ge [sflag:s29], $0x310  }
0xe1: {  	[sflag:s29] =	ssyncset.done $0x0  }
0xe2: {  	[sflag:s29] =	ssyncadd.s32 $0xFFFFFCF0  }
0xe3: {  	_ =	swait.ge [sflag:s29], $0x310  }
0xe4: {  	[sflag:s29] =	ssyncset.done $0x0  }
0xe5: {  	[sflag:s29] =	ssyncadd.s32 $0xFFFFFCF0  }
0xe6: {  	[tilespmem:s30], [sflag:$0x4] =	stream.indirect.gather [hbm4b:s3+s23], $0x10, s23, s23, $0xb8;
	[tilespmem:$0x1F640] =	vst v63  }
0xe7: {  	_ =	swait.ge [sflag:s31], $0x3100  }
0xe8: {  	[sflag:s31] =	ssyncset.done $0x0  }
0xe9: {  	s9 =	sadd.s32 $0x6200, s9;
	[sflag:s31] =	ssyncadd.s32 $0xFFFFCF00  }
0xea: {  	[tilespmem:s2], [sflag:$0x1] =	stream.linear.gather [hbm4b:s9+s2], $0x310, $0x38;
	[tilespmem:$0x1F640] =	vst v63  }
0xeb: {  	s12 =	sadd.s32 $0x6200, s11  }
0xec: {  	[tilespmem:s21], [sflag:$0x1] =	stream.linear.gather [hbm4b:s12+s2], $0x310, $0x38;
	[tilespmem:$0x1F640] =	vst v63  }
0xed: {  	_ =	swait.ge [sflag:s0], $0x3100  }
0xee: {  	[sflag:s0] =	ssyncset.done $0x0  }
0xef: {  	s9 =	simm.s32 $0xFFFFA04C;
	[sflag:s0] =	ssyncadd.s32 $0xFFFFCF00  }
.LBB2_3:
0xf0: {  	[spmem:s1] =	stream.indirect.scatter.add.f32 [tilespmem:s30], [sflag:$0x6], $0x10, s26, s23, $0xb8;
	[tilespmem:$0x1F640] =	vst v63  }
0xf1: {  	s10 =	smov.u32 s9  }
0xf2: {  	p1 =	seq.s32 s9, $0xFFFFFF3C;
	s9 =	sadd.s32 $0xC4, s9;
	_ =	swait.ge [sflag:s22], $0x310  }
0xf3: {  	[sflag:s22] =	ssyncset.done $0x0  }
0xf4: {  	[sflag:s22] =	ssyncadd.s32 $0xFFFFFCF0  }
0xf5: {  	_ =	swait.ge [sflag:s22], $0x310  }
0xf6: {  	[sflag:s22] =	ssyncset.done $0x0  }
0xf7: {  	[sflag:s22] =	ssyncadd.s32 $0xFFFFFCF0  }
0xf8: {  	[tilespmem:s25], [sflag:$0x3] =	stream.indirect.gather [hbm4b:s3+s23], $0x10, s2, s23, $0xb8;
	[tilespmem:$0x1F640] =	vst v63  }
0xf9: {  	_ =	swait.ge [sflag:s5], $0x3100  }
0xfa: {  	s11 =	sadd.s32 s10, s19;
	[sflag:s5] =	ssyncset.done $0x0  }
0xfb: {  	s10 =	sadd.s32 s10, s18;
	s12 =	sadd.s32 $0x619E, s11;
	[sflag:s5] =	ssyncadd.s32 $0xFFFFCF00  }
0xfc: {  	[tilespmem:s23], [sflag:$0x2] =	stream.linear.gather [hbm4b:s12+s2], $0x310, $0x38;
	[tilespmem:$0x1F640] =	vst v63  }
0xfd: {  	s12 =	sadd.s32 $0x619E, s10  }
0xfe: {  	[tilespmem:s26], [sflag:$0x2] =	stream.linear.gather [hbm4b:s12+s2], $0x310, $0x38;
	[tilespmem:$0x1F640] =	vst v63  }
0xff: {  	_ =	swait.ge [sflag:s28], $0x3100  }
0x100: {  	[sflag:s28] =	ssyncset.done $0x0  }
0x101: {  	[sflag:s28] =	ssyncadd.s32 $0xFFFFCF00  }
0x102: {  	[spmem:s1] =	stream.indirect.scatter.add.f32 [tilespmem:s25], [sflag:$0x5], $0x10, s21, s23, $0xb8;
	[tilespmem:$0x1F640] =	vst v63  }
0x103: {  	_ =	swait.ge [sflag:s29], $0x310  }
0x104: {  	[sflag:s29] =	ssyncset.done $0x0  }
0x105: {  	[sflag:s29] =	ssyncadd.s32 $0xFFFFFCF0  }
0x106: {  	_ =	swait.ge [sflag:s29], $0x310  }
0x107: {  	[sflag:s29] =	ssyncset.done $0x0  }
0x108: {  	[sflag:s29] =	ssyncadd.s32 $0xFFFFFCF0  }
0x109: {  	[tilespmem:s30], [sflag:$0x4] =	stream.indirect.gather [hbm4b:s3+s23], $0x10, s23, s23, $0xb8;
	[tilespmem:$0x1F640] =	vst v63  }
0x10a: {  	_ =	swait.ge [sflag:s31], $0x3100  }
0x10b: {  	[sflag:s31] =	ssyncset.done $0x0  }
0x10c: {  	s11 =	sadd.s32 $0x6200, s11;
	[sflag:s31] =	ssyncadd.s32 $0xFFFFCF00  }
0x10d: {  	[tilespmem:s2], [sflag:$0x1] =	stream.linear.gather [hbm4b:s11+s2], $0x310, $0x38;
	[tilespmem:$0x1F640] =	vst v63  }
.Ltmp5:
0x10e: {  	s10 =	sadd.s32 $0x6200, s10;
	(pc) =	sbr.rel @!p1 .LBB2_3-.Ltmp5, $4  }
0x10f: {  	[tilespmem:s21], [sflag:$0x1] =	stream.linear.gather [hbm4b:s10+s2], $0x310, $0x38;
	[tilespmem:$0x1F640] =	vst v63  }
0x110: {  	_ =	swait.ge [sflag:s0], $0x3100  }
0x111: {  	[sflag:s0] =	ssyncset.done $0x0  }
0x112: {  	[sflag:s0] =	ssyncadd.s32 $0xFFFFCF00  }
0x113: {  	[spmem:s1] =	stream.indirect.scatter.add.f32 [tilespmem:s30], [sflag:$0x6], $0x10, s26, s23, $0xb8;
	[tilespmem:$0x1F640] =	vst v63  }
0x114: {  	_ =	swait.ge [sflag:s22], $0x310  }
0x115: {  	[sflag:s22] =	ssyncset.done $0x0  }
0x116: {  	[sflag:s22] =	ssyncadd.s32 $0xFFFFFCF0  }
0x117: {  	_ =	swait.ge [sflag:s22], $0x310  }
0x118: {  	[sflag:s22] =	ssyncset.done $0x0  }
0x119: {  	[sflag:s22] =	ssyncadd.s32 $0xFFFFFCF0  }
0x11a: {  	[tilespmem:s25], [sflag:$0x3] =	stream.indirect.gather [hbm4b:s3+s23], $0x10, s2, s23, $0xb8;
	[tilespmem:$0x1F640] =	vst v63  }
0x11b: {  	_ =	swait.ge [sflag:s5], $0x3100  }
0x11c: {  	[sflag:s5] =	ssyncset.done $0x0  }
0x11d: {  	[sflag:s5] =	ssyncadd.s32 $0xFFFFCF00  }
0x11e: {  	[tilespmem:s23], [sflag:$0x2] =	stream.linear.gather [hbm4b:s16+s2], $0x310, $0x38;
	[tilespmem:$0x1F640] =	vst v63  }
0x11f: {  	_ = 	snop  }
0x120: {  	[tilespmem:s26], [sflag:$0x2] =	stream.linear.gather [hbm4b:s17+s2], $0x310, $0x38;
	[tilespmem:$0x1F640] =	vst v63  }
0x121: {  	_ =	swait.ge [sflag:s28], $0x3100  }
0x122: {  	[sflag:s28] =	ssyncset.done $0x0  }
0x123: {  	[sflag:s28] =	ssyncadd.s32 $0xFFFFCF00  }
0x124: {  	[spmem:s1] =	stream.indirect.scatter.add.f32 [tilespmem:s25], [sflag:$0x5], $0x10, s21, s23, $0xb8;
	[tilespmem:$0x1F640] =	vst v63  }
0x125: {  	_ =	swait.ge [sflag:s29], $0x310  }
0x126: {  	[sflag:s29] =	ssyncset.done $0x0  }
0x127: {  	[sflag:s29] =	ssyncadd.s32 $0xFFFFFCF0  }
0x128: {  	_ =	swait.ge [sflag:s29], $0x310  }
0x129: {  	[sflag:s29] =	ssyncset.done $0x0  }
0x12a: {  	[sflag:s29] =	ssyncadd.s32 $0xFFFFFCF0  }
0x12b: {  	[tilespmem:s30], [sflag:$0x4] =	stream.indirect.gather [hbm4b:s3+s23], $0x10, s23, s23, $0xb8;
	[tilespmem:$0x1F640] =	vst v63  }
0x12c: {  	_ =	swait.ge [sflag:s31], $0x3100  }
0x12d: {  	[sflag:s31] =	ssyncset.done $0x0  }
.Ltmp6:
0x12e: {  	[sflag:s31] =	ssyncadd.s32 $0xFFFFCF00;
	(pc) =	sbr.rel .LBB2_8-.Ltmp6, $4  }
0x12f: {  	_ =	swait.ge [sflag:s0], $0x3100  }
0x130: {  	[sflag:s0] =	ssyncset.done $0x0  }
0x131: {  	[sflag:s0] =	ssyncadd.s32 $0xFFFFCF00  }
0x132: {  	[spmem:s1] =	stream.indirect.scatter.add.f32 [tilespmem:s30], [sflag:$0x6], $0x10, s26, s23, $0xb8;
	[tilespmem:$0x1F640] =	vst v63  }
.LBB2_9:
0x133: {  	_ =	sfence.sel $0x180000  }
0x134: {  	[bflag:$0x0] =	sbarrier.arrive $0xFFFF  }
0x135: {  	_ =	strace $0x9000004A  }
0x136: {  	s0 =	stileid.u32;
	[bflag:$0x2] =	sbarrier.arrive $0xFFFF  }
0x137: {  	p0 =	sne.s32 s0, $0x0;
	s0 =	rddreg [dreg:$0x2]  }
0x138: {  	s0 =	sadd.s32 @!p0 $0x100000, s0  }
0x139: {  	[sflag:s0] =	ssyncadd.tile.s32 @!p0 $0x1;
	_ =	shalt  }
.Lfunc_end2:
_tile_overlayer_lowered:
.L_overlay_start_2:
0x13a: {  	(tag) =	ssettag $0x2  }
0x13b: {  	s0 =	rddreg [dreg:$0x0];
	s2 =	stileid.u32  }
0x13c: {  	s1 =	rddreg [dreg:$0x1];
	p0 =	sne.s32 s2, $0x0  }
0x13d: {  	s3 =	rddreg [dreg:$0x2];
	[bflag:$0x3] =	sbarrier.arrive $0xFFFF;
	s2 =	simm.s32 @!p0 $0x1C07  }
0x13e: {  	[timem:s3], [sflag:s2] =	dma.local @!p0 [hbm:s0], s1  }
0x13f: {  	s0 =	simm.s32 @!p0 $0x7  }
0x140: {  	_ =	swait.ge @!p0 [sflag:s0], s1  }
0x141: {  	s1 =	ssub.s32 @!p0 $0x0, s1;
	[sflag:s0] =	ssyncset.done @!p0 $0x0  }
0x142: {  	[sflag:s0] =	ssyncadd.s32 @!p0 s1  }
0x143: {  	[bflag:$0x3] =	sbarrier.arrive $0xFFFF  }
0x144: {  	_ =	shalt  }

</sc_bundles>
